<compile_context>
chip_gen: v7x
topology: tpu7x:2x2x1
jax: 0.10.2.dev20260603
libtpu: 0.0.44.dev20260713+nightly
codegen_flags: <defaults>
</compile_context>

<pallas_src>
import functools

import jax
import jax.numpy as jnp
from jax import lax
from jax.experimental import pallas as pl
from jax.experimental.pallas import tpu as pltpu
from jax.experimental.pallas import tpu_sc as plsc

NUM_CORES = 2
NUM_SUBCORES = 16
NUM_WORKERS = NUM_CORES * NUM_SUBCORES
LANES = 16
NSLOTS = 4


@functools.cache
def _make_sc_pool(B, S, D, V):
    assert B % NUM_WORKERS == 0
    bw = B // NUM_WORKERS
    assert bw % NSLOTS == 0
    assert D % LANES == 0
    nc = D // LANES
    chunks = []
    off = 0
    while off < S:
        ln = min(128, S - off)
        chunks.append((off, ln))
        off += ln
    assert all(o % 8 == 0 for o, _ in chunks)
    unroll = 4
    assert S % unroll == 0

    mesh = plsc.VectorSubcoreMesh(core_axis_name="c", subcore_axis_name="s")

    @functools.partial(
        pl.kernel,
        mesh=mesh,
        out_type=jax.ShapeDtypeStruct((B, D), jnp.float32),
        scratch_types=[
            pltpu.VMEM((NSLOTS, S), jnp.int32),
            pltpu.VMEM((NSLOTS, S, D), jnp.float32),
            pltpu.VMEM((bw, D), jnp.float32),
        ]
        + [pltpu.SemaphoreType.DMA] * NSLOTS
        + [pltpu.SemaphoreType.DMA] * NSLOTS,
    )
    def sc_pool(x_hbm, table_hbm, out_hbm, idx_v, buf_v, acc_v, *sems):
        sem_i = sems[:NSLOTS]
        sem_g = sems[NSLOTS:]
        wid = lax.axis_index("s") * NUM_CORES + lax.axis_index("c")
        base = wid * bw

        def issue_idx(g, p):
            pltpu.async_copy(x_hbm.at[base + g], idx_v.at[p], sem_i[p])

        def wait_idx(g, p):
            pltpu.make_async_copy(
                x_hbm.at[base + g], idx_v.at[p], sem_i[p]).wait()

        def issue_gathers(p):
            for o, ln in chunks:
                pltpu.async_copy(
                    table_hbm.at[idx_v.at[p, pl.ds(o, ln)]],
                    buf_v.at[p, pl.ds(o, ln)], sem_g[p])

        def wait_gathers(p):
            for o, ln in chunks:
                pltpu.make_async_copy(
                    table_hbm.at[idx_v.at[p, pl.ds(o, ln)]],
                    buf_v.at[p, pl.ds(o, ln)], sem_g[p]).wait()

        for p in range(NSLOTS):
            issue_idx(p, p)
        for p in range(NSLOTS - 1):
            wait_idx(p, p)
            issue_gathers(p)

        zeros = jnp.zeros((LANES,), jnp.float32)

        def step(g, p):
            wait_gathers(p)
            nxt = g + NSLOTS - 1

            @pl.when(nxt < bw)
            def _():
                wait_idx(nxt, (p + NSLOTS - 1) % NSLOTS)
                issue_gathers((p + NSLOTS - 1) % NSLOTS)

            @pl.when(g + NSLOTS < bw)
            def _():
                issue_idx(g + NSLOTS, p)

            def body(s, accs):
                new = list(accs)
                for u in range(unroll):
                    for c in range(nc):
                        new[c] = new[c] + buf_v[
                            p, s * unroll + u, pl.ds(c * LANES, LANES)]
                return tuple(new)

            accs = lax.fori_loop(0, S // unroll, body, (zeros,) * nc,
                                 unroll=1)
            for c in range(nc):
                acc_v[g, pl.ds(c * LANES, LANES)] = accs[c]

        def outer(i, carry):
            for p in range(NSLOTS):
                step(i * NSLOTS + p, p)
            return carry

        lax.fori_loop(0, bw // NSLOTS, outer, 0)

        pltpu.sync_copy(acc_v, out_hbm.at[pl.ds(base, bw)])

    return sc_pool


@functools.cache
def _make_tc_mlp(B, D, H, O, S):
    inv_s = 1.0 / S

    def mlp(p_ref, w1_ref, b1_ref, w2_ref, b2_ref, o_ref):
        h = lax.dot_general(
            p_ref[...] * inv_s, w1_ref[...], (((1,), (1,)), ((), ())),
            preferred_element_type=jnp.float32,
        )
        h = jnp.maximum(h + b1_ref[...], 0.0)
        o_ref[...] = lax.dot_general(
            h, w2_ref[...], (((1,), (1,)), ((), ())),
            preferred_element_type=jnp.float32,
        ) + b2_ref[...]

    return pl.pallas_call(
        mlp,
        out_shape=jax.ShapeDtypeStruct((B, O), jnp.float32),
    )


def kernel(x, embed, W1, b1, W2, b2):
    B, S = x.shape
    V, D = embed.shape
    H = W1.shape[0]
    O = W2.shape[0]

    pooled_sum = _make_sc_pool(B, S, D, V)(x, embed)
    out = _make_tc_mlp(B, D, H, O, S)(
        pooled_sum, W1, b1.reshape(1, H), W2, b2.reshape(1, O)
    )
    return out

# --- scband reference (transcript-rebuilt; emitter-appended) ---
"""Pipeline reference for scband-fast-text-70308614635913 (READ-ONLY COPY).

The authoritative reference and input builder live on the scoring server;
editing this copy changes nothing except your own understanding.
"""

import jax, jax.numpy as jnp
import numpy as np

VOCAB = 100000
EMBED_DIM = 128
OUTPUT_DIM = 128
HIDDEN = 128
BATCH = 4096
SEQ = 200

def setup_inputs(seed: int = 0) -> dict:
    key = jax.random.key(seed)
    k_x, k_emb, k_w1, k_b1, k_w2, k_b2 = jax.random.split(key, 6)
    x = jax.random.randint(k_x, (BATCH, SEQ), 0, VOCAB, dtype=jnp.int64 if jax.config.jax_enable_x64 else jnp.int32).astype(jnp.int32)
    embed = jax.random.normal(k_emb, (VOCAB + 1, EMBED_DIM), dtype=jnp.float32) * 0.02
    W1 = jax.random.normal(k_w1, (HIDDEN, EMBED_DIM), dtype=jnp.float32) * (1.0 / np.sqrt(EMBED_DIM))
    b1 = jax.random.normal(k_b1, (HIDDEN,), dtype=jnp.float32) * 0.01
    W2 = jax.random.normal(k_w2, (OUTPUT_DIM, HIDDEN), dtype=jnp.float32) * (1.0 / np.sqrt(HIDDEN))
    b2 = jax.random.normal(k_b2, (OUTPUT_DIM,), dtype=jnp.float32) * 0.01
    return {"x": x, "embed": embed, "W1": W1, "b1": b1, "W2": W2, "b2": b2}

def reference(x, embed, W1, b1, W2, b2):
    # embedding lookup (gather)
    e = jnp.take(embed, x, axis=0)            # [B, S, D]
    # mean pooling over sequence dim
    pooled = jnp.mean(e, axis=1)              # [B, D]
    # fc1 + relu
    h = pooled @ W1.T + b1                    # [B, 128]
    h = jax.nn.relu(h)
    # fc2
    out = h @ W2.T + b2                       # [B, OUTPUT_DIM]
    return out

if __name__ == "__main__":
    import jax
    _d = setup_inputs()
    print(jax.jit(kernel)(*tuple(_d.values())))

</pallas_src>

<mosaic_0001>
#map = affine_map<(d0, d1) -> (0, 0)>
module attributes {stable_mosaic.version = 14 : i64} {
  func.func @sc_pool(%arg0: i32, %arg1: i32, %arg2: memref<4096x200xi32, #tpu.memory_space<hbm>>, %arg3: memref<100001x128xf32, #tpu.memory_space<hbm>>, %arg4: memref<4096x128xf32, #tpu.memory_space<hbm>>, %arg5: memref<4x200xi32, #tpu.memory_space<vmem>>, %arg6: memref<4x200x128xf32, #tpu.memory_space<vmem>>, %arg7: memref<128x128xf32, #tpu.memory_space<vmem>>, %arg8: memref<!tpu.dma_semaphore, #tpu.memory_space<semaphore_mem>>, %arg9: memref<!tpu.dma_semaphore, #tpu.memory_space<semaphore_mem>>, %arg10: memref<!tpu.dma_semaphore, #tpu.memory_space<semaphore_mem>>, %arg11: memref<!tpu.dma_semaphore, #tpu.memory_space<semaphore_mem>>, %arg12: memref<!tpu.dma_semaphore, #tpu.memory_space<semaphore_mem>>, %arg13: memref<!tpu.dma_semaphore, #tpu.memory_space<semaphore_mem>>, %arg14: memref<!tpu.dma_semaphore, #tpu.memory_space<semaphore_mem>>, %arg15: memref<!tpu.dma_semaphore, #tpu.memory_space<semaphore_mem>>) attributes {dimension_semantics = [#tpu.dimension_semantics<core_parallel>, #tpu.dimension_semantics<subcore_parallel>], iteration_bounds = array<i64: 2, 16>, scalar_prefetch = 0 : i64, scratch_operands = 11 : i64, tpu.core_type = #tpu.core_type<sc_vector_subcore>, window_params = [{transform_indices = #map}, {transform_indices = #map}, {transform_indices = #map}]} {
    %mul3A = arith.constant 2 : i32
    %mul3A_0 = arith.muli %arg1, %mul3A : i32
    %add3A = arith.addi %mul3A_0, %arg0 : i32
    %mul3A_1 = arith.constant 128 : i32
    %mul3A_2 = arith.muli %add3A, %mul3A_1 : i32
    %add3A_3 = arith.constant 0 : i32
    %add3A_4 = arith.addi %mul3A_2, %add3A_3 : i32
    %dma_start3A = arith.constant 0 : i32
    %dma_start3A_5 = arith.constant 0 : i32
    %dma_start3A_6 = tpu.memref_slice %arg5[%dma_start3A, %dma_start3A_5] : memref<4x200xi32, #tpu.memory_space<vmem>> -> memref<1x200xi32, #tpu.memory_space<vmem>>
    %dma_start3A_7 = tpu.memref_squeeze %dma_start3A_6 : memref<1x200xi32, #tpu.memory_space<vmem>> -> memref<200xi32, #tpu.memory_space<vmem>>
    %dma_start3A_8 = arith.constant 0 : i32
    %dma_start3A_9 = tpu.memref_slice %arg2[%add3A_4, %dma_start3A_8] : memref<4096x200xi32, #tpu.memory_space<hbm>> -> memref<1x200xi32, #tpu.memory_space<hbm>>
    %dma_start3A_10 = tpu.memref_squeeze %dma_start3A_9 : memref<1x200xi32, #tpu.memory_space<hbm>> -> memref<200xi32, #tpu.memory_space<hbm>>
    %dma_start3A_11 = arith.constant 0 : i32
    %dma_start3A_12 = tpu.memref_slice %arg5[%dma_start3A, %dma_start3A_11] : memref<4x200xi32, #tpu.memory_space<vmem>> -> memref<1x200xi32, #tpu.memory_space<vmem>>
    %dma_start3A_13 = tpu.memref_squeeze %dma_start3A_12 : memref<1x200xi32, #tpu.memory_space<vmem>> -> memref<200xi32, #tpu.memory_space<vmem>>
    %dma_start3A_14 = arith.constant 0 : i32
    %dma_start3A_15 = tpu.memref_slice %arg2[%add3A_4, %dma_start3A_14] : memref<4096x200xi32, #tpu.memory_space<hbm>> -> memref<1x200xi32, #tpu.memory_space<hbm>>
    %dma_start3A_16 = tpu.memref_squeeze %dma_start3A_15 : memref<1x200xi32, #tpu.memory_space<hbm>> -> memref<200xi32, #tpu.memory_space<hbm>>
    tpu.enqueue_dma source(%dma_start3A_16 : memref<200xi32, #tpu.memory_space<hbm>>) target(%dma_start3A_13 : memref<200xi32, #tpu.memory_space<vmem>>) target_semaphore(%arg8 : memref<!tpu.dma_semaphore, #tpu.memory_space<semaphore_mem>>)
    %add3A_17 = arith.constant 1 : i32
    %add3A_18 = arith.addi %mul3A_2, %add3A_17 : i32
    %dma_start3A_19 = arith.constant 1 : i32
    %dma_start3A_20 = arith.constant 0 : i32
    %dma_start3A_21 = tpu.memref_slice %arg5[%dma_start3A_19, %dma_start3A_20] : memref<4x200xi32, #tpu.memory_space<vmem>> -> memref<1x200xi32, #tpu.memory_space<vmem>>
    %dma_start3A_22 = tpu.memref_squeeze %dma_start3A_21 : memref<1x200xi32, #tpu.memory_space<vmem>> -> memref<200xi32, #tpu.memory_space<vmem>>
    %dma_start3A_23 = arith.constant 0 : i32
    %dma_start3A_24 = tpu.memref_slice %arg2[%add3A_18, %dma_start3A_23] : memref<4096x200xi32, #tpu.memory_space<hbm>> -> memref<1x200xi32, #tpu.memory_space<hbm>>
    %dma_start3A_25 = tpu.memref_squeeze %dma_start3A_24 : memref<1x200xi32, #tpu.memory_space<hbm>> -> memref<200xi32, #tpu.memory_space<hbm>>
    %dma_start3A_26 = arith.constant 0 : i32
    %dma_start3A_27 = tpu.memref_slice %arg5[%dma_start3A_19, %dma_start3A_26] : memref<4x200xi32, #tpu.memory_space<vmem>> -> memref<1x200xi32, #tpu.memory_space<vmem>>
    %dma_start3A_28 = tpu.memref_squeeze %dma_start3A_27 : memref<1x200xi32, #tpu.memory_space<vmem>> -> memref<200xi32, #tpu.memory_space<vmem>>
    %dma_start3A_29 = arith.constant 0 : i32
    %dma_start3A_30 = tpu.memref_slice %arg2[%add3A_18, %dma_start3A_29] : memref<4096x200xi32, #tpu.memory_space<hbm>> -> memref<1x200xi32, #tpu.memory_space<hbm>>
    %dma_start3A_31 = tpu.memref_squeeze %dma_start3A_30 : memref<1x200xi32, #tpu.memory_space<hbm>> -> memref<200xi32, #tpu.memory_space<hbm>>
    tpu.enqueue_dma source(%dma_start3A_31 : memref<200xi32, #tpu.memory_space<hbm>>) target(%dma_start3A_28 : memref<200xi32, #tpu.memory_space<vmem>>) target_semaphore(%arg9 : memref<!tpu.dma_semaphore, #tpu.memory_space<semaphore_mem>>)
    %add3A_32 = arith.constant 2 : i32
    %add3A_33 = arith.addi %mul3A_2, %add3A_32 : i32
    %dma_start3A_34 = arith.constant 2 : i32
    %dma_start3A_35 = arith.constant 0 : i32
    %dma_start3A_36 = tpu.memref_slice %arg5[%dma_start3A_34, %dma_start3A_35] : memref<4x200xi32, #tpu.memory_space<vmem>> -> memref<1x200xi32, #tpu.memory_space<vmem>>
    %dma_start3A_37 = tpu.memref_squeeze %dma_start3A_36 : memref<1x200xi32, #tpu.memory_space<vmem>> -> memref<200xi32, #tpu.memory_space<vmem>>
    %dma_start3A_38 = arith.constant 0 : i32
    %dma_start3A_39 = tpu.memref_slice %arg2[%add3A_33, %dma_start3A_38] : memref<4096x200xi32, #tpu.memory_space<hbm>> -> memref<1x200xi32, #tpu.memory_space<hbm>>
    %dma_start3A_40 = tpu.memref_squeeze %dma_start3A_39 : memref<1x200xi32, #tpu.memory_space<hbm>> -> memref<200xi32, #tpu.memory_space<hbm>>
    %dma_start3A_41 = arith.constant 0 : i32
    %dma_start3A_42 = tpu.memref_slice %arg5[%dma_start3A_34, %dma_start3A_41] : memref<4x200xi32, #tpu.memory_space<vmem>> -> memref<1x200xi32, #tpu.memory_space<vmem>>
    %dma_start3A_43 = tpu.memref_squeeze %dma_start3A_42 : memref<1x200xi32, #tpu.memory_space<vmem>> -> memref<200xi32, #tpu.memory_space<vmem>>
    %dma_start3A_44 = arith.constant 0 : i32
    %dma_start3A_45 = tpu.memref_slice %arg2[%add3A_33, %dma_start3A_44] : memref<4096x200xi32, #tpu.memory_space<hbm>> -> memref<1x200xi32, #tpu.memory_space<hbm>>
    %dma_start3A_46 = tpu.memref_squeeze %dma_start3A_45 : memref<1x200xi32, #tpu.memory_space<hbm>> -> memref<200xi32, #tpu.memory_space<hbm>>
    tpu.enqueue_dma source(%dma_start3A_46 : memref<200xi32, #tpu.memory_space<hbm>>) target(%dma_start3A_43 : memref<200xi32, #tpu.memory_space<vmem>>) target_semaphore(%arg10 : memref<!tpu.dma_semaphore, #tpu.memory_space<semaphore_mem>>)
    %add3A_47 = arith.constant 3 : i32
    %add3A_48 = arith.addi %mul3A_2, %add3A_47 : i32
    %dma_start3A_49 = arith.constant 3 : i32
    %dma_start3A_50 = arith.constant 0 : i32
    %dma_start3A_51 = tpu.memref_slice %arg5[%dma_start3A_49, %dma_start3A_50] : memref<4x200xi32, #tpu.memory_space<vmem>> -> memref<1x200xi32, #tpu.memory_space<vmem>>
    %dma_start3A_52 = tpu.memref_squeeze %dma_start3A_51 : memref<1x200xi32, #tpu.memory_space<vmem>> -> memref<200xi32, #tpu.memory_space<vmem>>
    %dma_start3A_53 = arith.constant 0 : i32
    %dma_start3A_54 = tpu.memref_slice %arg2[%add3A_48, %dma_start3A_53] : memref<4096x200xi32, #tpu.memory_space<hbm>> -> memref<1x200xi32, #tpu.memory_space<hbm>>
    %dma_start3A_55 = tpu.memref_squeeze %dma_start3A_54 : memref<1x200xi32, #tpu.memory_space<hbm>> -> memref<200xi32, #tpu.memory_space<hbm>>
    %dma_start3A_56 = arith.constant 0 : i32
    %dma_start3A_57 = tpu.memref_slice %arg5[%dma_start3A_49, %dma_start3A_56] : memref<4x200xi32, #tpu.memory_space<vmem>> -> memref<1x200xi32, #tpu.memory_space<vmem>>
    %dma_start3A_58 = tpu.memref_squeeze %dma_start3A_57 : memref<1x200xi32, #tpu.memory_space<vmem>> -> memref<200xi32, #tpu.memory_space<vmem>>
    %dma_start3A_59 = arith.constant 0 : i32
    %dma_start3A_60 = tpu.memref_slice %arg2[%add3A_48, %dma_start3A_59] : memref<4096x200xi32, #tpu.memory_space<hbm>> -> memref<1x200xi32, #tpu.memory_space<hbm>>
    %dma_start3A_61 = tpu.memref_squeeze %dma_start3A_60 : memref<1x200xi32, #tpu.memory_space<hbm>> -> memref<200xi32, #tpu.memory_space<hbm>>
    tpu.enqueue_dma source(%dma_start3A_61 : memref<200xi32, #tpu.memory_space<hbm>>) target(%dma_start3A_58 : memref<200xi32, #tpu.memory_space<vmem>>) target_semaphore(%arg11 : memref<!tpu.dma_semaphore, #tpu.memory_space<semaphore_mem>>)
    %add3A_62 = arith.constant 0 : i32
    %add3A_63 = arith.addi %mul3A_2, %add3A_62 : i32
    %dma_wait3A = arith.constant 0 : i32
    %dma_wait3A_64 = arith.constant 0 : i32
    %dma_wait3A_65 = tpu.memref_slice %arg5[%dma_wait3A, %dma_wait3A_64] : memref<4x200xi32, #tpu.memory_space<vmem>> -> memref<1x200xi32, #tpu.memory_space<vmem>>
    %dma_wait3A_66 = tpu.memref_squeeze %dma_wait3A_65 : memref<1x200xi32, #tpu.memory_space<vmem>> -> memref<200xi32, #tpu.memory_space<vmem>>
    %dma_wait3A_67 = arith.constant 0 : i32
    %dma_wait3A_68 = tpu.memref_slice %arg2[%add3A_63, %dma_wait3A_67] : memref<4096x200xi32, #tpu.memory_space<hbm>> -> memref<1x200xi32, #tpu.memory_space<hbm>>
    %dma_wait3A_69 = tpu.memref_squeeze %dma_wait3A_68 : memref<1x200xi32, #tpu.memory_space<hbm>> -> memref<200xi32, #tpu.memory_space<hbm>>
    %dma_wait3A_70 = arith.constant 0 : i32
    %dma_wait3A_71 = tpu.memref_slice %arg5[%dma_wait3A, %dma_wait3A_70] : memref<4x200xi32, #tpu.memory_space<vmem>> -> memref<1x200xi32, #tpu.memory_space<vmem>>
    %dma_wait3A_72 = tpu.memref_squeeze %dma_wait3A_71 : memref<1x200xi32, #tpu.memory_space<vmem>> -> memref<200xi32, #tpu.memory_space<vmem>>
    %dma_wait3A_73 = arith.constant 0 : i32
    %dma_wait3A_74 = tpu.memref_slice %arg2[%add3A_63, %dma_wait3A_73] : memref<4096x200xi32, #tpu.memory_space<hbm>> -> memref<1x200xi32, #tpu.memory_space<hbm>>
    %dma_wait3A_75 = tpu.memref_squeeze %dma_wait3A_74 : memref<1x200xi32, #tpu.memory_space<hbm>> -> memref<200xi32, #tpu.memory_space<hbm>>
    tpu.wait_dma2 semaphore(%arg8 : memref<!tpu.dma_semaphore, #tpu.memory_space<semaphore_mem>>) src(%dma_wait3A_75 : memref<200xi32, #tpu.memory_space<hbm>>) dst(%dma_wait3A_72 : memref<200xi32, #tpu.memory_space<vmem>>)
    %dma_start3A_76 = arith.constant 0 : i32
    %dma_start3A_77 = arith.constant 0 : i32
    %dma_start3A_78 = arith.constant 0 : i32
    %dma_start3A_79 = arith.constant 0 : i32
    %dma_start3A_80 = tpu.memref_slice %arg6[%dma_start3A_77, %dma_start3A_78, %dma_start3A_79] : memref<4x200x128xf32, #tpu.memory_space<vmem>> -> memref<1x128x128xf32, #tpu.memory_space<vmem>>
    %dma_start3A_81 = tpu.memref_squeeze %dma_start3A_80 : memref<1x128x128xf32, #tpu.memory_space<vmem>> -> memref<128x128xf32, #tpu.memory_space<vmem>>
    %dma_start3A_82 = arith.constant 0 : i32
    %dma_start3A_83 = tpu.memref_slice %arg5[%dma_start3A_76, %dma_start3A_82] : memref<4x200xi32, #tpu.memory_space<vmem>> -> memref<1x128xi32, #tpu.memory_space<vmem>>
    %dma_start3A_84 = tpu.memref_squeeze %dma_start3A_83 : memref<1x128xi32, #tpu.memory_space<vmem>> -> memref<128xi32, #tpu.memory_space<vmem>>
    %dma_start3A_85 = arith.constant 0 : i32
    %dma_start3A_86 = arith.constant 0 : i32
    %dma_start3A_87 = tpu.memref_slice %arg3[%dma_start3A_85, %dma_start3A_86] : memref<100001x128xf32, #tpu.memory_space<hbm>> -> memref<100001x128xf32, #tpu.memory_space<hbm>>
    tpu.enqueue_indirect_dma source(%dma_start3A_87 : memref<100001x128xf32, #tpu.memory_space<hbm>>) target(%dma_start3A_81 : memref<128x128xf32, #tpu.memory_space<vmem>>) offsets(%dma_start3A_84 : memref<128xi32, #tpu.memory_space<vmem>>) semaphore(%arg12 : memref<!tpu.dma_semaphore, #tpu.memory_space<semaphore_mem>>)
    %dma_start3A_88 = arith.constant 0 : i32
    %dma_start3A_89 = arith.constant 0 : i32
    %dma_start3A_90 = arith.constant 128 : i32
    %dma_start3A_91 = arith.constant 0 : i32
    %dma_start3A_92 = tpu.memref_slice %arg6[%dma_start3A_89, %dma_start3A_90, %dma_start3A_91] : memref<4x200x128xf32, #tpu.memory_space<vmem>> -> memref<1x72x128xf32, #tpu.memory_space<vmem>>
    %dma_start3A_93 = tpu.memref_squeeze %dma_start3A_92 : memref<1x72x128xf32, #tpu.memory_space<vmem>> -> memref<72x128xf32, #tpu.memory_space<vmem>>
    %dma_start3A_94 = arith.constant 128 : i32
    %dma_start3A_95 = tpu.memref_slice %arg5[%dma_start3A_88, %dma_start3A_94] : memref<4x200xi32, #tpu.memory_space<vmem>> -> memref<1x72xi32, #tpu.memory_space<vmem>>
    %dma_start3A_96 = tpu.memref_squeeze %dma_start3A_95 : memref<1x72xi32, #tpu.memory_space<vmem>> -> memref<72xi32, #tpu.memory_space<vmem>>
    %dma_start3A_97 = arith.constant 0 : i32
    %dma_start3A_98 = arith.constant 0 : i32
    %dma_start3A_99 = tpu.memref_slice %arg3[%dma_start3A_97, %dma_start3A_98] : memref<100001x128xf32, #tpu.memory_space<hbm>> -> memref<100001x128xf32, #tpu.memory_space<hbm>>
    tpu.enqueue_indirect_dma source(%dma_start3A_99 : memref<100001x128xf32, #tpu.memory_space<hbm>>) target(%dma_start3A_93 : memref<72x128xf32, #tpu.memory_space<vmem>>) offsets(%dma_start3A_96 : memref<72xi32, #tpu.memory_space<vmem>>) semaphore(%arg12 : memref<!tpu.dma_semaphore, #tpu.memory_space<semaphore_mem>>)
    %add3A_100 = arith.constant 1 : i32
    %add3A_101 = arith.addi %mul3A_2, %add3A_100 : i32
    %dma_wait3A_102 = arith.constant 1 : i32
    %dma_wait3A_103 = arith.constant 0 : i32
    %dma_wait3A_104 = tpu.memref_slice %arg5[%dma_wait3A_102, %dma_wait3A_103] : memref<4x200xi32, #tpu.memory_space<vmem>> -> memref<1x200xi32, #tpu.memory_space<vmem>>
    %dma_wait3A_105 = tpu.memref_squeeze %dma_wait3A_104 : memref<1x200xi32, #tpu.memory_space<vmem>> -> memref<200xi32, #tpu.memory_space<vmem>>
    %dma_wait3A_106 = arith.constant 0 : i32
    %dma_wait3A_107 = tpu.memref_slice %arg2[%add3A_101, %dma_wait3A_106] : memref<4096x200xi32, #tpu.memory_space<hbm>> -> memref<1x200xi32, #tpu.memory_space<hbm>>
    %dma_wait3A_108 = tpu.memref_squeeze %dma_wait3A_107 : memref<1x200xi32, #tpu.memory_space<hbm>> -> memref<200xi32, #tpu.memory_space<hbm>>
    %dma_wait3A_109 = arith.constant 0 : i32
    %dma_wait3A_110 = tpu.memref_slice %arg5[%dma_wait3A_102, %dma_wait3A_109] : memref<4x200xi32, #tpu.memory_space<vmem>> -> memref<1x200xi32, #tpu.memory_space<vmem>>
    %dma_wait3A_111 = tpu.memref_squeeze %dma_wait3A_110 : memref<1x200xi32, #tpu.memory_space<vmem>> -> memref<200xi32, #tpu.memory_space<vmem>>
    %dma_wait3A_112 = arith.constant 0 : i32
    %dma_wait3A_113 = tpu.memref_slice %arg2[%add3A_101, %dma_wait3A_112] : memref<4096x200xi32, #tpu.memory_space<hbm>> -> memref<1x200xi32, #tpu.memory_space<hbm>>
    %dma_wait3A_114 = tpu.memref_squeeze %dma_wait3A_113 : memref<1x200xi32, #tpu.memory_space<hbm>> -> memref<200xi32, #tpu.memory_space<hbm>>
    tpu.wait_dma2 semaphore(%arg9 : memref<!tpu.dma_semaphore, #tpu.memory_space<semaphore_mem>>) src(%dma_wait3A_114 : memref<200xi32, #tpu.memory_space<hbm>>) dst(%dma_wait3A_111 : memref<200xi32, #tpu.memory_space<vmem>>)
    %dma_start3A_115 = arith.constant 1 : i32
    %dma_start3A_116 = arith.constant 1 : i32
    %dma_start3A_117 = arith.constant 0 : i32
    %dma_start3A_118 = arith.constant 0 : i32
    %dma_start3A_119 = tpu.memref_slice %arg6[%dma_start3A_116, %dma_start3A_117, %dma_start3A_118] : memref<4x200x128xf32, #tpu.memory_space<vmem>> -> memref<1x128x128xf32, #tpu.memory_space<vmem>>
    %dma_start3A_120 = tpu.memref_squeeze %dma_start3A_119 : memref<1x128x128xf32, #tpu.memory_space<vmem>> -> memref<128x128xf32, #tpu.memory_space<vmem>>
    %dma_start3A_121 = arith.constant 0 : i32
    %dma_start3A_122 = tpu.memref_slice %arg5[%dma_start3A_115, %dma_start3A_121] : memref<4x200xi32, #tpu.memory_space<vmem>> -> memref<1x128xi32, #tpu.memory_space<vmem>>
    %dma_start3A_123 = tpu.memref_squeeze %dma_start3A_122 : memref<1x128xi32, #tpu.memory_space<vmem>> -> memref<128xi32, #tpu.memory_space<vmem>>
    %dma_start3A_124 = arith.constant 0 : i32
    %dma_start3A_125 = arith.constant 0 : i32
    %dma_start3A_126 = tpu.memref_slice %arg3[%dma_start3A_124, %dma_start3A_125] : memref<100001x128xf32, #tpu.memory_space<hbm>> -> memref<100001x128xf32, #tpu.memory_space<hbm>>
    tpu.enqueue_indirect_dma source(%dma_start3A_126 : memref<100001x128xf32, #tpu.memory_space<hbm>>) target(%dma_start3A_120 : memref<128x128xf32, #tpu.memory_space<vmem>>) offsets(%dma_start3A_123 : memref<128xi32, #tpu.memory_space<vmem>>) semaphore(%arg13 : memref<!tpu.dma_semaphore, #tpu.memory_space<semaphore_mem>>)
    %dma_start3A_127 = arith.constant 1 : i32
    %dma_start3A_128 = arith.constant 1 : i32
    %dma_start3A_129 = arith.constant 128 : i32
    %dma_start3A_130 = arith.constant 0 : i32
    %dma_start3A_131 = tpu.memref_slice %arg6[%dma_start3A_128, %dma_start3A_129, %dma_start3A_130] : memref<4x200x128xf32, #tpu.memory_space<vmem>> -> memref<1x72x128xf32, #tpu.memory_space<vmem>>
    %dma_start3A_132 = tpu.memref_squeeze %dma_start3A_131 : memref<1x72x128xf32, #tpu.memory_space<vmem>> -> memref<72x128xf32, #tpu.memory_space<vmem>>
    %dma_start3A_133 = arith.constant 128 : i32
    %dma_start3A_134 = tpu.memref_slice %arg5[%dma_start3A_127, %dma_start3A_133] : memref<4x200xi32, #tpu.memory_space<vmem>> -> memref<1x72xi32, #tpu.memory_space<vmem>>
    %dma_start3A_135 = tpu.memref_squeeze %dma_start3A_134 : memref<1x72xi32, #tpu.memory_space<vmem>> -> memref<72xi32, #tpu.memory_space<vmem>>
    %dma_start3A_136 = arith.constant 0 : i32
    %dma_start3A_137 = arith.constant 0 : i32
    %dma_start3A_138 = tpu.memref_slice %arg3[%dma_start3A_136, %dma_start3A_137] : memref<100001x128xf32, #tpu.memory_space<hbm>> -> memref<100001x128xf32, #tpu.memory_space<hbm>>
    tpu.enqueue_indirect_dma source(%dma_start3A_138 : memref<100001x128xf32, #tpu.memory_space<hbm>>) target(%dma_start3A_132 : memref<72x128xf32, #tpu.memory_space<vmem>>) offsets(%dma_start3A_135 : memref<72xi32, #tpu.memory_space<vmem>>) semaphore(%arg13 : memref<!tpu.dma_semaphore, #tpu.memory_space<semaphore_mem>>)
    %add3A_139 = arith.constant 2 : i32
    %add3A_140 = arith.addi %mul3A_2, %add3A_139 : i32
    %dma_wait3A_141 = arith.constant 2 : i32
    %dma_wait3A_142 = arith.constant 0 : i32
    %dma_wait3A_143 = tpu.memref_slice %arg5[%dma_wait3A_141, %dma_wait3A_142] : memref<4x200xi32, #tpu.memory_space<vmem>> -> memref<1x200xi32, #tpu.memory_space<vmem>>
    %dma_wait3A_144 = tpu.memref_squeeze %dma_wait3A_143 : memref<1x200xi32, #tpu.memory_space<vmem>> -> memref<200xi32, #tpu.memory_space<vmem>>
    %dma_wait3A_145 = arith.constant 0 : i32
    %dma_wait3A_146 = tpu.memref_slice %arg2[%add3A_140, %dma_wait3A_145] : memref<4096x200xi32, #tpu.memory_space<hbm>> -> memref<1x200xi32, #tpu.memory_space<hbm>>
    %dma_wait3A_147 = tpu.memref_squeeze %dma_wait3A_146 : memref<1x200xi32, #tpu.memory_space<hbm>> -> memref<200xi32, #tpu.memory_space<hbm>>
    %dma_wait3A_148 = arith.constant 0 : i32
    %dma_wait3A_149 = tpu.memref_slice %arg5[%dma_wait3A_141, %dma_wait3A_148] : memref<4x200xi32, #tpu.memory_space<vmem>> -> memref<1x200xi32, #tpu.memory_space<vmem>>
    %dma_wait3A_150 = tpu.memref_squeeze %dma_wait3A_149 : memref<1x200xi32, #tpu.memory_space<vmem>> -> memref<200xi32, #tpu.memory_space<vmem>>
    %dma_wait3A_151 = arith.constant 0 : i32
    %dma_wait3A_152 = tpu.memref_slice %arg2[%add3A_140, %dma_wait3A_151] : memref<4096x200xi32, #tpu.memory_space<hbm>> -> memref<1x200xi32, #tpu.memory_space<hbm>>
    %dma_wait3A_153 = tpu.memref_squeeze %dma_wait3A_152 : memref<1x200xi32, #tpu.memory_space<hbm>> -> memref<200xi32, #tpu.memory_space<hbm>>
    tpu.wait_dma2 semaphore(%arg10 : memref<!tpu.dma_semaphore, #tpu.memory_space<semaphore_mem>>) src(%dma_wait3A_153 : memref<200xi32, #tpu.memory_space<hbm>>) dst(%dma_wait3A_150 : memref<200xi32, #tpu.memory_space<vmem>>)
    %dma_start3A_154 = arith.constant 2 : i32
    %dma_start3A_155 = arith.constant 2 : i32
    %dma_start3A_156 = arith.constant 0 : i32
    %dma_start3A_157 = arith.constant 0 : i32
    %dma_start3A_158 = tpu.memref_slice %arg6[%dma_start3A_155, %dma_start3A_156, %dma_start3A_157] : memref<4x200x128xf32, #tpu.memory_space<vmem>> -> memref<1x128x128xf32, #tpu.memory_space<vmem>>
    %dma_start3A_159 = tpu.memref_squeeze %dma_start3A_158 : memref<1x128x128xf32, #tpu.memory_space<vmem>> -> memref<128x128xf32, #tpu.memory_space<vmem>>
    %dma_start3A_160 = arith.constant 0 : i32
    %dma_start3A_161 = tpu.memref_slice %arg5[%dma_start3A_154, %dma_start3A_160] : memref<4x200xi32, #tpu.memory_space<vmem>> -> memref<1x128xi32, #tpu.memory_space<vmem>>
    %dma_start3A_162 = tpu.memref_squeeze %dma_start3A_161 : memref<1x128xi32, #tpu.memory_space<vmem>> -> memref<128xi32, #tpu.memory_space<vmem>>
    %dma_start3A_163 = arith.constant 0 : i32
    %dma_start3A_164 = arith.constant 0 : i32
    %dma_start3A_165 = tpu.memref_slice %arg3[%dma_start3A_163, %dma_start3A_164] : memref<100001x128xf32, #tpu.memory_space<hbm>> -> memref<100001x128xf32, #tpu.memory_space<hbm>>
    tpu.enqueue_indirect_dma source(%dma_start3A_165 : memref<100001x128xf32, #tpu.memory_space<hbm>>) target(%dma_start3A_159 : memref<128x128xf32, #tpu.memory_space<vmem>>) offsets(%dma_start3A_162 : memref<128xi32, #tpu.memory_space<vmem>>) semaphore(%arg14 : memref<!tpu.dma_semaphore, #tpu.memory_space<semaphore_mem>>)
    %dma_start3A_166 = arith.constant 2 : i32
    %dma_start3A_167 = arith.constant 2 : i32
    %dma_start3A_168 = arith.constant 128 : i32
    %dma_start3A_169 = arith.constant 0 : i32
    %dma_start3A_170 = tpu.memref_slice %arg6[%dma_start3A_167, %dma_start3A_168, %dma_start3A_169] : memref<4x200x128xf32, #tpu.memory_space<vmem>> -> memref<1x72x128xf32, #tpu.memory_space<vmem>>
    %dma_start3A_171 = tpu.memref_squeeze %dma_start3A_170 : memref<1x72x128xf32, #tpu.memory_space<vmem>> -> memref<72x128xf32, #tpu.memory_space<vmem>>
    %dma_start3A_172 = arith.constant 128 : i32
    %dma_start3A_173 = tpu.memref_slice %arg5[%dma_start3A_166, %dma_start3A_172] : memref<4x200xi32, #tpu.memory_space<vmem>> -> memref<1x72xi32, #tpu.memory_space<vmem>>
    %dma_start3A_174 = tpu.memref_squeeze %dma_start3A_173 : memref<1x72xi32, #tpu.memory_space<vmem>> -> memref<72xi32, #tpu.memory_space<vmem>>
    %dma_start3A_175 = arith.constant 0 : i32
    %dma_start3A_176 = arith.constant 0 : i32
    %dma_start3A_177 = tpu.memref_slice %arg3[%dma_start3A_175, %dma_start3A_176] : memref<100001x128xf32, #tpu.memory_space<hbm>> -> memref<100001x128xf32, #tpu.memory_space<hbm>>
    tpu.enqueue_indirect_dma source(%dma_start3A_177 : memref<100001x128xf32, #tpu.memory_space<hbm>>) target(%dma_start3A_171 : memref<72x128xf32, #tpu.memory_space<vmem>>) offsets(%dma_start3A_174 : memref<72xi32, #tpu.memory_space<vmem>>) semaphore(%arg14 : memref<!tpu.dma_semaphore, #tpu.memory_space<semaphore_mem>>)
    %broadcast_in_dim3A = arith.constant 0.000000e+00 : f32
    %broadcast_in_dim3A_178 = vector.broadcast %broadcast_in_dim3A : f32 to vector<16xf32>
    %scan3A = arith.constant 0 : i32
    %scan3A_179 = arith.constant 0 : i32
    %scan3A_180 = arith.constant 32 : i32
    %scan3A_181 = arith.addi %scan3A_179, %scan3A_180 : i32
    %scan3A_182 = arith.constant 1 : i32
    scf.for %scan3A_184 = %scan3A_179 to %scan3A_181 step %scan3A_182  : i32 {
      %mul3A_185 = arith.constant 4 : i32
      %mul3A_186 = arith.muli %scan3A_184, %mul3A_185 : i32
      %add3A_187 = arith.constant 0 : i32
      %add3A_188 = arith.addi %mul3A_186, %add3A_187 : i32
      %dma_wait3A_189 = arith.constant 0 : i32
      %dma_wait3A_190 = arith.constant 0 : i32
      %dma_wait3A_191 = arith.constant 0 : i32
      %dma_wait3A_192 = arith.constant 0 : i32
      %dma_wait3A_193 = tpu.memref_slice %arg6[%dma_wait3A_190, %dma_wait3A_191, %dma_wait3A_192] : memref<4x200x128xf32, #tpu.memory_space<vmem>> -> memref<1x128x128xf32, #tpu.memory_space<vmem>>
      %dma_wait3A_194 = tpu.memref_squeeze %dma_wait3A_193 : memref<1x128x128xf32, #tpu.memory_space<vmem>> -> memref<128x128xf32, #tpu.memory_space<vmem>>
      %dma_wait3A_195 = arith.constant 0 : i32
      %dma_wait3A_196 = tpu.memref_slice %arg5[%dma_wait3A_189, %dma_wait3A_195] : memref<4x200xi32, #tpu.memory_space<vmem>> -> memref<1x128xi32, #tpu.memory_space<vmem>>
      %dma_wait3A_197 = tpu.memref_squeeze %dma_wait3A_196 : memref<1x128xi32, #tpu.memory_space<vmem>> -> memref<128xi32, #tpu.memory_space<vmem>>
      %dma_wait3A_198 = arith.constant 0 : i32
      %dma_wait3A_199 = arith.constant 0 : i32
      %dma_wait3A_200 = tpu.memref_slice %arg3[%dma_wait3A_198, %dma_wait3A_199] : memref<100001x128xf32, #tpu.memory_space<hbm>> -> memref<100001x128xf32, #tpu.memory_space<hbm>>
      tpu.wait_indirect_dma semaphore(%arg12 : memref<!tpu.dma_semaphore, #tpu.memory_space<semaphore_mem>>) src(%dma_wait3A_200 : memref<100001x128xf32, #tpu.memory_space<hbm>>) dst(%dma_wait3A_194 : memref<128x128xf32, #tpu.memory_space<vmem>>)
      %dma_wait3A_201 = arith.constant 0 : i32
      %dma_wait3A_202 = arith.constant 0 : i32
      %dma_wait3A_203 = arith.constant 128 : i32
      %dma_wait3A_204 = arith.constant 0 : i32
      %dma_wait3A_205 = tpu.memref_slice %arg6[%dma_wait3A_202, %dma_wait3A_203, %dma_wait3A_204] : memref<4x200x128xf32, #tpu.memory_space<vmem>> -> memref<1x72x128xf32, #tpu.memory_space<vmem>>
      %dma_wait3A_206 = tpu.memref_squeeze %dma_wait3A_205 : memref<1x72x128xf32, #tpu.memory_space<vmem>> -> memref<72x128xf32, #tpu.memory_space<vmem>>
      %dma_wait3A_207 = arith.constant 128 : i32
      %dma_wait3A_208 = tpu.memref_slice %arg5[%dma_wait3A_201, %dma_wait3A_207] : memref<4x200xi32, #tpu.memory_space<vmem>> -> memref<1x72xi32, #tpu.memory_space<vmem>>
      %dma_wait3A_209 = tpu.memref_squeeze %dma_wait3A_208 : memref<1x72xi32, #tpu.memory_space<vmem>> -> memref<72xi32, #tpu.memory_space<vmem>>
      %dma_wait3A_210 = arith.constant 0 : i32
      %dma_wait3A_211 = arith.constant 0 : i32
      %dma_wait3A_212 = tpu.memref_slice %arg3[%dma_wait3A_210, %dma_wait3A_211] : memref<100001x128xf32, #tpu.memory_space<hbm>> -> memref<100001x128xf32, #tpu.memory_space<hbm>>
      tpu.wait_indirect_dma semaphore(%arg12 : memref<!tpu.dma_semaphore, #tpu.memory_space<semaphore_mem>>) src(%dma_wait3A_212 : memref<100001x128xf32, #tpu.memory_space<hbm>>) dst(%dma_wait3A_206 : memref<72x128xf32, #tpu.memory_space<vmem>>)
      %add3A_213 = arith.constant 4 : i32
      %add3A_214 = arith.addi %add3A_188, %add3A_213 : i32
      %sub3A = arith.constant 1 : i32
      %sub3A_215 = arith.subi %add3A_214, %sub3A : i32
      %lt3A = arith.constant 128 : i32
      %lt3A_216 = arith.cmpi slt, %sub3A_215, %lt3A : i32
      %convert_element_type3A = arith.extui %lt3A_216 : i1 to i32
      %cond3A = arith.constant 0 : i32
      %cond3A_217 = arith.cmpi ne, %convert_element_type3A, %cond3A : i32
      scf.if %cond3A_217 {
        %add3A_540 = arith.addi %mul3A_2, %sub3A_215 : i32
        %dma_wait3A_541 = arith.constant 3 : i32
        %dma_wait3A_542 = arith.constant 0 : i32
        %dma_wait3A_543 = tpu.memref_slice %arg5[%dma_wait3A_541, %dma_wait3A_542] : memref<4x200xi32, #tpu.memory_space<vmem>> -> memref<1x200xi32, #tpu.memory_space<vmem>>
        %dma_wait3A_544 = tpu.memref_squeeze %dma_wait3A_543 : memref<1x200xi32, #tpu.memory_space<vmem>> -> memref<200xi32, #tpu.memory_space<vmem>>
        %dma_wait3A_545 = arith.constant 0 : i32
        %dma_wait3A_546 = tpu.memref_slice %arg2[%add3A_540, %dma_wait3A_545] : memref<4096x200xi32, #tpu.memory_space<hbm>> -> memref<1x200xi32, #tpu.memory_space<hbm>>
        %dma_wait3A_547 = tpu.memref_squeeze %dma_wait3A_546 : memref<1x200xi32, #tpu.memory_space<hbm>> -> memref<200xi32, #tpu.memory_space<hbm>>
        %dma_wait3A_548 = arith.constant 0 : i32
        %dma_wait3A_549 = tpu.memref_slice %arg5[%dma_wait3A_541, %dma_wait3A_548] : memref<4x200xi32, #tpu.memory_space<vmem>> -> memref<1x200xi32, #tpu.memory_space<vmem>>
        %dma_wait3A_550 = tpu.memref_squeeze %dma_wait3A_549 : memref<1x200xi32, #tpu.memory_space<vmem>> -> memref<200xi32, #tpu.memory_space<vmem>>
        %dma_wait3A_551 = arith.constant 0 : i32
        %dma_wait3A_552 = tpu.memref_slice %arg2[%add3A_540, %dma_wait3A_551] : memref<4096x200xi32, #tpu.memory_space<hbm>> -> memref<1x200xi32, #tpu.memory_space<hbm>>
        %dma_wait3A_553 = tpu.memref_squeeze %dma_wait3A_552 : memref<1x200xi32, #tpu.memory_space<hbm>> -> memref<200xi32, #tpu.memory_space<hbm>>
        tpu.wait_dma2 semaphore(%arg11 : memref<!tpu.dma_semaphore, #tpu.memory_space<semaphore_mem>>) src(%dma_wait3A_553 : memref<200xi32, #tpu.memory_space<hbm>>) dst(%dma_wait3A_550 : memref<200xi32, #tpu.memory_space<vmem>>)
        %dma_start3A_554 = arith.constant 3 : i32
        %dma_start3A_555 = arith.constant 3 : i32
        %dma_start3A_556 = arith.constant 0 : i32
        %dma_start3A_557 = arith.constant 0 : i32
        %dma_start3A_558 = tpu.memref_slice %arg6[%dma_start3A_555, %dma_start3A_556, %dma_start3A_557] : memref<4x200x128xf32, #tpu.memory_space<vmem>> -> memref<1x128x128xf32, #tpu.memory_space<vmem>>
        %dma_start3A_559 = tpu.memref_squeeze %dma_start3A_558 : memref<1x128x128xf32, #tpu.memory_space<vmem>> -> memref<128x128xf32, #tpu.memory_space<vmem>>
        %dma_start3A_560 = arith.constant 0 : i32
        %dma_start3A_561 = tpu.memref_slice %arg5[%dma_start3A_554, %dma_start3A_560] : memref<4x200xi32, #tpu.memory_space<vmem>> -> memref<1x128xi32, #tpu.memory_space<vmem>>
        %dma_start3A_562 = tpu.memref_squeeze %dma_start3A_561 : memref<1x128xi32, #tpu.memory_space<vmem>> -> memref<128xi32, #tpu.memory_space<vmem>>
        %dma_start3A_563 = arith.constant 0 : i32
        %dma_start3A_564 = arith.constant 0 : i32
        %dma_start3A_565 = tpu.memref_slice %arg3[%dma_start3A_563, %dma_start3A_564] : memref<100001x128xf32, #tpu.memory_space<hbm>> -> memref<100001x128xf32, #tpu.memory_space<hbm>>
        tpu.enqueue_indirect_dma source(%dma_start3A_565 : memref<100001x128xf32, #tpu.memory_space<hbm>>) target(%dma_start3A_559 : memref<128x128xf32, #tpu.memory_space<vmem>>) offsets(%dma_start3A_562 : memref<128xi32, #tpu.memory_space<vmem>>) semaphore(%arg15 : memref<!tpu.dma_semaphore, #tpu.memory_space<semaphore_mem>>)
        %dma_start3A_566 = arith.constant 3 : i32
        %dma_start3A_567 = arith.constant 3 : i32
        %dma_start3A_568 = arith.constant 128 : i32
        %dma_start3A_569 = arith.constant 0 : i32
        %dma_start3A_570 = tpu.memref_slice %arg6[%dma_start3A_567, %dma_start3A_568, %dma_start3A_569] : memref<4x200x128xf32, #tpu.memory_space<vmem>> -> memref<1x72x128xf32, #tpu.memory_space<vmem>>
        %dma_start3A_571 = tpu.memref_squeeze %dma_start3A_570 : memref<1x72x128xf32, #tpu.memory_space<vmem>> -> memref<72x128xf32, #tpu.memory_space<vmem>>
        %dma_start3A_572 = arith.constant 128 : i32
        %dma_start3A_573 = tpu.memref_slice %arg5[%dma_start3A_566, %dma_start3A_572] : memref<4x200xi32, #tpu.memory_space<vmem>> -> memref<1x72xi32, #tpu.memory_space<vmem>>
        %dma_start3A_574 = tpu.memref_squeeze %dma_start3A_573 : memref<1x72xi32, #tpu.memory_space<vmem>> -> memref<72xi32, #tpu.memory_space<vmem>>
        %dma_start3A_575 = arith.constant 0 : i32
        %dma_start3A_576 = arith.constant 0 : i32
        %dma_start3A_577 = tpu.memref_slice %arg3[%dma_start3A_575, %dma_start3A_576] : memref<100001x128xf32, #tpu.memory_space<hbm>> -> memref<100001x128xf32, #tpu.memory_space<hbm>>
        tpu.enqueue_indirect_dma source(%dma_start3A_577 : memref<100001x128xf32, #tpu.memory_space<hbm>>) target(%dma_start3A_571 : memref<72x128xf32, #tpu.memory_space<vmem>>) offsets(%dma_start3A_574 : memref<72xi32, #tpu.memory_space<vmem>>) semaphore(%arg15 : memref<!tpu.dma_semaphore, #tpu.memory_space<semaphore_mem>>)
      } else {
      }
      %add3A_218 = arith.constant 4 : i32
      %add3A_219 = arith.addi %add3A_188, %add3A_218 : i32
      %lt3A_220 = arith.constant 128 : i32
      %lt3A_221 = arith.cmpi slt, %add3A_219, %lt3A_220 : i32
      %convert_element_type3A_222 = arith.extui %lt3A_221 : i1 to i32
      %cond3A_223 = arith.constant 0 : i32
      %cond3A_224 = arith.cmpi ne, %convert_element_type3A_222, %cond3A_223 : i32
      scf.if %cond3A_224 {
        %add3A_540 = arith.constant 4 : i32
        %add3A_541 = arith.addi %add3A_188, %add3A_540 : i32
        %add3A_542 = arith.addi %mul3A_2, %add3A_541 : i32
        %dma_start3A_543 = arith.constant 0 : i32
        %dma_start3A_544 = arith.constant 0 : i32
        %dma_start3A_545 = tpu.memref_slice %arg5[%dma_start3A_543, %dma_start3A_544] : memref<4x200xi32, #tpu.memory_space<vmem>> -> memref<1x200xi32, #tpu.memory_space<vmem>>
        %dma_start3A_546 = tpu.memref_squeeze %dma_start3A_545 : memref<1x200xi32, #tpu.memory_space<vmem>> -> memref<200xi32, #tpu.memory_space<vmem>>
        %dma_start3A_547 = arith.constant 0 : i32
        %dma_start3A_548 = tpu.memref_slice %arg2[%add3A_542, %dma_start3A_547] : memref<4096x200xi32, #tpu.memory_space<hbm>> -> memref<1x200xi32, #tpu.memory_space<hbm>>
        %dma_start3A_549 = tpu.memref_squeeze %dma_start3A_548 : memref<1x200xi32, #tpu.memory_space<hbm>> -> memref<200xi32, #tpu.memory_space<hbm>>
        %dma_start3A_550 = arith.constant 0 : i32
        %dma_start3A_551 = tpu.memref_slice %arg5[%dma_start3A_543, %dma_start3A_550] : memref<4x200xi32, #tpu.memory_space<vmem>> -> memref<1x200xi32, #tpu.memory_space<vmem>>
        %dma_start3A_552 = tpu.memref_squeeze %dma_start3A_551 : memref<1x200xi32, #tpu.memory_space<vmem>> -> memref<200xi32, #tpu.memory_space<vmem>>
        %dma_start3A_553 = arith.constant 0 : i32
        %dma_start3A_554 = tpu.memref_slice %arg2[%add3A_542, %dma_start3A_553] : memref<4096x200xi32, #tpu.memory_space<hbm>> -> memref<1x200xi32, #tpu.memory_space<hbm>>
        %dma_start3A_555 = tpu.memref_squeeze %dma_start3A_554 : memref<1x200xi32, #tpu.memory_space<hbm>> -> memref<200xi32, #tpu.memory_space<hbm>>
        tpu.enqueue_dma source(%dma_start3A_555 : memref<200xi32, #tpu.memory_space<hbm>>) target(%dma_start3A_552 : memref<200xi32, #tpu.memory_space<vmem>>) target_semaphore(%arg8 : memref<!tpu.dma_semaphore, #tpu.memory_space<semaphore_mem>>)
      } else {
      }
      %scan3A_225 = arith.constant 0 : i32
      %scan3A_226 = arith.constant 50 : i32
      %scan3A_227 = arith.addi %scan3A_225, %scan3A_226 : i32
      %scan3A_228 = arith.constant 1 : i32
      %scan3A_229:8 = scf.for %scan3A_540 = %scan3A_225 to %scan3A_227 step %scan3A_228 iter_args(%scan3A_541 = %broadcast_in_dim3A_178, %scan3A_542 = %broadcast_in_dim3A_178, %scan3A_543 = %broadcast_in_dim3A_178, %scan3A_544 = %broadcast_in_dim3A_178, %scan3A_545 = %broadcast_in_dim3A_178, %scan3A_546 = %broadcast_in_dim3A_178, %scan3A_547 = %broadcast_in_dim3A_178, %scan3A_548 = %broadcast_in_dim3A_178) -> (vector<16xf32>, vector<16xf32>, vector<16xf32>, vector<16xf32>, vector<16xf32>, vector<16xf32>, vector<16xf32>, vector<16xf32>)  : i32 {
        %mul3A_549 = arith.constant 4 : i32
        %mul3A_550 = arith.muli %scan3A_540, %mul3A_549 : i32
        %add3A_551 = arith.constant 0 : i32
        %add3A_552 = arith.addi %mul3A_550, %add3A_551 : i32
        %get3A = arith.constant 0 : i32
        %get3A_553 = arith.index_cast %get3A : i32 to index
        %get3A_554 = arith.index_cast %add3A_552 : i32 to index
        %get3A_555 = arith.constant 0 : index
        %get3A_556 = tpu.vector_load %arg6[%get3A_553, %get3A_554, %get3A_555] {strides = array<i32>} : memref<4x200x128xf32, #tpu.memory_space<vmem>>, vector<1x1x16xf32>,
        %get3A_557 = vector.shape_cast %get3A_556 : vector<1x1x16xf32> to vector<16xf32>
        %add3A_558 = arith.addf %scan3A_541, %get3A_557 : vector<16xf32>
        %mul3A_559 = arith.constant 4 : i32
        %mul3A_560 = arith.muli %scan3A_540, %mul3A_559 : i32
        %add3A_561 = arith.constant 0 : i32
        %add3A_562 = arith.addi %mul3A_560, %add3A_561 : i32
        %get3A_563 = arith.constant 0 : i32
        %get3A_564 = arith.index_cast %get3A_563 : i32 to index
        %get3A_565 = arith.index_cast %add3A_562 : i32 to index
        %get3A_566 = arith.constant 16 : index
        %get3A_567 = tpu.vector_load %arg6[%get3A_564, %get3A_565, %get3A_566] {strides = array<i32>} : memref<4x200x128xf32, #tpu.memory_space<vmem>>, vector<1x1x16xf32>,
        %get3A_568 = vector.shape_cast %get3A_567 : vector<1x1x16xf32> to vector<16xf32>
        %add3A_569 = arith.addf %scan3A_542, %get3A_568 : vector<16xf32>
        %mul3A_570 = arith.constant 4 : i32
        %mul3A_571 = arith.muli %scan3A_540, %mul3A_570 : i32
        %add3A_572 = arith.constant 0 : i32
        %add3A_573 = arith.addi %mul3A_571, %add3A_572 : i32
        %get3A_574 = arith.constant 0 : i32
        %get3A_575 = arith.index_cast %get3A_574 : i32 to index
        %get3A_576 = arith.index_cast %add3A_573 : i32 to index
        %get3A_577 = arith.constant 32 : index
        %get3A_578 = tpu.vector_load %arg6[%get3A_575, %get3A_576, %get3A_577] {strides = array<i32>} : memref<4x200x128xf32, #tpu.memory_space<vmem>>, vector<1x1x16xf32>,
        %get3A_579 = vector.shape_cast %get3A_578 : vector<1x1x16xf32> to vector<16xf32>
        %add3A_580 = arith.addf %scan3A_543, %get3A_579 : vector<16xf32>
        %mul3A_581 = arith.constant 4 : i32
        %mul3A_582 = arith.muli %scan3A_540, %mul3A_581 : i32
        %add3A_583 = arith.constant 0 : i32
        %add3A_584 = arith.addi %mul3A_582, %add3A_583 : i32
        %get3A_585 = arith.constant 0 : i32
        %get3A_586 = arith.index_cast %get3A_585 : i32 to index
        %get3A_587 = arith.index_cast %add3A_584 : i32 to index
        %get3A_588 = arith.constant 48 : index
        %get3A_589 = tpu.vector_load %arg6[%get3A_586, %get3A_587, %get3A_588] {strides = array<i32>} : memref<4x200x128xf32, #tpu.memory_space<vmem>>, vector<1x1x16xf32>,
        %get3A_590 = vector.shape_cast %get3A_589 : vector<1x1x16xf32> to vector<16xf32>
        %add3A_591 = arith.addf %scan3A_544, %get3A_590 : vector<16xf32>
        %mul3A_592 = arith.constant 4 : i32
        %mul3A_593 = arith.muli %scan3A_540, %mul3A_592 : i32
        %add3A_594 = arith.constant 0 : i32
        %add3A_595 = arith.addi %mul3A_593, %add3A_594 : i32
        %get3A_596 = arith.constant 0 : i32
        %get3A_597 = arith.index_cast %get3A_596 : i32 to index
        %get3A_598 = arith.index_cast %add3A_595 : i32 to index
        %get3A_599 = arith.constant 64 : index
        %get3A_600 = tpu.vector_load %arg6[%get3A_597, %get3A_598, %get3A_599] {strides = array<i32>} : memref<4x200x128xf32, #tpu.memory_space<vmem>>, vector<1x1x16xf32>,
        %get3A_601 = vector.shape_cast %get3A_600 : vector<1x1x16xf32> to vector<16xf32>
        %add3A_602 = arith.addf %scan3A_545, %get3A_601 : vector<16xf32>
        %mul3A_603 = arith.constant 4 : i32
        %mul3A_604 = arith.muli %scan3A_540, %mul3A_603 : i32
        %add3A_605 = arith.constant 0 : i32
        %add3A_606 = arith.addi %mul3A_604, %add3A_605 : i32
        %get3A_607 = arith.constant 0 : i32
        %get3A_608 = arith.index_cast %get3A_607 : i32 to index
        %get3A_609 = arith.index_cast %add3A_606 : i32 to index
        %get3A_610 = arith.constant 80 : index
        %get3A_611 = tpu.vector_load %arg6[%get3A_608, %get3A_609, %get3A_610] {strides = array<i32>} : memref<4x200x128xf32, #tpu.memory_space<vmem>>, vector<1x1x16xf32>,
        %get3A_612 = vector.shape_cast %get3A_611 : vector<1x1x16xf32> to vector<16xf32>
        %add3A_613 = arith.addf %scan3A_546, %get3A_612 : vector<16xf32>
        %mul3A_614 = arith.constant 4 : i32
        %mul3A_615 = arith.muli %scan3A_540, %mul3A_614 : i32
        %add3A_616 = arith.constant 0 : i32
        %add3A_617 = arith.addi %mul3A_615, %add3A_616 : i32
        %get3A_618 = arith.constant 0 : i32
        %get3A_619 = arith.index_cast %get3A_618 : i32 to index
        %get3A_620 = arith.index_cast %add3A_617 : i32 to index
        %get3A_621 = arith.constant 96 : index
        %get3A_622 = tpu.vector_load %arg6[%get3A_619, %get3A_620, %get3A_621] {strides = array<i32>} : memref<4x200x128xf32, #tpu.memory_space<vmem>>, vector<1x1x16xf32>,
        %get3A_623 = vector.shape_cast %get3A_622 : vector<1x1x16xf32> to vector<16xf32>
        %add3A_624 = arith.addf %scan3A_547, %get3A_623 : vector<16xf32>
        %mul3A_625 = arith.constant 4 : i32
        %mul3A_626 = arith.muli %scan3A_540, %mul3A_625 : i32
        %add3A_627 = arith.constant 0 : i32
        %add3A_628 = arith.addi %mul3A_626, %add3A_627 : i32
        %get3A_629 = arith.constant 0 : i32
        %get3A_630 = arith.index_cast %get3A_629 : i32 to index
        %get3A_631 = arith.index_cast %add3A_628 : i32 to index
        %get3A_632 = arith.constant 112 : index
        %get3A_633 = tpu.vector_load %arg6[%get3A_630, %get3A_631, %get3A_632] {strides = array<i32>} : memref<4x200x128xf32, #tpu.memory_space<vmem>>, vector<1x1x16xf32>,
        %get3A_634 = vector.shape_cast %get3A_633 : vector<1x1x16xf32> to vector<16xf32>
        %add3A_635 = arith.addf %scan3A_548, %get3A_634 : vector<16xf32>
        %mul3A_636 = arith.constant 4 : i32
        %mul3A_637 = arith.muli %scan3A_540, %mul3A_636 : i32
        %add3A_638 = arith.constant 1 : i32
        %add3A_639 = arith.addi %mul3A_637, %add3A_638 : i32
        %get3A_640 = arith.constant 0 : i32
        %get3A_641 = arith.index_cast %get3A_640 : i32 to index
        %get3A_642 = arith.index_cast %add3A_639 : i32 to index
        %get3A_643 = arith.constant 0 : index
        %get3A_644 = tpu.vector_load %arg6[%get3A_641, %get3A_642, %get3A_643] {strides = array<i32>} : memref<4x200x128xf32, #tpu.memory_space<vmem>>, vector<1x1x16xf32>,
        %get3A_645 = vector.shape_cast %get3A_644 : vector<1x1x16xf32> to vector<16xf32>
        %add3A_646 = arith.addf %add3A_558, %get3A_645 : vector<16xf32>
        %mul3A_647 = arith.constant 4 : i32
        %mul3A_648 = arith.muli %scan3A_540, %mul3A_647 : i32
        %add3A_649 = arith.constant 1 : i32
        %add3A_650 = arith.addi %mul3A_648, %add3A_649 : i32
        %get3A_651 = arith.constant 0 : i32
        %get3A_652 = arith.index_cast %get3A_651 : i32 to index
        %get3A_653 = arith.index_cast %add3A_650 : i32 to index
        %get3A_654 = arith.constant 16 : index
        %get3A_655 = tpu.vector_load %arg6[%get3A_652, %get3A_653, %get3A_654] {strides = array<i32>} : memref<4x200x128xf32, #tpu.memory_space<vmem>>, vector<1x1x16xf32>,
        %get3A_656 = vector.shape_cast %get3A_655 : vector<1x1x16xf32> to vector<16xf32>
        %add3A_657 = arith.addf %add3A_569, %get3A_656 : vector<16xf32>
        %mul3A_658 = arith.constant 4 : i32
        %mul3A_659 = arith.muli %scan3A_540, %mul3A_658 : i32
        %add3A_660 = arith.constant 1 : i32
        %add3A_661 = arith.addi %mul3A_659, %add3A_660 : i32
        %get3A_662 = arith.constant 0 : i32
        %get3A_663 = arith.index_cast %get3A_662 : i32 to index
        %get3A_664 = arith.index_cast %add3A_661 : i32 to index
        %get3A_665 = arith.constant 32 : index
        %get3A_666 = tpu.vector_load %arg6[%get3A_663, %get3A_664, %get3A_665] {strides = array<i32>} : memref<4x200x128xf32, #tpu.memory_space<vmem>>, vector<1x1x16xf32>,
        %get3A_667 = vector.shape_cast %get3A_666 : vector<1x1x16xf32> to vector<16xf32>
        %add3A_668 = arith.addf %add3A_580, %get3A_667 : vector<16xf32>
        %mul3A_669 = arith.constant 4 : i32
        %mul3A_670 = arith.muli %scan3A_540, %mul3A_669 : i32
        %add3A_671 = arith.constant 1 : i32
        %add3A_672 = arith.addi %mul3A_670, %add3A_671 : i32
        %get3A_673 = arith.constant 0 : i32
        %get3A_674 = arith.index_cast %get3A_673 : i32 to index
        %get3A_675 = arith.index_cast %add3A_672 : i32 to index
        %get3A_676 = arith.constant 48 : index
        %get3A_677 = tpu.vector_load %arg6[%get3A_674, %get3A_675, %get3A_676] {strides = array<i32>} : memref<4x200x128xf32, #tpu.memory_space<vmem>>, vector<1x1x16xf32>,
        %get3A_678 = vector.shape_cast %get3A_677 : vector<1x1x16xf32> to vector<16xf32>
        %add3A_679 = arith.addf %add3A_591, %get3A_678 : vector<16xf32>
        %mul3A_680 = arith.constant 4 : i32
        %mul3A_681 = arith.muli %scan3A_540, %mul3A_680 : i32
        %add3A_682 = arith.constant 1 : i32
        %add3A_683 = arith.addi %mul3A_681, %add3A_682 : i32
        %get3A_684 = arith.constant 0 : i32
        %get3A_685 = arith.index_cast %get3A_684 : i32 to index
        %get3A_686 = arith.index_cast %add3A_683 : i32 to index
        %get3A_687 = arith.constant 64 : index
        %get3A_688 = tpu.vector_load %arg6[%get3A_685, %get3A_686, %get3A_687] {strides = array<i32>} : memref<4x200x128xf32, #tpu.memory_space<vmem>>, vector<1x1x16xf32>,
        %get3A_689 = vector.shape_cast %get3A_688 : vector<1x1x16xf32> to vector<16xf32>
        %add3A_690 = arith.addf %add3A_602, %get3A_689 : vector<16xf32>
        %mul3A_691 = arith.constant 4 : i32
        %mul3A_692 = arith.muli %scan3A_540, %mul3A_691 : i32
        %add3A_693 = arith.constant 1 : i32
        %add3A_694 = arith.addi %mul3A_692, %add3A_693 : i32
        %get3A_695 = arith.constant 0 : i32
        %get3A_696 = arith.index_cast %get3A_695 : i32 to index
        %get3A_697 = arith.index_cast %add3A_694 : i32 to index
        %get3A_698 = arith.constant 80 : index
        %get3A_699 = tpu.vector_load %arg6[%get3A_696, %get3A_697, %get3A_698] {strides = array<i32>} : memref<4x200x128xf32, #tpu.memory_space<vmem>>, vector<1x1x16xf32>,
        %get3A_700 = vector.shape_cast %get3A_699 : vector<1x1x16xf32> to vector<16xf32>
        %add3A_701 = arith.addf %add3A_613, %get3A_700 : vector<16xf32>
        %mul3A_702 = arith.constant 4 : i32
        %mul3A_703 = arith.muli %scan3A_540, %mul3A_702 : i32
        %add3A_704 = arith.constant 1 : i32
        %add3A_705 = arith.addi %mul3A_703, %add3A_704 : i32
        %get3A_706 = arith.constant 0 : i32
        %get3A_707 = arith.index_cast %get3A_706 : i32 to index
        %get3A_708 = arith.index_cast %add3A_705 : i32 to index
        %get3A_709 = arith.constant 96 : index
        %get3A_710 = tpu.vector_load %arg6[%get3A_707, %get3A_708, %get3A_709] {strides = array<i32>} : memref<4x200x128xf32, #tpu.memory_space<vmem>>, vector<1x1x16xf32>,
        %get3A_711 = vector.shape_cast %get3A_710 : vector<1x1x16xf32> to vector<16xf32>
        %add3A_712 = arith.addf %add3A_624, %get3A_711 : vector<16xf32>
        %mul3A_713 = arith.constant 4 : i32
        %mul3A_714 = arith.muli %scan3A_540, %mul3A_713 : i32
        %add3A_715 = arith.constant 1 : i32
        %add3A_716 = arith.addi %mul3A_714, %add3A_715 : i32
        %get3A_717 = arith.constant 0 : i32
        %get3A_718 = arith.index_cast %get3A_717 : i32 to index
        %get3A_719 = arith.index_cast %add3A_716 : i32 to index
        %get3A_720 = arith.constant 112 : index
        %get3A_721 = tpu.vector_load %arg6[%get3A_718, %get3A_719, %get3A_720] {strides = array<i32>} : memref<4x200x128xf32, #tpu.memory_space<vmem>>, vector<1x1x16xf32>,
        %get3A_722 = vector.shape_cast %get3A_721 : vector<1x1x16xf32> to vector<16xf32>
        %add3A_723 = arith.addf %add3A_635, %get3A_722 : vector<16xf32>
        %mul3A_724 = arith.constant 4 : i32
        %mul3A_725 = arith.muli %scan3A_540, %mul3A_724 : i32
        %add3A_726 = arith.constant 2 : i32
        %add3A_727 = arith.addi %mul3A_725, %add3A_726 : i32
        %get3A_728 = arith.constant 0 : i32
        %get3A_729 = arith.index_cast %get3A_728 : i32 to index
        %get3A_730 = arith.index_cast %add3A_727 : i32 to index
        %get3A_731 = arith.constant 0 : index
        %get3A_732 = tpu.vector_load %arg6[%get3A_729, %get3A_730, %get3A_731] {strides = array<i32>} : memref<4x200x128xf32, #tpu.memory_space<vmem>>, vector<1x1x16xf32>,
        %get3A_733 = vector.shape_cast %get3A_732 : vector<1x1x16xf32> to vector<16xf32>
        %add3A_734 = arith.addf %add3A_646, %get3A_733 : vector<16xf32>
        %mul3A_735 = arith.constant 4 : i32
        %mul3A_736 = arith.muli %scan3A_540, %mul3A_735 : i32
        %add3A_737 = arith.constant 2 : i32
        %add3A_738 = arith.addi %mul3A_736, %add3A_737 : i32
        %get3A_739 = arith.constant 0 : i32
        %get3A_740 = arith.index_cast %get3A_739 : i32 to index
        %get3A_741 = arith.index_cast %add3A_738 : i32 to index
        %get3A_742 = arith.constant 16 : index
        %get3A_743 = tpu.vector_load %arg6[%get3A_740, %get3A_741, %get3A_742] {strides = array<i32>} : memref<4x200x128xf32, #tpu.memory_space<vmem>>, vector<1x1x16xf32>,
        %get3A_744 = vector.shape_cast %get3A_743 : vector<1x1x16xf32> to vector<16xf32>
        %add3A_745 = arith.addf %add3A_657, %get3A_744 : vector<16xf32>
        %mul3A_746 = arith.constant 4 : i32
        %mul3A_747 = arith.muli %scan3A_540, %mul3A_746 : i32
        %add3A_748 = arith.constant 2 : i32
        %add3A_749 = arith.addi %mul3A_747, %add3A_748 : i32
        %get3A_750 = arith.constant 0 : i32
        %get3A_751 = arith.index_cast %get3A_750 : i32 to index
        %get3A_752 = arith.index_cast %add3A_749 : i32 to index
        %get3A_753 = arith.constant 32 : index
        %get3A_754 = tpu.vector_load %arg6[%get3A_751, %get3A_752, %get3A_753] {strides = array<i32>} : memref<4x200x128xf32, #tpu.memory_space<vmem>>, vector<1x1x16xf32>,
        %get3A_755 = vector.shape_cast %get3A_754 : vector<1x1x16xf32> to vector<16xf32>
        %add3A_756 = arith.addf %add3A_668, %get3A_755 : vector<16xf32>
        %mul3A_757 = arith.constant 4 : i32
        %mul3A_758 = arith.muli %scan3A_540, %mul3A_757 : i32
        %add3A_759 = arith.constant 2 : i32
        %add3A_760 = arith.addi %mul3A_758, %add3A_759 : i32
        %get3A_761 = arith.constant 0 : i32
        %get3A_762 = arith.index_cast %get3A_761 : i32 to index
        %get3A_763 = arith.index_cast %add3A_760 : i32 to index
        %get3A_764 = arith.constant 48 : index
        %get3A_765 = tpu.vector_load %arg6[%get3A_762, %get3A_763, %get3A_764] {strides = array<i32>} : memref<4x200x128xf32, #tpu.memory_space<vmem>>, vector<1x1x16xf32>,
        %get3A_766 = vector.shape_cast %get3A_765 : vector<1x1x16xf32> to vector<16xf32>
        %add3A_767 = arith.addf %add3A_679, %get3A_766 : vector<16xf32>
        %mul3A_768 = arith.constant 4 : i32
        %mul3A_769 = arith.muli %scan3A_540, %mul3A_768 : i32
        %add3A_770 = arith.constant 2 : i32
        %add3A_771 = arith.addi %mul3A_769, %add3A_770 : i32
        %get3A_772 = arith.constant 0 : i32
        %get3A_773 = arith.index_cast %get3A_772 : i32 to index
        %get3A_774 = arith.index_cast %add3A_771 : i32 to index
        %get3A_775 = arith.constant 64 : index
        %get3A_776 = tpu.vector_load %arg6[%get3A_773, %get3A_774, %get3A_775] {strides = array<i32>} : memref<4x200x128xf32, #tpu.memory_space<vmem>>, vector<1x1x16xf32>,
        %get3A_777 = vector.shape_cast %get3A_776 : vector<1x1x16xf32> to vector<16xf32>
        %add3A_778 = arith.addf %add3A_690, %get3A_777 : vector<16xf32>
        %mul3A_779 = arith.constant 4 : i32
        %mul3A_780 = arith.muli %scan3A_540, %mul3A_779 : i32
        %add3A_781 = arith.constant 2 : i32
        %add3A_782 = arith.addi %mul3A_780, %add3A_781 : i32
        %get3A_783 = arith.constant 0 : i32
        %get3A_784 = arith.index_cast %get3A_783 : i32 to index
        %get3A_785 = arith.index_cast %add3A_782 : i32 to index
        %get3A_786 = arith.constant 80 : index
        %get3A_787 = tpu.vector_load %arg6[%get3A_784, %get3A_785, %get3A_786] {strides = array<i32>} : memref<4x200x128xf32, #tpu.memory_space<vmem>>, vector<1x1x16xf32>,
        %get3A_788 = vector.shape_cast %get3A_787 : vector<1x1x16xf32> to vector<16xf32>
        %add3A_789 = arith.addf %add3A_701, %get3A_788 : vector<16xf32>
        %mul3A_790 = arith.constant 4 : i32
        %mul3A_791 = arith.muli %scan3A_540, %mul3A_790 : i32
        %add3A_792 = arith.constant 2 : i32
        %add3A_793 = arith.addi %mul3A_791, %add3A_792 : i32
        %get3A_794 = arith.constant 0 : i32
        %get3A_795 = arith.index_cast %get3A_794 : i32 to index
        %get3A_796 = arith.index_cast %add3A_793 : i32 to index
        %get3A_797 = arith.constant 96 : index
        %get3A_798 = tpu.vector_load %arg6[%get3A_795, %get3A_796, %get3A_797] {strides = array<i32>} : memref<4x200x128xf32, #tpu.memory_space<vmem>>, vector<1x1x16xf32>,
        %get3A_799 = vector.shape_cast %get3A_798 : vector<1x1x16xf32> to vector<16xf32>
        %add3A_800 = arith.addf %add3A_712, %get3A_799 : vector<16xf32>
        %mul3A_801 = arith.constant 4 : i32
        %mul3A_802 = arith.muli %scan3A_540, %mul3A_801 : i32
        %add3A_803 = arith.constant 2 : i32
        %add3A_804 = arith.addi %mul3A_802, %add3A_803 : i32
        %get3A_805 = arith.constant 0 : i32
        %get3A_806 = arith.index_cast %get3A_805 : i32 to index
        %get3A_807 = arith.index_cast %add3A_804 : i32 to index
        %get3A_808 = arith.constant 112 : index
        %get3A_809 = tpu.vector_load %arg6[%get3A_806, %get3A_807, %get3A_808] {strides = array<i32>} : memref<4x200x128xf32, #tpu.memory_space<vmem>>, vector<1x1x16xf32>,
        %get3A_810 = vector.shape_cast %get3A_809 : vector<1x1x16xf32> to vector<16xf32>
        %add3A_811 = arith.addf %add3A_723, %get3A_810 : vector<16xf32>
        %mul3A_812 = arith.constant 4 : i32
        %mul3A_813 = arith.muli %scan3A_540, %mul3A_812 : i32
        %add3A_814 = arith.constant 3 : i32
        %add3A_815 = arith.addi %mul3A_813, %add3A_814 : i32
        %get3A_816 = arith.constant 0 : i32
        %get3A_817 = arith.index_cast %get3A_816 : i32 to index
        %get3A_818 = arith.index_cast %add3A_815 : i32 to index
        %get3A_819 = arith.constant 0 : index
        %get3A_820 = tpu.vector_load %arg6[%get3A_817, %get3A_818, %get3A_819] {strides = array<i32>} : memref<4x200x128xf32, #tpu.memory_space<vmem>>, vector<1x1x16xf32>,
        %get3A_821 = vector.shape_cast %get3A_820 : vector<1x1x16xf32> to vector<16xf32>
        %add3A_822 = arith.addf %add3A_734, %get3A_821 : vector<16xf32>
        %mul3A_823 = arith.constant 4 : i32
        %mul3A_824 = arith.muli %scan3A_540, %mul3A_823 : i32
        %add3A_825 = arith.constant 3 : i32
        %add3A_826 = arith.addi %mul3A_824, %add3A_825 : i32
        %get3A_827 = arith.constant 0 : i32
        %get3A_828 = arith.index_cast %get3A_827 : i32 to index
        %get3A_829 = arith.index_cast %add3A_826 : i32 to index
        %get3A_830 = arith.constant 16 : index
        %get3A_831 = tpu.vector_load %arg6[%get3A_828, %get3A_829, %get3A_830] {strides = array<i32>} : memref<4x200x128xf32, #tpu.memory_space<vmem>>, vector<1x1x16xf32>,
        %get3A_832 = vector.shape_cast %get3A_831 : vector<1x1x16xf32> to vector<16xf32>
        %add3A_833 = arith.addf %add3A_745, %get3A_832 : vector<16xf32>
        %mul3A_834 = arith.constant 4 : i32
        %mul3A_835 = arith.muli %scan3A_540, %mul3A_834 : i32
        %add3A_836 = arith.constant 3 : i32
        %add3A_837 = arith.addi %mul3A_835, %add3A_836 : i32
        %get3A_838 = arith.constant 0 : i32
        %get3A_839 = arith.index_cast %get3A_838 : i32 to index
        %get3A_840 = arith.index_cast %add3A_837 : i32 to index
        %get3A_841 = arith.constant 32 : index
        %get3A_842 = tpu.vector_load %arg6[%get3A_839, %get3A_840, %get3A_841] {strides = array<i32>} : memref<4x200x128xf32, #tpu.memory_space<vmem>>, vector<1x1x16xf32>,
        %get3A_843 = vector.shape_cast %get3A_842 : vector<1x1x16xf32> to vector<16xf32>
        %add3A_844 = arith.addf %add3A_756, %get3A_843 : vector<16xf32>
        %mul3A_845 = arith.constant 4 : i32
        %mul3A_846 = arith.muli %scan3A_540, %mul3A_845 : i32
        %add3A_847 = arith.constant 3 : i32
        %add3A_848 = arith.addi %mul3A_846, %add3A_847 : i32
        %get3A_849 = arith.constant 0 : i32
        %get3A_850 = arith.index_cast %get3A_849 : i32 to index
        %get3A_851 = arith.index_cast %add3A_848 : i32 to index
        %get3A_852 = arith.constant 48 : index
        %get3A_853 = tpu.vector_load %arg6[%get3A_850, %get3A_851, %get3A_852] {strides = array<i32>} : memref<4x200x128xf32, #tpu.memory_space<vmem>>, vector<1x1x16xf32>,
        %get3A_854 = vector.shape_cast %get3A_853 : vector<1x1x16xf32> to vector<16xf32>
        %add3A_855 = arith.addf %add3A_767, %get3A_854 : vector<16xf32>
        %mul3A_856 = arith.constant 4 : i32
        %mul3A_857 = arith.muli %scan3A_540, %mul3A_856 : i32
        %add3A_858 = arith.constant 3 : i32
        %add3A_859 = arith.addi %mul3A_857, %add3A_858 : i32
        %get3A_860 = arith.constant 0 : i32
        %get3A_861 = arith.index_cast %get3A_860 : i32 to index
        %get3A_862 = arith.index_cast %add3A_859 : i32 to index
        %get3A_863 = arith.constant 64 : index
        %get3A_864 = tpu.vector_load %arg6[%get3A_861, %get3A_862, %get3A_863] {strides = array<i32>} : memref<4x200x128xf32, #tpu.memory_space<vmem>>, vector<1x1x16xf32>,
        %get3A_865 = vector.shape_cast %get3A_864 : vector<1x1x16xf32> to vector<16xf32>
        %add3A_866 = arith.addf %add3A_778, %get3A_865 : vector<16xf32>
        %mul3A_867 = arith.constant 4 : i32
        %mul3A_868 = arith.muli %scan3A_540, %mul3A_867 : i32
        %add3A_869 = arith.constant 3 : i32
        %add3A_870 = arith.addi %mul3A_868, %add3A_869 : i32
        %get3A_871 = arith.constant 0 : i32
        %get3A_872 = arith.index_cast %get3A_871 : i32 to index
        %get3A_873 = arith.index_cast %add3A_870 : i32 to index
        %get3A_874 = arith.constant 80 : index
        %get3A_875 = tpu.vector_load %arg6[%get3A_872, %get3A_873, %get3A_874] {strides = array<i32>} : memref<4x200x128xf32, #tpu.memory_space<vmem>>, vector<1x1x16xf32>,
        %get3A_876 = vector.shape_cast %get3A_875 : vector<1x1x16xf32> to vector<16xf32>
        %add3A_877 = arith.addf %add3A_789, %get3A_876 : vector<16xf32>
        %mul3A_878 = arith.constant 4 : i32
        %mul3A_879 = arith.muli %scan3A_540, %mul3A_878 : i32
        %add3A_880 = arith.constant 3 : i32
        %add3A_881 = arith.addi %mul3A_879, %add3A_880 : i32
        %get3A_882 = arith.constant 0 : i32
        %get3A_883 = arith.index_cast %get3A_882 : i32 to index
        %get3A_884 = arith.index_cast %add3A_881 : i32 to index
        %get3A_885 = arith.constant 96 : index
        %get3A_886 = tpu.vector_load %arg6[%get3A_883, %get3A_884, %get3A_885] {strides = array<i32>} : memref<4x200x128xf32, #tpu.memory_space<vmem>>, vector<1x1x16xf32>,
        %get3A_887 = vector.shape_cast %get3A_886 : vector<1x1x16xf32> to vector<16xf32>
        %add3A_888 = arith.addf %add3A_800, %get3A_887 : vector<16xf32>
        %mul3A_889 = arith.constant 4 : i32
        %mul3A_890 = arith.muli %scan3A_540, %mul3A_889 : i32
        %add3A_891 = arith.constant 3 : i32
        %add3A_892 = arith.addi %mul3A_890, %add3A_891 : i32
        %get3A_893 = arith.constant 0 : i32
        %get3A_894 = arith.index_cast %get3A_893 : i32 to index
        %get3A_895 = arith.index_cast %add3A_892 : i32 to index
        %get3A_896 = arith.constant 112 : index
        %get3A_897 = tpu.vector_load %arg6[%get3A_894, %get3A_895, %get3A_896] {strides = array<i32>} : memref<4x200x128xf32, #tpu.memory_space<vmem>>, vector<1x1x16xf32>,
        %get3A_898 = vector.shape_cast %get3A_897 : vector<1x1x16xf32> to vector<16xf32>
        %add3A_899 = arith.addf %add3A_811, %get3A_898 : vector<16xf32>
        scf.yield %add3A_822, %add3A_833, %add3A_844, %add3A_855, %add3A_866, %add3A_877, %add3A_888, %add3A_899 : vector<16xf32>, vector<16xf32>, vector<16xf32>, vector<16xf32>, vector<16xf32>, vector<16xf32>, vector<16xf32>, vector<16xf32>
      }
      %scan3A_230 = arith.constant 50 : i32
      %swap3A = arith.index_cast %add3A_188 : i32 to index
      %swap3A_231 = arith.constant 0 : index
      %swap3A_232 = tpu.vector_load %arg7[%swap3A, %swap3A_231] {strides = array<i32>} : memref<128x128xf32, #tpu.memory_space<vmem>>, vector<1x16xf32>,
      %swap3A_233 = vector.shape_cast %swap3A_232 : vector<1x16xf32> to vector<16xf32>
      %swap3A_234 = vector.shape_cast %scan3A_229#0 : vector<16xf32> to vector<1x16xf32>
      tpu.vector_store %arg7[%swap3A, %swap3A_231], %swap3A_234 {strides = array<i32>} : memref<128x128xf32, #tpu.memory_space<vmem>>, vector<1x16xf32>,
      %swap3A_235 = arith.index_cast %add3A_188 : i32 to index
      %swap3A_236 = arith.constant 16 : index
      %swap3A_237 = tpu.vector_load %arg7[%swap3A_235, %swap3A_236] {strides = array<i32>} : memref<128x128xf32, #tpu.memory_space<vmem>>, vector<1x16xf32>,
      %swap3A_238 = vector.shape_cast %swap3A_237 : vector<1x16xf32> to vector<16xf32>
      %swap3A_239 = vector.shape_cast %scan3A_229#1 : vector<16xf32> to vector<1x16xf32>
      tpu.vector_store %arg7[%swap3A_235, %swap3A_236], %swap3A_239 {strides = array<i32>} : memref<128x128xf32, #tpu.memory_space<vmem>>, vector<1x16xf32>,
      %swap3A_240 = arith.index_cast %add3A_188 : i32 to index
      %swap3A_241 = arith.constant 32 : index
      %swap3A_242 = tpu.vector_load %arg7[%swap3A_240, %swap3A_241] {strides = array<i32>} : memref<128x128xf32, #tpu.memory_space<vmem>>, vector<1x16xf32>,
      %swap3A_243 = vector.shape_cast %swap3A_242 : vector<1x16xf32> to vector<16xf32>
      %swap3A_244 = vector.shape_cast %scan3A_229#2 : vector<16xf32> to vector<1x16xf32>
      tpu.vector_store %arg7[%swap3A_240, %swap3A_241], %swap3A_244 {strides = array<i32>} : memref<128x128xf32, #tpu.memory_space<vmem>>, vector<1x16xf32>,
      %swap3A_245 = arith.index_cast %add3A_188 : i32 to index
      %swap3A_246 = arith.constant 48 : index
      %swap3A_247 = tpu.vector_load %arg7[%swap3A_245, %swap3A_246] {strides = array<i32>} : memref<128x128xf32, #tpu.memory_space<vmem>>, vector<1x16xf32>,
      %swap3A_248 = vector.shape_cast %swap3A_247 : vector<1x16xf32> to vector<16xf32>
      %swap3A_249 = vector.shape_cast %scan3A_229#3 : vector<16xf32> to vector<1x16xf32>
      tpu.vector_store %arg7[%swap3A_245, %swap3A_246], %swap3A_249 {strides = array<i32>} : memref<128x128xf32, #tpu.memory_space<vmem>>, vector<1x16xf32>,
      %swap3A_250 = arith.index_cast %add3A_188 : i32 to index
      %swap3A_251 = arith.constant 64 : index
      %swap3A_252 = tpu.vector_load %arg7[%swap3A_250, %swap3A_251] {strides = array<i32>} : memref<128x128xf32, #tpu.memory_space<vmem>>, vector<1x16xf32>,
      %swap3A_253 = vector.shape_cast %swap3A_252 : vector<1x16xf32> to vector<16xf32>
      %swap3A_254 = vector.shape_cast %scan3A_229#4 : vector<16xf32> to vector<1x16xf32>
      tpu.vector_store %arg7[%swap3A_250, %swap3A_251], %swap3A_254 {strides = array<i32>} : memref<128x128xf32, #tpu.memory_space<vmem>>, vector<1x16xf32>,
      %swap3A_255 = arith.index_cast %add3A_188 : i32 to index
      %swap3A_256 = arith.constant 80 : index
      %swap3A_257 = tpu.vector_load %arg7[%swap3A_255, %swap3A_256] {strides = array<i32>} : memref<128x128xf32, #tpu.memory_space<vmem>>, vector<1x16xf32>,
      %swap3A_258 = vector.shape_cast %swap3A_257 : vector<1x16xf32> to vector<16xf32>
      %swap3A_259 = vector.shape_cast %scan3A_229#5 : vector<16xf32> to vector<1x16xf32>
      tpu.vector_store %arg7[%swap3A_255, %swap3A_256], %swap3A_259 {strides = array<i32>} : memref<128x128xf32, #tpu.memory_space<vmem>>, vector<1x16xf32>,
      %swap3A_260 = arith.index_cast %add3A_188 : i32 to index
      %swap3A_261 = arith.constant 96 : index
      %swap3A_262 = tpu.vector_load %arg7[%swap3A_260, %swap3A_261] {strides = array<i32>} : memref<128x128xf32, #tpu.memory_space<vmem>>, vector<1x16xf32>,
      %swap3A_263 = vector.shape_cast %swap3A_262 : vector<1x16xf32> to vector<16xf32>
      %swap3A_264 = vector.shape_cast %scan3A_229#6 : vector<16xf32> to vector<1x16xf32>
      tpu.vector_store %arg7[%swap3A_260, %swap3A_261], %swap3A_264 {strides = array<i32>} : memref<128x128xf32, #tpu.memory_space<vmem>>, vector<1x16xf32>,
      %swap3A_265 = arith.index_cast %add3A_188 : i32 to index
      %swap3A_266 = arith.constant 112 : index
      %swap3A_267 = tpu.vector_load %arg7[%swap3A_265, %swap3A_266] {strides = array<i32>} : memref<128x128xf32, #tpu.memory_space<vmem>>, vector<1x16xf32>,
      %swap3A_268 = vector.shape_cast %swap3A_267 : vector<1x16xf32> to vector<16xf32>
      %swap3A_269 = vector.shape_cast %scan3A_229#7 : vector<16xf32> to vector<1x16xf32>
      tpu.vector_store %arg7[%swap3A_265, %swap3A_266], %swap3A_269 {strides = array<i32>} : memref<128x128xf32, #tpu.memory_space<vmem>>, vector<1x16xf32>,
      %mul3A_270 = arith.constant 4 : i32
      %mul3A_271 = arith.muli %scan3A_184, %mul3A_270 : i32
      %add3A_272 = arith.constant 1 : i32
      %add3A_273 = arith.addi %mul3A_271, %add3A_272 : i32
      %dma_wait3A_274 = arith.constant 1 : i32
      %dma_wait3A_275 = arith.constant 1 : i32
      %dma_wait3A_276 = arith.constant 0 : i32
      %dma_wait3A_277 = arith.constant 0 : i32
      %dma_wait3A_278 = tpu.memref_slice %arg6[%dma_wait3A_275, %dma_wait3A_276, %dma_wait3A_277] : memref<4x200x128xf32, #tpu.memory_space<vmem>> -> memref<1x128x128xf32, #tpu.memory_space<vmem>>
      %dma_wait3A_279 = tpu.memref_squeeze %dma_wait3A_278 : memref<1x128x128xf32, #tpu.memory_space<vmem>> -> memref<128x128xf32, #tpu.memory_space<vmem>>
      %dma_wait3A_280 = arith.constant 0 : i32
      %dma_wait3A_281 = tpu.memref_slice %arg5[%dma_wait3A_274, %dma_wait3A_280] : memref<4x200xi32, #tpu.memory_space<vmem>> -> memref<1x128xi32, #tpu.memory_space<vmem>>
      %dma_wait3A_282 = tpu.memref_squeeze %dma_wait3A_281 : memref<1x128xi32, #tpu.memory_space<vmem>> -> memref<128xi32, #tpu.memory_space<vmem>>
      %dma_wait3A_283 = arith.constant 0 : i32
      %dma_wait3A_284 = arith.constant 0 : i32
      %dma_wait3A_285 = tpu.memref_slice %arg3[%dma_wait3A_283, %dma_wait3A_284] : memref<100001x128xf32, #tpu.memory_space<hbm>> -> memref<100001x128xf32, #tpu.memory_space<hbm>>
      tpu.wait_indirect_dma semaphore(%arg13 : memref<!tpu.dma_semaphore, #tpu.memory_space<semaphore_mem>>) src(%dma_wait3A_285 : memref<100001x128xf32, #tpu.memory_space<hbm>>) dst(%dma_wait3A_279 : memref<128x128xf32, #tpu.memory_space<vmem>>)
      %dma_wait3A_286 = arith.constant 1 : i32
      %dma_wait3A_287 = arith.constant 1 : i32
      %dma_wait3A_288 = arith.constant 128 : i32
      %dma_wait3A_289 = arith.constant 0 : i32
      %dma_wait3A_290 = tpu.memref_slice %arg6[%dma_wait3A_287, %dma_wait3A_288, %dma_wait3A_289] : memref<4x200x128xf32, #tpu.memory_space<vmem>> -> memref<1x72x128xf32, #tpu.memory_space<vmem>>
      %dma_wait3A_291 = tpu.memref_squeeze %dma_wait3A_290 : memref<1x72x128xf32, #tpu.memory_space<vmem>> -> memref<72x128xf32, #tpu.memory_space<vmem>>
      %dma_wait3A_292 = arith.constant 128 : i32
      %dma_wait3A_293 = tpu.memref_slice %arg5[%dma_wait3A_286, %dma_wait3A_292] : memref<4x200xi32, #tpu.memory_space<vmem>> -> memref<1x72xi32, #tpu.memory_space<vmem>>
      %dma_wait3A_294 = tpu.memref_squeeze %dma_wait3A_293 : memref<1x72xi32, #tpu.memory_space<vmem>> -> memref<72xi32, #tpu.memory_space<vmem>>
      %dma_wait3A_295 = arith.constant 0 : i32
      %dma_wait3A_296 = arith.constant 0 : i32
      %dma_wait3A_297 = tpu.memref_slice %arg3[%dma_wait3A_295, %dma_wait3A_296] : memref<100001x128xf32, #tpu.memory_space<hbm>> -> memref<100001x128xf32, #tpu.memory_space<hbm>>
      tpu.wait_indirect_dma semaphore(%arg13 : memref<!tpu.dma_semaphore, #tpu.memory_space<semaphore_mem>>) src(%dma_wait3A_297 : memref<100001x128xf32, #tpu.memory_space<hbm>>) dst(%dma_wait3A_291 : memref<72x128xf32, #tpu.memory_space<vmem>>)
      %add3A_298 = arith.constant 4 : i32
      %add3A_299 = arith.addi %add3A_273, %add3A_298 : i32
      %sub3A_300 = arith.constant 1 : i32
      %sub3A_301 = arith.subi %add3A_299, %sub3A_300 : i32
      %lt3A_302 = arith.constant 128 : i32
      %lt3A_303 = arith.cmpi slt, %sub3A_301, %lt3A_302 : i32
      %convert_element_type3A_304 = arith.extui %lt3A_303 : i1 to i32
      %cond3A_305 = arith.constant 0 : i32
      %cond3A_306 = arith.cmpi ne, %convert_element_type3A_304, %cond3A_305 : i32
      scf.if %cond3A_306 {
        %add3A_540 = arith.addi %mul3A_2, %sub3A_301 : i32
        %dma_wait3A_541 = arith.constant 0 : i32
        %dma_wait3A_542 = arith.constant 0 : i32
        %dma_wait3A_543 = tpu.memref_slice %arg5[%dma_wait3A_541, %dma_wait3A_542] : memref<4x200xi32, #tpu.memory_space<vmem>> -> memref<1x200xi32, #tpu.memory_space<vmem>>
        %dma_wait3A_544 = tpu.memref_squeeze %dma_wait3A_543 : memref<1x200xi32, #tpu.memory_space<vmem>> -> memref<200xi32, #tpu.memory_space<vmem>>
        %dma_wait3A_545 = arith.constant 0 : i32
        %dma_wait3A_546 = tpu.memref_slice %arg2[%add3A_540, %dma_wait3A_545] : memref<4096x200xi32, #tpu.memory_space<hbm>> -> memref<1x200xi32, #tpu.memory_space<hbm>>
        %dma_wait3A_547 = tpu.memref_squeeze %dma_wait3A_546 : memref<1x200xi32, #tpu.memory_space<hbm>> -> memref<200xi32, #tpu.memory_space<hbm>>
        %dma_wait3A_548 = arith.constant 0 : i32
        %dma_wait3A_549 = tpu.memref_slice %arg5[%dma_wait3A_541, %dma_wait3A_548] : memref<4x200xi32, #tpu.memory_space<vmem>> -> memref<1x200xi32, #tpu.memory_space<vmem>>
        %dma_wait3A_550 = tpu.memref_squeeze %dma_wait3A_549 : memref<1x200xi32, #tpu.memory_space<vmem>> -> memref<200xi32, #tpu.memory_space<vmem>>
        %dma_wait3A_551 = arith.constant 0 : i32
        %dma_wait3A_552 = tpu.memref_slice %arg2[%add3A_540, %dma_wait3A_551] : memref<4096x200xi32, #tpu.memory_space<hbm>> -> memref<1x200xi32, #tpu.memory_space<hbm>>
        %dma_wait3A_553 = tpu.memref_squeeze %dma_wait3A_552 : memref<1x200xi32, #tpu.memory_space<hbm>> -> memref<200xi32, #tpu.memory_space<hbm>>
        tpu.wait_dma2 semaphore(%arg8 : memref<!tpu.dma_semaphore, #tpu.memory_space<semaphore_mem>>) src(%dma_wait3A_553 : memref<200xi32, #tpu.memory_space<hbm>>) dst(%dma_wait3A_550 : memref<200xi32, #tpu.memory_space<vmem>>)
        %dma_start3A_554 = arith.constant 0 : i32
        %dma_start3A_555 = arith.constant 0 : i32
        %dma_start3A_556 = arith.constant 0 : i32
        %dma_start3A_557 = arith.constant 0 : i32
        %dma_start3A_558 = tpu.memref_slice %arg6[%dma_start3A_555, %dma_start3A_556, %dma_start3A_557] : memref<4x200x128xf32, #tpu.memory_space<vmem>> -> memref<1x128x128xf32, #tpu.memory_space<vmem>>
        %dma_start3A_559 = tpu.memref_squeeze %dma_start3A_558 : memref<1x128x128xf32, #tpu.memory_space<vmem>> -> memref<128x128xf32, #tpu.memory_space<vmem>>
        %dma_start3A_560 = arith.constant 0 : i32
        %dma_start3A_561 = tpu.memref_slice %arg5[%dma_start3A_554, %dma_start3A_560] : memref<4x200xi32, #tpu.memory_space<vmem>> -> memref<1x128xi32, #tpu.memory_space<vmem>>
        %dma_start3A_562 = tpu.memref_squeeze %dma_start3A_561 : memref<1x128xi32, #tpu.memory_space<vmem>> -> memref<128xi32, #tpu.memory_space<vmem>>
        %dma_start3A_563 = arith.constant 0 : i32
        %dma_start3A_564 = arith.constant 0 : i32
        %dma_start3A_565 = tpu.memref_slice %arg3[%dma_start3A_563, %dma_start3A_564] : memref<100001x128xf32, #tpu.memory_space<hbm>> -> memref<100001x128xf32, #tpu.memory_space<hbm>>
        tpu.enqueue_indirect_dma source(%dma_start3A_565 : memref<100001x128xf32, #tpu.memory_space<hbm>>) target(%dma_start3A_559 : memref<128x128xf32, #tpu.memory_space<vmem>>) offsets(%dma_start3A_562 : memref<128xi32, #tpu.memory_space<vmem>>) semaphore(%arg12 : memref<!tpu.dma_semaphore, #tpu.memory_space<semaphore_mem>>)
        %dma_start3A_566 = arith.constant 0 : i32
        %dma_start3A_567 = arith.constant 0 : i32
        %dma_start3A_568 = arith.constant 128 : i32
        %dma_start3A_569 = arith.constant 0 : i32
        %dma_start3A_570 = tpu.memref_slice %arg6[%dma_start3A_567, %dma_start3A_568, %dma_start3A_569] : memref<4x200x128xf32, #tpu.memory_space<vmem>> -> memref<1x72x128xf32, #tpu.memory_space<vmem>>
        %dma_start3A_571 = tpu.memref_squeeze %dma_start3A_570 : memref<1x72x128xf32, #tpu.memory_space<vmem>> -> memref<72x128xf32, #tpu.memory_space<vmem>>
        %dma_start3A_572 = arith.constant 128 : i32
        %dma_start3A_573 = tpu.memref_slice %arg5[%dma_start3A_566, %dma_start3A_572] : memref<4x200xi32, #tpu.memory_space<vmem>> -> memref<1x72xi32, #tpu.memory_space<vmem>>
        %dma_start3A_574 = tpu.memref_squeeze %dma_start3A_573 : memref<1x72xi32, #tpu.memory_space<vmem>> -> memref<72xi32, #tpu.memory_space<vmem>>
        %dma_start3A_575 = arith.constant 0 : i32
        %dma_start3A_576 = arith.constant 0 : i32
        %dma_start3A_577 = tpu.memref_slice %arg3[%dma_start3A_575, %dma_start3A_576] : memref<100001x128xf32, #tpu.memory_space<hbm>> -> memref<100001x128xf32, #tpu.memory_space<hbm>>
        tpu.enqueue_indirect_dma source(%dma_start3A_577 : memref<100001x128xf32, #tpu.memory_space<hbm>>) target(%dma_start3A_571 : memref<72x128xf32, #tpu.memory_space<vmem>>) offsets(%dma_start3A_574 : memref<72xi32, #tpu.memory_space<vmem>>) semaphore(%arg12 : memref<!tpu.dma_semaphore, #tpu.memory_space<semaphore_mem>>)
      } else {
      }
      %add3A_307 = arith.constant 4 : i32
      %add3A_308 = arith.addi %add3A_273, %add3A_307 : i32
      %lt3A_309 = arith.constant 128 : i32
      %lt3A_310 = arith.cmpi slt, %add3A_308, %lt3A_309 : i32
      %convert_element_type3A_311 = arith.extui %lt3A_310 : i1 to i32
      %cond3A_312 = arith.constant 0 : i32
      %cond3A_313 = arith.cmpi ne, %convert_element_type3A_311, %cond3A_312 : i32
      scf.if %cond3A_313 {
        %add3A_540 = arith.constant 4 : i32
        %add3A_541 = arith.addi %add3A_273, %add3A_540 : i32
        %add3A_542 = arith.addi %mul3A_2, %add3A_541 : i32
        %dma_start3A_543 = arith.constant 1 : i32
        %dma_start3A_544 = arith.constant 0 : i32
        %dma_start3A_545 = tpu.memref_slice %arg5[%dma_start3A_543, %dma_start3A_544] : memref<4x200xi32, #tpu.memory_space<vmem>> -> memref<1x200xi32, #tpu.memory_space<vmem>>
        %dma_start3A_546 = tpu.memref_squeeze %dma_start3A_545 : memref<1x200xi32, #tpu.memory_space<vmem>> -> memref<200xi32, #tpu.memory_space<vmem>>
        %dma_start3A_547 = arith.constant 0 : i32
        %dma_start3A_548 = tpu.memref_slice %arg2[%add3A_542, %dma_start3A_547] : memref<4096x200xi32, #tpu.memory_space<hbm>> -> memref<1x200xi32, #tpu.memory_space<hbm>>
        %dma_start3A_549 = tpu.memref_squeeze %dma_start3A_548 : memref<1x200xi32, #tpu.memory_space<hbm>> -> memref<200xi32, #tpu.memory_space<hbm>>
        %dma_start3A_550 = arith.constant 0 : i32
        %dma_start3A_551 = tpu.memref_slice %arg5[%dma_start3A_543, %dma_start3A_550] : memref<4x200xi32, #tpu.memory_space<vmem>> -> memref<1x200xi32, #tpu.memory_space<vmem>>
        %dma_start3A_552 = tpu.memref_squeeze %dma_start3A_551 : memref<1x200xi32, #tpu.memory_space<vmem>> -> memref<200xi32, #tpu.memory_space<vmem>>
        %dma_start3A_553 = arith.constant 0 : i32
        %dma_start3A_554 = tpu.memref_slice %arg2[%add3A_542, %dma_start3A_553] : memref<4096x200xi32, #tpu.memory_space<hbm>> -> memref<1x200xi32, #tpu.memory_space<hbm>>
        %dma_start3A_555 = tpu.memref_squeeze %dma_start3A_554 : memref<1x200xi32, #tpu.memory_space<hbm>> -> memref<200xi32, #tpu.memory_space<hbm>>
        tpu.enqueue_dma source(%dma_start3A_555 : memref<200xi32, #tpu.memory_space<hbm>>) target(%dma_start3A_552 : memref<200xi32, #tpu.memory_space<vmem>>) target_semaphore(%arg9 : memref<!tpu.dma_semaphore, #tpu.memory_space<semaphore_mem>>)
      } else {
      }
      %scan3A_314 = arith.constant 0 : i32
      %scan3A_315 = arith.constant 50 : i32
      %scan3A_316 = arith.addi %scan3A_314, %scan3A_315 : i32
      %scan3A_317 = arith.constant 1 : i32
      %scan3A_318:8 = scf.for %scan3A_540 = %scan3A_314 to %scan3A_316 step %scan3A_317 iter_args(%scan3A_541 = %broadcast_in_dim3A_178, %scan3A_542 = %broadcast_in_dim3A_178, %scan3A_543 = %broadcast_in_dim3A_178, %scan3A_544 = %broadcast_in_dim3A_178, %scan3A_545 = %broadcast_in_dim3A_178, %scan3A_546 = %broadcast_in_dim3A_178, %scan3A_547 = %broadcast_in_dim3A_178, %scan3A_548 = %broadcast_in_dim3A_178) -> (vector<16xf32>, vector<16xf32>, vector<16xf32>, vector<16xf32>, vector<16xf32>, vector<16xf32>, vector<16xf32>, vector<16xf32>)  : i32 {
        %mul3A_549 = arith.constant 4 : i32
        %mul3A_550 = arith.muli %scan3A_540, %mul3A_549 : i32
        %add3A_551 = arith.constant 0 : i32
        %add3A_552 = arith.addi %mul3A_550, %add3A_551 : i32
        %get3A = arith.constant 1 : i32
        %get3A_553 = arith.index_cast %get3A : i32 to index
        %get3A_554 = arith.index_cast %add3A_552 : i32 to index
        %get3A_555 = arith.constant 0 : index
        %get3A_556 = tpu.vector_load %arg6[%get3A_553, %get3A_554, %get3A_555] {strides = array<i32>} : memref<4x200x128xf32, #tpu.memory_space<vmem>>, vector<1x1x16xf32>,
        %get3A_557 = vector.shape_cast %get3A_556 : vector<1x1x16xf32> to vector<16xf32>
        %add3A_558 = arith.addf %scan3A_541, %get3A_557 : vector<16xf32>
        %mul3A_559 = arith.constant 4 : i32
        %mul3A_560 = arith.muli %scan3A_540, %mul3A_559 : i32
        %add3A_561 = arith.constant 0 : i32
        %add3A_562 = arith.addi %mul3A_560, %add3A_561 : i32
        %get3A_563 = arith.constant 1 : i32
        %get3A_564 = arith.index_cast %get3A_563 : i32 to index
        %get3A_565 = arith.index_cast %add3A_562 : i32 to index
        %get3A_566 = arith.constant 16 : index
        %get3A_567 = tpu.vector_load %arg6[%get3A_564, %get3A_565, %get3A_566] {strides = array<i32>} : memref<4x200x128xf32, #tpu.memory_space<vmem>>, vector<1x1x16xf32>,
        %get3A_568 = vector.shape_cast %get3A_567 : vector<1x1x16xf32> to vector<16xf32>
        %add3A_569 = arith.addf %scan3A_542, %get3A_568 : vector<16xf32>
        %mul3A_570 = arith.constant 4 : i32
        %mul3A_571 = arith.muli %scan3A_540, %mul3A_570 : i32
        %add3A_572 = arith.constant 0 : i32
        %add3A_573 = arith.addi %mul3A_571, %add3A_572 : i32
        %get3A_574 = arith.constant 1 : i32
        %get3A_575 = arith.index_cast %get3A_574 : i32 to index
        %get3A_576 = arith.index_cast %add3A_573 : i32 to index
        %get3A_577 = arith.constant 32 : index
        %get3A_578 = tpu.vector_load %arg6[%get3A_575, %get3A_576, %get3A_577] {strides = array<i32>} : memref<4x200x128xf32, #tpu.memory_space<vmem>>, vector<1x1x16xf32>,
        %get3A_579 = vector.shape_cast %get3A_578 : vector<1x1x16xf32> to vector<16xf32>
        %add3A_580 = arith.addf %scan3A_543, %get3A_579 : vector<16xf32>
        %mul3A_581 = arith.constant 4 : i32
        %mul3A_582 = arith.muli %scan3A_540, %mul3A_581 : i32
        %add3A_583 = arith.constant 0 : i32
        %add3A_584 = arith.addi %mul3A_582, %add3A_583 : i32
        %get3A_585 = arith.constant 1 : i32
        %get3A_586 = arith.index_cast %get3A_585 : i32 to index
        %get3A_587 = arith.index_cast %add3A_584 : i32 to index
        %get3A_588 = arith.constant 48 : index
        %get3A_589 = tpu.vector_load %arg6[%get3A_586, %get3A_587, %get3A_588] {strides = array<i32>} : memref<4x200x128xf32, #tpu.memory_space<vmem>>, vector<1x1x16xf32>,
        %get3A_590 = vector.shape_cast %get3A_589 : vector<1x1x16xf32> to vector<16xf32>
        %add3A_591 = arith.addf %scan3A_544, %get3A_590 : vector<16xf32>
        %mul3A_592 = arith.constant 4 : i32
        %mul3A_593 = arith.muli %scan3A_540, %mul3A_592 : i32
        %add3A_594 = arith.constant 0 : i32
        %add3A_595 = arith.addi %mul3A_593, %add3A_594 : i32
        %get3A_596 = arith.constant 1 : i32
        %get3A_597 = arith.index_cast %get3A_596 : i32 to index
        %get3A_598 = arith.index_cast %add3A_595 : i32 to index
        %get3A_599 = arith.constant 64 : index
        %get3A_600 = tpu.vector_load %arg6[%get3A_597, %get3A_598, %get3A_599] {strides = array<i32>} : memref<4x200x128xf32, #tpu.memory_space<vmem>>, vector<1x1x16xf32>,
        %get3A_601 = vector.shape_cast %get3A_600 : vector<1x1x16xf32> to vector<16xf32>
        %add3A_602 = arith.addf %scan3A_545, %get3A_601 : vector<16xf32>
        %mul3A_603 = arith.constant 4 : i32
        %mul3A_604 = arith.muli %scan3A_540, %mul3A_603 : i32
        %add3A_605 = arith.constant 0 : i32
        %add3A_606 = arith.addi %mul3A_604, %add3A_605 : i32
        %get3A_607 = arith.constant 1 : i32
        %get3A_608 = arith.index_cast %get3A_607 : i32 to index
        %get3A_609 = arith.index_cast %add3A_606 : i32 to index
        %get3A_610 = arith.constant 80 : index
        %get3A_611 = tpu.vector_load %arg6[%get3A_608, %get3A_609, %get3A_610] {strides = array<i32>} : memref<4x200x128xf32, #tpu.memory_space<vmem>>, vector<1x1x16xf32>,
        %get3A_612 = vector.shape_cast %get3A_611 : vector<1x1x16xf32> to vector<16xf32>
        %add3A_613 = arith.addf %scan3A_546, %get3A_612 : vector<16xf32>
        %mul3A_614 = arith.constant 4 : i32
        %mul3A_615 = arith.muli %scan3A_540, %mul3A_614 : i32
        %add3A_616 = arith.constant 0 : i32
        %add3A_617 = arith.addi %mul3A_615, %add3A_616 : i32
        %get3A_618 = arith.constant 1 : i32
        %get3A_619 = arith.index_cast %get3A_618 : i32 to index
        %get3A_620 = arith.index_cast %add3A_617 : i32 to index
        %get3A_621 = arith.constant 96 : index
        %get3A_622 = tpu.vector_load %arg6[%get3A_619, %get3A_620, %get3A_621] {strides = array<i32>} : memref<4x200x128xf32, #tpu.memory_space<vmem>>, vector<1x1x16xf32>,
        %get3A_623 = vector.shape_cast %get3A_622 : vector<1x1x16xf32> to vector<16xf32>
        %add3A_624 = arith.addf %scan3A_547, %get3A_623 : vector<16xf32>
        %mul3A_625 = arith.constant 4 : i32
        %mul3A_626 = arith.muli %scan3A_540, %mul3A_625 : i32
        %add3A_627 = arith.constant 0 : i32
        %add3A_628 = arith.addi %mul3A_626, %add3A_627 : i32
        %get3A_629 = arith.constant 1 : i32
        %get3A_630 = arith.index_cast %get3A_629 : i32 to index
        %get3A_631 = arith.index_cast %add3A_628 : i32 to index
        %get3A_632 = arith.constant 112 : index
        %get3A_633 = tpu.vector_load %arg6[%get3A_630, %get3A_631, %get3A_632] {strides = array<i32>} : memref<4x200x128xf32, #tpu.memory_space<vmem>>, vector<1x1x16xf32>,
        %get3A_634 = vector.shape_cast %get3A_633 : vector<1x1x16xf32> to vector<16xf32>
        %add3A_635 = arith.addf %scan3A_548, %get3A_634 : vector<16xf32>
        %mul3A_636 = arith.constant 4 : i32
        %mul3A_637 = arith.muli %scan3A_540, %mul3A_636 : i32
        %add3A_638 = arith.constant 1 : i32
        %add3A_639 = arith.addi %mul3A_637, %add3A_638 : i32
        %get3A_640 = arith.constant 1 : i32
        %get3A_641 = arith.index_cast %get3A_640 : i32 to index
        %get3A_642 = arith.index_cast %add3A_639 : i32 to index
        %get3A_643 = arith.constant 0 : index
        %get3A_644 = tpu.vector_load %arg6[%get3A_641, %get3A_642, %get3A_643] {strides = array<i32>} : memref<4x200x128xf32, #tpu.memory_space<vmem>>, vector<1x1x16xf32>,
        %get3A_645 = vector.shape_cast %get3A_644 : vector<1x1x16xf32> to vector<16xf32>
        %add3A_646 = arith.addf %add3A_558, %get3A_645 : vector<16xf32>
        %mul3A_647 = arith.constant 4 : i32
        %mul3A_648 = arith.muli %scan3A_540, %mul3A_647 : i32
        %add3A_649 = arith.constant 1 : i32
        %add3A_650 = arith.addi %mul3A_648, %add3A_649 : i32
        %get3A_651 = arith.constant 1 : i32
        %get3A_652 = arith.index_cast %get3A_651 : i32 to index
        %get3A_653 = arith.index_cast %add3A_650 : i32 to index
        %get3A_654 = arith.constant 16 : index
        %get3A_655 = tpu.vector_load %arg6[%get3A_652, %get3A_653, %get3A_654] {strides = array<i32>} : memref<4x200x128xf32, #tpu.memory_space<vmem>>, vector<1x1x16xf32>,
        %get3A_656 = vector.shape_cast %get3A_655 : vector<1x1x16xf32> to vector<16xf32>
        %add3A_657 = arith.addf %add3A_569, %get3A_656 : vector<16xf32>
        %mul3A_658 = arith.constant 4 : i32
        %mul3A_659 = arith.muli %scan3A_540, %mul3A_658 : i32
        %add3A_660 = arith.constant 1 : i32
        %add3A_661 = arith.addi %mul3A_659, %add3A_660 : i32
        %get3A_662 = arith.constant 1 : i32
        %get3A_663 = arith.index_cast %get3A_662 : i32 to index
        %get3A_664 = arith.index_cast %add3A_661 : i32 to index
        %get3A_665 = arith.constant 32 : index
        %get3A_666 = tpu.vector_load %arg6[%get3A_663, %get3A_664, %get3A_665] {strides = array<i32>} : memref<4x200x128xf32, #tpu.memory_space<vmem>>, vector<1x1x16xf32>,
        %get3A_667 = vector.shape_cast %get3A_666 : vector<1x1x16xf32> to vector<16xf32>
        %add3A_668 = arith.addf %add3A_580, %get3A_667 : vector<16xf32>
        %mul3A_669 = arith.constant 4 : i32
        %mul3A_670 = arith.muli %scan3A_540, %mul3A_669 : i32
        %add3A_671 = arith.constant 1 : i32
        %add3A_672 = arith.addi %mul3A_670, %add3A_671 : i32
        %get3A_673 = arith.constant 1 : i32
        %get3A_674 = arith.index_cast %get3A_673 : i32 to index
        %get3A_675 = arith.index_cast %add3A_672 : i32 to index
        %get3A_676 = arith.constant 48 : index
        %get3A_677 = tpu.vector_load %arg6[%get3A_674, %get3A_675, %get3A_676] {strides = array<i32>} : memref<4x200x128xf32, #tpu.memory_space<vmem>>, vector<1x1x16xf32>,
        %get3A_678 = vector.shape_cast %get3A_677 : vector<1x1x16xf32> to vector<16xf32>
        %add3A_679 = arith.addf %add3A_591, %get3A_678 : vector<16xf32>
        %mul3A_680 = arith.constant 4 : i32
        %mul3A_681 = arith.muli %scan3A_540, %mul3A_680 : i32
        %add3A_682 = arith.constant 1 : i32
        %add3A_683 = arith.addi %mul3A_681, %add3A_682 : i32
        %get3A_684 = arith.constant 1 : i32
        %get3A_685 = arith.index_cast %get3A_684 : i32 to index
        %get3A_686 = arith.index_cast %add3A_683 : i32 to index
        %get3A_687 = arith.constant 64 : index
        %get3A_688 = tpu.vector_load %arg6[%get3A_685, %get3A_686, %get3A_687] {strides = array<i32>} : memref<4x200x128xf32, #tpu.memory_space<vmem>>, vector<1x1x16xf32>,
        %get3A_689 = vector.shape_cast %get3A_688 : vector<1x1x16xf32> to vector<16xf32>
        %add3A_690 = arith.addf %add3A_602, %get3A_689 : vector<16xf32>
        %mul3A_691 = arith.constant 4 : i32
        %mul3A_692 = arith.muli %scan3A_540, %mul3A_691 : i32
        %add3A_693 = arith.constant 1 : i32
        %add3A_694 = arith.addi %mul3A_692, %add3A_693 : i32
        %get3A_695 = arith.constant 1 : i32
        %get3A_696 = arith.index_cast %get3A_695 : i32 to index
        %get3A_697 = arith.index_cast %add3A_694 : i32 to index
        %get3A_698 = arith.constant 80 : index
        %get3A_699 = tpu.vector_load %arg6[%get3A_696, %get3A_697, %get3A_698] {strides = array<i32>} : memref<4x200x128xf32, #tpu.memory_space<vmem>>, vector<1x1x16xf32>,
        %get3A_700 = vector.shape_cast %get3A_699 : vector<1x1x16xf32> to vector<16xf32>
        %add3A_701 = arith.addf %add3A_613, %get3A_700 : vector<16xf32>
        %mul3A_702 = arith.constant 4 : i32
        %mul3A_703 = arith.muli %scan3A_540, %mul3A_702 : i32
        %add3A_704 = arith.constant 1 : i32
        %add3A_705 = arith.addi %mul3A_703, %add3A_704 : i32
        %get3A_706 = arith.constant 1 : i32
        %get3A_707 = arith.index_cast %get3A_706 : i32 to index
        %get3A_708 = arith.index_cast %add3A_705 : i32 to index
        %get3A_709 = arith.constant 96 : index
        %get3A_710 = tpu.vector_load %arg6[%get3A_707, %get3A_708, %get3A_709] {strides = array<i32>} : memref<4x200x128xf32, #tpu.memory_space<vmem>>, vector<1x1x16xf32>,
        %get3A_711 = vector.shape_cast %get3A_710 : vector<1x1x16xf32> to vector<16xf32>
        %add3A_712 = arith.addf %add3A_624, %get3A_711 : vector<16xf32>
        %mul3A_713 = arith.constant 4 : i32
        %mul3A_714 = arith.muli %scan3A_540, %mul3A_713 : i32
        %add3A_715 = arith.constant 1 : i32
        %add3A_716 = arith.addi %mul3A_714, %add3A_715 : i32
        %get3A_717 = arith.constant 1 : i32
        %get3A_718 = arith.index_cast %get3A_717 : i32 to index
        %get3A_719 = arith.index_cast %add3A_716 : i32 to index
        %get3A_720 = arith.constant 112 : index
        %get3A_721 = tpu.vector_load %arg6[%get3A_718, %get3A_719, %get3A_720] {strides = array<i32>} : memref<4x200x128xf32, #tpu.memory_space<vmem>>, vector<1x1x16xf32>,
        %get3A_722 = vector.shape_cast %get3A_721 : vector<1x1x16xf32> to vector<16xf32>
        %add3A_723 = arith.addf %add3A_635, %get3A_722 : vector<16xf32>
        %mul3A_724 = arith.constant 4 : i32
        %mul3A_725 = arith.muli %scan3A_540, %mul3A_724 : i32
        %add3A_726 = arith.constant 2 : i32
        %add3A_727 = arith.addi %mul3A_725, %add3A_726 : i32
        %get3A_728 = arith.constant 1 : i32
        %get3A_729 = arith.index_cast %get3A_728 : i32 to index
        %get3A_730 = arith.index_cast %add3A_727 : i32 to index
        %get3A_731 = arith.constant 0 : index
        %get3A_732 = tpu.vector_load %arg6[%get3A_729, %get3A_730, %get3A_731] {strides = array<i32>} : memref<4x200x128xf32, #tpu.memory_space<vmem>>, vector<1x1x16xf32>,
        %get3A_733 = vector.shape_cast %get3A_732 : vector<1x1x16xf32> to vector<16xf32>
        %add3A_734 = arith.addf %add3A_646, %get3A_733 : vector<16xf32>
        %mul3A_735 = arith.constant 4 : i32
        %mul3A_736 = arith.muli %scan3A_540, %mul3A_735 : i32
        %add3A_737 = arith.constant 2 : i32
        %add3A_738 = arith.addi %mul3A_736, %add3A_737 : i32
        %get3A_739 = arith.constant 1 : i32
        %get3A_740 = arith.index_cast %get3A_739 : i32 to index
        %get3A_741 = arith.index_cast %add3A_738 : i32 to index
        %get3A_742 = arith.constant 16 : index
        %get3A_743 = tpu.vector_load %arg6[%get3A_740, %get3A_741, %get3A_742] {strides = array<i32>} : memref<4x200x128xf32, #tpu.memory_space<vmem>>, vector<1x1x16xf32>,
        %get3A_744 = vector.shape_cast %get3A_743 : vector<1x1x16xf32> to vector<16xf32>
        %add3A_745 = arith.addf %add3A_657, %get3A_744 : vector<16xf32>
        %mul3A_746 = arith.constant 4 : i32
        %mul3A_747 = arith.muli %scan3A_540, %mul3A_746 : i32
        %add3A_748 = arith.constant 2 : i32
        %add3A_749 = arith.addi %mul3A_747, %add3A_748 : i32
        %get3A_750 = arith.constant 1 : i32
        %get3A_751 = arith.index_cast %get3A_750 : i32 to index
        %get3A_752 = arith.index_cast %add3A_749 : i32 to index
        %get3A_753 = arith.constant 32 : index
        %get3A_754 = tpu.vector_load %arg6[%get3A_751, %get3A_752, %get3A_753] {strides = array<i32>} : memref<4x200x128xf32, #tpu.memory_space<vmem>>, vector<1x1x16xf32>,
        %get3A_755 = vector.shape_cast %get3A_754 : vector<1x1x16xf32> to vector<16xf32>
        %add3A_756 = arith.addf %add3A_668, %get3A_755 : vector<16xf32>
        %mul3A_757 = arith.constant 4 : i32
        %mul3A_758 = arith.muli %scan3A_540, %mul3A_757 : i32
        %add3A_759 = arith.constant 2 : i32
        %add3A_760 = arith.addi %mul3A_758, %add3A_759 : i32
        %get3A_761 = arith.constant 1 : i32
        %get3A_762 = arith.index_cast %get3A_761 : i32 to index
        %get3A_763 = arith.index_cast %add3A_760 : i32 to index
        %get3A_764 = arith.constant 48 : index
        %get3A_765 = tpu.vector_load %arg6[%get3A_762, %get3A_763, %get3A_764] {strides = array<i32>} : memref<4x200x128xf32, #tpu.memory_space<vmem>>, vector<1x1x16xf32>,
        %get3A_766 = vector.shape_cast %get3A_765 : vector<1x1x16xf32> to vector<16xf32>
        %add3A_767 = arith.addf %add3A_679, %get3A_766 : vector<16xf32>
        %mul3A_768 = arith.constant 4 : i32
        %mul3A_769 = arith.muli %scan3A_540, %mul3A_768 : i32
        %add3A_770 = arith.constant 2 : i32
        %add3A_771 = arith.addi %mul3A_769, %add3A_770 : i32
        %get3A_772 = arith.constant 1 : i32
        %get3A_773 = arith.index_cast %get3A_772 : i32 to index
        %get3A_774 = arith.index_cast %add3A_771 : i32 to index
        %get3A_775 = arith.constant 64 : index
        %get3A_776 = tpu.vector_load %arg6[%get3A_773, %get3A_774, %get3A_775] {strides = array<i32>} : memref<4x200x128xf32, #tpu.memory_space<vmem>>, vector<1x1x16xf32>,
        %get3A_777 = vector.shape_cast %get3A_776 : vector<1x1x16xf32> to vector<16xf32>
        %add3A_778 = arith.addf %add3A_690, %get3A_777 : vector<16xf32>
        %mul3A_779 = arith.constant 4 : i32
        %mul3A_780 = arith.muli %scan3A_540, %mul3A_779 : i32
        %add3A_781 = arith.constant 2 : i32
        %add3A_782 = arith.addi %mul3A_780, %add3A_781 : i32
        %get3A_783 = arith.constant 1 : i32
        %get3A_784 = arith.index_cast %get3A_783 : i32 to index
        %get3A_785 = arith.index_cast %add3A_782 : i32 to index
        %get3A_786 = arith.constant 80 : index
        %get3A_787 = tpu.vector_load %arg6[%get3A_784, %get3A_785, %get3A_786] {strides = array<i32>} : memref<4x200x128xf32, #tpu.memory_space<vmem>>, vector<1x1x16xf32>,
        %get3A_788 = vector.shape_cast %get3A_787 : vector<1x1x16xf32> to vector<16xf32>
        %add3A_789 = arith.addf %add3A_701, %get3A_788 : vector<16xf32>
        %mul3A_790 = arith.constant 4 : i32
        %mul3A_791 = arith.muli %scan3A_540, %mul3A_790 : i32
        %add3A_792 = arith.constant 2 : i32
        %add3A_793 = arith.addi %mul3A_791, %add3A_792 : i32
        %get3A_794 = arith.constant 1 : i32
        %get3A_795 = arith.index_cast %get3A_794 : i32 to index
        %get3A_796 = arith.index_cast %add3A_793 : i32 to index
        %get3A_797 = arith.constant 96 : index
        %get3A_798 = tpu.vector_load %arg6[%get3A_795, %get3A_796, %get3A_797] {strides = array<i32>} : memref<4x200x128xf32, #tpu.memory_space<vmem>>, vector<1x1x16xf32>,
        %get3A_799 = vector.shape_cast %get3A_798 : vector<1x1x16xf32> to vector<16xf32>
        %add3A_800 = arith.addf %add3A_712, %get3A_799 : vector<16xf32>
        %mul3A_801 = arith.constant 4 : i32
        %mul3A_802 = arith.muli %scan3A_540, %mul3A_801 : i32
        %add3A_803 = arith.constant 2 : i32
        %add3A_804 = arith.addi %mul3A_802, %add3A_803 : i32
        %get3A_805 = arith.constant 1 : i32
        %get3A_806 = arith.index_cast %get3A_805 : i32 to index
        %get3A_807 = arith.index_cast %add3A_804 : i32 to index
        %get3A_808 = arith.constant 112 : index
        %get3A_809 = tpu.vector_load %arg6[%get3A_806, %get3A_807, %get3A_808] {strides = array<i32>} : memref<4x200x128xf32, #tpu.memory_space<vmem>>, vector<1x1x16xf32>,
        %get3A_810 = vector.shape_cast %get3A_809 : vector<1x1x16xf32> to vector<16xf32>
        %add3A_811 = arith.addf %add3A_723, %get3A_810 : vector<16xf32>
        %mul3A_812 = arith.constant 4 : i32
        %mul3A_813 = arith.muli %scan3A_540, %mul3A_812 : i32
        %add3A_814 = arith.constant 3 : i32
        %add3A_815 = arith.addi %mul3A_813, %add3A_814 : i32
        %get3A_816 = arith.constant 1 : i32
        %get3A_817 = arith.index_cast %get3A_816 : i32 to index
        %get3A_818 = arith.index_cast %add3A_815 : i32 to index
        %get3A_819 = arith.constant 0 : index
        %get3A_820 = tpu.vector_load %arg6[%get3A_817, %get3A_818, %get3A_819] {strides = array<i32>} : memref<4x200x128xf32, #tpu.memory_space<vmem>>, vector<1x1x16xf32>,
        %get3A_821 = vector.shape_cast %get3A_820 : vector<1x1x16xf32> to vector<16xf32>
        %add3A_822 = arith.addf %add3A_734, %get3A_821 : vector<16xf32>
        %mul3A_823 = arith.constant 4 : i32
        %mul3A_824 = arith.muli %scan3A_540, %mul3A_823 : i32
        %add3A_825 = arith.constant 3 : i32
        %add3A_826 = arith.addi %mul3A_824, %add3A_825 : i32
        %get3A_827 = arith.constant 1 : i32
        %get3A_828 = arith.index_cast %get3A_827 : i32 to index
        %get3A_829 = arith.index_cast %add3A_826 : i32 to index
        %get3A_830 = arith.constant 16 : index
        %get3A_831 = tpu.vector_load %arg6[%get3A_828, %get3A_829, %get3A_830] {strides = array<i32>} : memref<4x200x128xf32, #tpu.memory_space<vmem>>, vector<1x1x16xf32>,
        %get3A_832 = vector.shape_cast %get3A_831 : vector<1x1x16xf32> to vector<16xf32>
        %add3A_833 = arith.addf %add3A_745, %get3A_832 : vector<16xf32>
        %mul3A_834 = arith.constant 4 : i32
        %mul3A_835 = arith.muli %scan3A_540, %mul3A_834 : i32
        %add3A_836 = arith.constant 3 : i32
        %add3A_837 = arith.addi %mul3A_835, %add3A_836 : i32
        %get3A_838 = arith.constant 1 : i32
        %get3A_839 = arith.index_cast %get3A_838 : i32 to index
        %get3A_840 = arith.index_cast %add3A_837 : i32 to index
        %get3A_841 = arith.constant 32 : index
        %get3A_842 = tpu.vector_load %arg6[%get3A_839, %get3A_840, %get3A_841] {strides = array<i32>} : memref<4x200x128xf32, #tpu.memory_space<vmem>>, vector<1x1x16xf32>,
        %get3A_843 = vector.shape_cast %get3A_842 : vector<1x1x16xf32> to vector<16xf32>
        %add3A_844 = arith.addf %add3A_756, %get3A_843 : vector<16xf32>
        %mul3A_845 = arith.constant 4 : i32
        %mul3A_846 = arith.muli %scan3A_540, %mul3A_845 : i32
        %add3A_847 = arith.constant 3 : i32
        %add3A_848 = arith.addi %mul3A_846, %add3A_847 : i32
        %get3A_849 = arith.constant 1 : i32
        %get3A_850 = arith.index_cast %get3A_849 : i32 to index
        %get3A_851 = arith.index_cast %add3A_848 : i32 to index
        %get3A_852 = arith.constant 48 : index
        %get3A_853 = tpu.vector_load %arg6[%get3A_850, %get3A_851, %get3A_852] {strides = array<i32>} : memref<4x200x128xf32, #tpu.memory_space<vmem>>, vector<1x1x16xf32>,
        %get3A_854 = vector.shape_cast %get3A_853 : vector<1x1x16xf32> to vector<16xf32>
        %add3A_855 = arith.addf %add3A_767, %get3A_854 : vector<16xf32>
        %mul3A_856 = arith.constant 4 : i32
        %mul3A_857 = arith.muli %scan3A_540, %mul3A_856 : i32
        %add3A_858 = arith.constant 3 : i32
        %add3A_859 = arith.addi %mul3A_857, %add3A_858 : i32
        %get3A_860 = arith.constant 1 : i32
        %get3A_861 = arith.index_cast %get3A_860 : i32 to index
        %get3A_862 = arith.index_cast %add3A_859 : i32 to index
        %get3A_863 = arith.constant 64 : index
        %get3A_864 = tpu.vector_load %arg6[%get3A_861, %get3A_862, %get3A_863] {strides = array<i32>} : memref<4x200x128xf32, #tpu.memory_space<vmem>>, vector<1x1x16xf32>,
        %get3A_865 = vector.shape_cast %get3A_864 : vector<1x1x16xf32> to vector<16xf32>
        %add3A_866 = arith.addf %add3A_778, %get3A_865 : vector<16xf32>
        %mul3A_867 = arith.constant 4 : i32
        %mul3A_868 = arith.muli %scan3A_540, %mul3A_867 : i32
        %add3A_869 = arith.constant 3 : i32
        %add3A_870 = arith.addi %mul3A_868, %add3A_869 : i32
        %get3A_871 = arith.constant 1 : i32
        %get3A_872 = arith.index_cast %get3A_871 : i32 to index
        %get3A_873 = arith.index_cast %add3A_870 : i32 to index
        %get3A_874 = arith.constant 80 : index
        %get3A_875 = tpu.vector_load %arg6[%get3A_872, %get3A_873, %get3A_874] {strides = array<i32>} : memref<4x200x128xf32, #tpu.memory_space<vmem>>, vector<1x1x16xf32>,
        %get3A_876 = vector.shape_cast %get3A_875 : vector<1x1x16xf32> to vector<16xf32>
        %add3A_877 = arith.addf %add3A_789, %get3A_876 : vector<16xf32>
        %mul3A_878 = arith.constant 4 : i32
        %mul3A_879 = arith.muli %scan3A_540, %mul3A_878 : i32
        %add3A_880 = arith.constant 3 : i32
        %add3A_881 = arith.addi %mul3A_879, %add3A_880 : i32
        %get3A_882 = arith.constant 1 : i32
        %get3A_883 = arith.index_cast %get3A_882 : i32 to index
        %get3A_884 = arith.index_cast %add3A_881 : i32 to index
        %get3A_885 = arith.constant 96 : index
        %get3A_886 = tpu.vector_load %arg6[%get3A_883, %get3A_884, %get3A_885] {strides = array<i32>} : memref<4x200x128xf32, #tpu.memory_space<vmem>>, vector<1x1x16xf32>,
        %get3A_887 = vector.shape_cast %get3A_886 : vector<1x1x16xf32> to vector<16xf32>
        %add3A_888 = arith.addf %add3A_800, %get3A_887 : vector<16xf32>
        %mul3A_889 = arith.constant 4 : i32
        %mul3A_890 = arith.muli %scan3A_540, %mul3A_889 : i32
        %add3A_891 = arith.constant 3 : i32
        %add3A_892 = arith.addi %mul3A_890, %add3A_891 : i32
        %get3A_893 = arith.constant 1 : i32
        %get3A_894 = arith.index_cast %get3A_893 : i32 to index
        %get3A_895 = arith.index_cast %add3A_892 : i32 to index
        %get3A_896 = arith.constant 112 : index
        %get3A_897 = tpu.vector_load %arg6[%get3A_894, %get3A_895, %get3A_896] {strides = array<i32>} : memref<4x200x128xf32, #tpu.memory_space<vmem>>, vector<1x1x16xf32>,
        %get3A_898 = vector.shape_cast %get3A_897 : vector<1x1x16xf32> to vector<16xf32>
        %add3A_899 = arith.addf %add3A_811, %get3A_898 : vector<16xf32>
        scf.yield %add3A_822, %add3A_833, %add3A_844, %add3A_855, %add3A_866, %add3A_877, %add3A_888, %add3A_899 : vector<16xf32>, vector<16xf32>, vector<16xf32>, vector<16xf32>, vector<16xf32>, vector<16xf32>, vector<16xf32>, vector<16xf32>
      }
      %scan3A_319 = arith.constant 50 : i32
      %swap3A_320 = arith.index_cast %add3A_273 : i32 to index
      %swap3A_321 = arith.constant 0 : index
      %swap3A_322 = tpu.vector_load %arg7[%swap3A_320, %swap3A_321] {strides = array<i32>} : memref<128x128xf32, #tpu.memory_space<vmem>>, vector<1x16xf32>,
      %swap3A_323 = vector.shape_cast %swap3A_322 : vector<1x16xf32> to vector<16xf32>
      %swap3A_324 = vector.shape_cast %scan3A_318#0 : vector<16xf32> to vector<1x16xf32>
      tpu.vector_store %arg7[%swap3A_320, %swap3A_321], %swap3A_324 {strides = array<i32>} : memref<128x128xf32, #tpu.memory_space<vmem>>, vector<1x16xf32>,
      %swap3A_325 = arith.index_cast %add3A_273 : i32 to index
      %swap3A_326 = arith.constant 16 : index
      %swap3A_327 = tpu.vector_load %arg7[%swap3A_325, %swap3A_326] {strides = array<i32>} : memref<128x128xf32, #tpu.memory_space<vmem>>, vector<1x16xf32>,
      %swap3A_328 = vector.shape_cast %swap3A_327 : vector<1x16xf32> to vector<16xf32>
      %swap3A_329 = vector.shape_cast %scan3A_318#1 : vector<16xf32> to vector<1x16xf32>
      tpu.vector_store %arg7[%swap3A_325, %swap3A_326], %swap3A_329 {strides = array<i32>} : memref<128x128xf32, #tpu.memory_space<vmem>>, vector<1x16xf32>,
      %swap3A_330 = arith.index_cast %add3A_273 : i32 to index
      %swap3A_331 = arith.constant 32 : index
      %swap3A_332 = tpu.vector_load %arg7[%swap3A_330, %swap3A_331] {strides = array<i32>} : memref<128x128xf32, #tpu.memory_space<vmem>>, vector<1x16xf32>,
      %swap3A_333 = vector.shape_cast %swap3A_332 : vector<1x16xf32> to vector<16xf32>
      %swap3A_334 = vector.shape_cast %scan3A_318#2 : vector<16xf32> to vector<1x16xf32>
      tpu.vector_store %arg7[%swap3A_330, %swap3A_331], %swap3A_334 {strides = array<i32>} : memref<128x128xf32, #tpu.memory_space<vmem>>, vector<1x16xf32>,
      %swap3A_335 = arith.index_cast %add3A_273 : i32 to index
      %swap3A_336 = arith.constant 48 : index
      %swap3A_337 = tpu.vector_load %arg7[%swap3A_335, %swap3A_336] {strides = array<i32>} : memref<128x128xf32, #tpu.memory_space<vmem>>, vector<1x16xf32>,
      %swap3A_338 = vector.shape_cast %swap3A_337 : vector<1x16xf32> to vector<16xf32>
      %swap3A_339 = vector.shape_cast %scan3A_318#3 : vector<16xf32> to vector<1x16xf32>
      tpu.vector_store %arg7[%swap3A_335, %swap3A_336], %swap3A_339 {strides = array<i32>} : memref<128x128xf32, #tpu.memory_space<vmem>>, vector<1x16xf32>,
      %swap3A_340 = arith.index_cast %add3A_273 : i32 to index
      %swap3A_341 = arith.constant 64 : index
      %swap3A_342 = tpu.vector_load %arg7[%swap3A_340, %swap3A_341] {strides = array<i32>} : memref<128x128xf32, #tpu.memory_space<vmem>>, vector<1x16xf32>,
      %swap3A_343 = vector.shape_cast %swap3A_342 : vector<1x16xf32> to vector<16xf32>
      %swap3A_344 = vector.shape_cast %scan3A_318#4 : vector<16xf32> to vector<1x16xf32>
      tpu.vector_store %arg7[%swap3A_340, %swap3A_341], %swap3A_344 {strides = array<i32>} : memref<128x128xf32, #tpu.memory_space<vmem>>, vector<1x16xf32>,
      %swap3A_345 = arith.index_cast %add3A_273 : i32 to index
      %swap3A_346 = arith.constant 80 : index
      %swap3A_347 = tpu.vector_load %arg7[%swap3A_345, %swap3A_346] {strides = array<i32>} : memref<128x128xf32, #tpu.memory_space<vmem>>, vector<1x16xf32>,
      %swap3A_348 = vector.shape_cast %swap3A_347 : vector<1x16xf32> to vector<16xf32>
      %swap3A_349 = vector.shape_cast %scan3A_318#5 : vector<16xf32> to vector<1x16xf32>
      tpu.vector_store %arg7[%swap3A_345, %swap3A_346], %swap3A_349 {strides = array<i32>} : memref<128x128xf32, #tpu.memory_space<vmem>>, vector<1x16xf32>,
      %swap3A_350 = arith.index_cast %add3A_273 : i32 to index
      %swap3A_351 = arith.constant 96 : index
      %swap3A_352 = tpu.vector_load %arg7[%swap3A_350, %swap3A_351] {strides = array<i32>} : memref<128x128xf32, #tpu.memory_space<vmem>>, vector<1x16xf32>,
      %swap3A_353 = vector.shape_cast %swap3A_352 : vector<1x16xf32> to vector<16xf32>
      %swap3A_354 = vector.shape_cast %scan3A_318#6 : vector<16xf32> to vector<1x16xf32>
      tpu.vector_store %arg7[%swap3A_350, %swap3A_351], %swap3A_354 {strides = array<i32>} : memref<128x128xf32, #tpu.memory_space<vmem>>, vector<1x16xf32>,
      %swap3A_355 = arith.index_cast %add3A_273 : i32 to index
      %swap3A_356 = arith.constant 112 : index
      %swap3A_357 = tpu.vector_load %arg7[%swap3A_355, %swap3A_356] {strides = array<i32>} : memref<128x128xf32, #tpu.memory_space<vmem>>, vector<1x16xf32>,
      %swap3A_358 = vector.shape_cast %swap3A_357 : vector<1x16xf32> to vector<16xf32>
      %swap3A_359 = vector.shape_cast %scan3A_318#7 : vector<16xf32> to vector<1x16xf32>
      tpu.vector_store %arg7[%swap3A_355, %swap3A_356], %swap3A_359 {strides = array<i32>} : memref<128x128xf32, #tpu.memory_space<vmem>>, vector<1x16xf32>,
      %mul3A_360 = arith.constant 4 : i32
      %mul3A_361 = arith.muli %scan3A_184, %mul3A_360 : i32
      %add3A_362 = arith.constant 2 : i32
      %add3A_363 = arith.addi %mul3A_361, %add3A_362 : i32
      %dma_wait3A_364 = arith.constant 2 : i32
      %dma_wait3A_365 = arith.constant 2 : i32
      %dma_wait3A_366 = arith.constant 0 : i32
      %dma_wait3A_367 = arith.constant 0 : i32
      %dma_wait3A_368 = tpu.memref_slice %arg6[%dma_wait3A_365, %dma_wait3A_366, %dma_wait3A_367] : memref<4x200x128xf32, #tpu.memory_space<vmem>> -> memref<1x128x128xf32, #tpu.memory_space<vmem>>
      %dma_wait3A_369 = tpu.memref_squeeze %dma_wait3A_368 : memref<1x128x128xf32, #tpu.memory_space<vmem>> -> memref<128x128xf32, #tpu.memory_space<vmem>>
      %dma_wait3A_370 = arith.constant 0 : i32
      %dma_wait3A_371 = tpu.memref_slice %arg5[%dma_wait3A_364, %dma_wait3A_370] : memref<4x200xi32, #tpu.memory_space<vmem>> -> memref<1x128xi32, #tpu.memory_space<vmem>>
      %dma_wait3A_372 = tpu.memref_squeeze %dma_wait3A_371 : memref<1x128xi32, #tpu.memory_space<vmem>> -> memref<128xi32, #tpu.memory_space<vmem>>
      %dma_wait3A_373 = arith.constant 0 : i32
      %dma_wait3A_374 = arith.constant 0 : i32
      %dma_wait3A_375 = tpu.memref_slice %arg3[%dma_wait3A_373, %dma_wait3A_374] : memref<100001x128xf32, #tpu.memory_space<hbm>> -> memref<100001x128xf32, #tpu.memory_space<hbm>>
      tpu.wait_indirect_dma semaphore(%arg14 : memref<!tpu.dma_semaphore, #tpu.memory_space<semaphore_mem>>) src(%dma_wait3A_375 : memref<100001x128xf32, #tpu.memory_space<hbm>>) dst(%dma_wait3A_369 : memref<128x128xf32, #tpu.memory_space<vmem>>)
      %dma_wait3A_376 = arith.constant 2 : i32
      %dma_wait3A_377 = arith.constant 2 : i32
      %dma_wait3A_378 = arith.constant 128 : i32
      %dma_wait3A_379 = arith.constant 0 : i32
      %dma_wait3A_380 = tpu.memref_slice %arg6[%dma_wait3A_377, %dma_wait3A_378, %dma_wait3A_379] : memref<4x200x128xf32, #tpu.memory_space<vmem>> -> memref<1x72x128xf32, #tpu.memory_space<vmem>>
      %dma_wait3A_381 = tpu.memref_squeeze %dma_wait3A_380 : memref<1x72x128xf32, #tpu.memory_space<vmem>> -> memref<72x128xf32, #tpu.memory_space<vmem>>
      %dma_wait3A_382 = arith.constant 128 : i32
      %dma_wait3A_383 = tpu.memref_slice %arg5[%dma_wait3A_376, %dma_wait3A_382] : memref<4x200xi32, #tpu.memory_space<vmem>> -> memref<1x72xi32, #tpu.memory_space<vmem>>
      %dma_wait3A_384 = tpu.memref_squeeze %dma_wait3A_383 : memref<1x72xi32, #tpu.memory_space<vmem>> -> memref<72xi32, #tpu.memory_space<vmem>>
      %dma_wait3A_385 = arith.constant 0 : i32
      %dma_wait3A_386 = arith.constant 0 : i32
      %dma_wait3A_387 = tpu.memref_slice %arg3[%dma_wait3A_385, %dma_wait3A_386] : memref<100001x128xf32, #tpu.memory_space<hbm>> -> memref<100001x128xf32, #tpu.memory_space<hbm>>
      tpu.wait_indirect_dma semaphore(%arg14 : memref<!tpu.dma_semaphore, #tpu.memory_space<semaphore_mem>>) src(%dma_wait3A_387 : memref<100001x128xf32, #tpu.memory_space<hbm>>) dst(%dma_wait3A_381 : memref<72x128xf32, #tpu.memory_space<vmem>>)
      %add3A_388 = arith.constant 4 : i32
      %add3A_389 = arith.addi %add3A_363, %add3A_388 : i32
      %sub3A_390 = arith.constant 1 : i32
      %sub3A_391 = arith.subi %add3A_389, %sub3A_390 : i32
      %lt3A_392 = arith.constant 128 : i32
      %lt3A_393 = arith.cmpi slt, %sub3A_391, %lt3A_392 : i32
      %convert_element_type3A_394 = arith.extui %lt3A_393 : i1 to i32
      %cond3A_395 = arith.constant 0 : i32
      %cond3A_396 = arith.cmpi ne, %convert_element_type3A_394, %cond3A_395 : i32
      scf.if %cond3A_396 {
        %add3A_540 = arith.addi %mul3A_2, %sub3A_391 : i32
        %dma_wait3A_541 = arith.constant 1 : i32
        %dma_wait3A_542 = arith.constant 0 : i32
        %dma_wait3A_543 = tpu.memref_slice %arg5[%dma_wait3A_541, %dma_wait3A_542] : memref<4x200xi32, #tpu.memory_space<vmem>> -> memref<1x200xi32, #tpu.memory_space<vmem>>
        %dma_wait3A_544 = tpu.memref_squeeze %dma_wait3A_543 : memref<1x200xi32, #tpu.memory_space<vmem>> -> memref<200xi32, #tpu.memory_space<vmem>>
        %dma_wait3A_545 = arith.constant 0 : i32
        %dma_wait3A_546 = tpu.memref_slice %arg2[%add3A_540, %dma_wait3A_545] : memref<4096x200xi32, #tpu.memory_space<hbm>> -> memref<1x200xi32, #tpu.memory_space<hbm>>
        %dma_wait3A_547 = tpu.memref_squeeze %dma_wait3A_546 : memref<1x200xi32, #tpu.memory_space<hbm>> -> memref<200xi32, #tpu.memory_space<hbm>>
        %dma_wait3A_548 = arith.constant 0 : i32
        %dma_wait3A_549 = tpu.memref_slice %arg5[%dma_wait3A_541, %dma_wait3A_548] : memref<4x200xi32, #tpu.memory_space<vmem>> -> memref<1x200xi32, #tpu.memory_space<vmem>>
        %dma_wait3A_550 = tpu.memref_squeeze %dma_wait3A_549 : memref<1x200xi32, #tpu.memory_space<vmem>> -> memref<200xi32, #tpu.memory_space<vmem>>
        %dma_wait3A_551 = arith.constant 0 : i32
        %dma_wait3A_552 = tpu.memref_slice %arg2[%add3A_540, %dma_wait3A_551] : memref<4096x200xi32, #tpu.memory_space<hbm>> -> memref<1x200xi32, #tpu.memory_space<hbm>>
        %dma_wait3A_553 = tpu.memref_squeeze %dma_wait3A_552 : memref<1x200xi32, #tpu.memory_space<hbm>> -> memref<200xi32, #tpu.memory_space<hbm>>
        tpu.wait_dma2 semaphore(%arg9 : memref<!tpu.dma_semaphore, #tpu.memory_space<semaphore_mem>>) src(%dma_wait3A_553 : memref<200xi32, #tpu.memory_space<hbm>>) dst(%dma_wait3A_550 : memref<200xi32, #tpu.memory_space<vmem>>)
        %dma_start3A_554 = arith.constant 1 : i32
        %dma_start3A_555 = arith.constant 1 : i32
        %dma_start3A_556 = arith.constant 0 : i32
        %dma_start3A_557 = arith.constant 0 : i32
        %dma_start3A_558 = tpu.memref_slice %arg6[%dma_start3A_555, %dma_start3A_556, %dma_start3A_557] : memref<4x200x128xf32, #tpu.memory_space<vmem>> -> memref<1x128x128xf32, #tpu.memory_space<vmem>>
        %dma_start3A_559 = tpu.memref_squeeze %dma_start3A_558 : memref<1x128x128xf32, #tpu.memory_space<vmem>> -> memref<128x128xf32, #tpu.memory_space<vmem>>
        %dma_start3A_560 = arith.constant 0 : i32
        %dma_start3A_561 = tpu.memref_slice %arg5[%dma_start3A_554, %dma_start3A_560] : memref<4x200xi32, #tpu.memory_space<vmem>> -> memref<1x128xi32, #tpu.memory_space<vmem>>
        %dma_start3A_562 = tpu.memref_squeeze %dma_start3A_561 : memref<1x128xi32, #tpu.memory_space<vmem>> -> memref<128xi32, #tpu.memory_space<vmem>>
        %dma_start3A_563 = arith.constant 0 : i32
        %dma_start3A_564 = arith.constant 0 : i32
        %dma_start3A_565 = tpu.memref_slice %arg3[%dma_start3A_563, %dma_start3A_564] : memref<100001x128xf32, #tpu.memory_space<hbm>> -> memref<100001x128xf32, #tpu.memory_space<hbm>>
        tpu.enqueue_indirect_dma source(%dma_start3A_565 : memref<100001x128xf32, #tpu.memory_space<hbm>>) target(%dma_start3A_559 : memref<128x128xf32, #tpu.memory_space<vmem>>) offsets(%dma_start3A_562 : memref<128xi32, #tpu.memory_space<vmem>>) semaphore(%arg13 : memref<!tpu.dma_semaphore, #tpu.memory_space<semaphore_mem>>)
        %dma_start3A_566 = arith.constant 1 : i32
        %dma_start3A_567 = arith.constant 1 : i32
        %dma_start3A_568 = arith.constant 128 : i32
        %dma_start3A_569 = arith.constant 0 : i32
        %dma_start3A_570 = tpu.memref_slice %arg6[%dma_start3A_567, %dma_start3A_568, %dma_start3A_569] : memref<4x200x128xf32, #tpu.memory_space<vmem>> -> memref<1x72x128xf32, #tpu.memory_space<vmem>>
        %dma_start3A_571 = tpu.memref_squeeze %dma_start3A_570 : memref<1x72x128xf32, #tpu.memory_space<vmem>> -> memref<72x128xf32, #tpu.memory_space<vmem>>
        %dma_start3A_572 = arith.constant 128 : i32
        %dma_start3A_573 = tpu.memref_slice %arg5[%dma_start3A_566, %dma_start3A_572] : memref<4x200xi32, #tpu.memory_space<vmem>> -> memref<1x72xi32, #tpu.memory_space<vmem>>
        %dma_start3A_574 = tpu.memref_squeeze %dma_start3A_573 : memref<1x72xi32, #tpu.memory_space<vmem>> -> memref<72xi32, #tpu.memory_space<vmem>>
        %dma_start3A_575 = arith.constant 0 : i32
        %dma_start3A_576 = arith.constant 0 : i32
        %dma_start3A_577 = tpu.memref_slice %arg3[%dma_start3A_575, %dma_start3A_576] : memref<100001x128xf32, #tpu.memory_space<hbm>> -> memref<100001x128xf32, #tpu.memory_space<hbm>>
        tpu.enqueue_indirect_dma source(%dma_start3A_577 : memref<100001x128xf32, #tpu.memory_space<hbm>>) target(%dma_start3A_571 : memref<72x128xf32, #tpu.memory_space<vmem>>) offsets(%dma_start3A_574 : memref<72xi32, #tpu.memory_space<vmem>>) semaphore(%arg13 : memref<!tpu.dma_semaphore, #tpu.memory_space<semaphore_mem>>)
      } else {
      }
      %add3A_397 = arith.constant 4 : i32
      %add3A_398 = arith.addi %add3A_363, %add3A_397 : i32
      %lt3A_399 = arith.constant 128 : i32
      %lt3A_400 = arith.cmpi slt, %add3A_398, %lt3A_399 : i32
      %convert_element_type3A_401 = arith.extui %lt3A_400 : i1 to i32
      %cond3A_402 = arith.constant 0 : i32
      %cond3A_403 = arith.cmpi ne, %convert_element_type3A_401, %cond3A_402 : i32
      scf.if %cond3A_403 {
        %add3A_540 = arith.constant 4 : i32
        %add3A_541 = arith.addi %add3A_363, %add3A_540 : i32
        %add3A_542 = arith.addi %mul3A_2, %add3A_541 : i32
        %dma_start3A_543 = arith.constant 2 : i32
        %dma_start3A_544 = arith.constant 0 : i32
        %dma_start3A_545 = tpu.memref_slice %arg5[%dma_start3A_543, %dma_start3A_544] : memref<4x200xi32, #tpu.memory_space<vmem>> -> memref<1x200xi32, #tpu.memory_space<vmem>>
        %dma_start3A_546 = tpu.memref_squeeze %dma_start3A_545 : memref<1x200xi32, #tpu.memory_space<vmem>> -> memref<200xi32, #tpu.memory_space<vmem>>
        %dma_start3A_547 = arith.constant 0 : i32
        %dma_start3A_548 = tpu.memref_slice %arg2[%add3A_542, %dma_start3A_547] : memref<4096x200xi32, #tpu.memory_space<hbm>> -> memref<1x200xi32, #tpu.memory_space<hbm>>
        %dma_start3A_549 = tpu.memref_squeeze %dma_start3A_548 : memref<1x200xi32, #tpu.memory_space<hbm>> -> memref<200xi32, #tpu.memory_space<hbm>>
        %dma_start3A_550 = arith.constant 0 : i32
        %dma_start3A_551 = tpu.memref_slice %arg5[%dma_start3A_543, %dma_start3A_550] : memref<4x200xi32, #tpu.memory_space<vmem>> -> memref<1x200xi32, #tpu.memory_space<vmem>>
        %dma_start3A_552 = tpu.memref_squeeze %dma_start3A_551 : memref<1x200xi32, #tpu.memory_space<vmem>> -> memref<200xi32, #tpu.memory_space<vmem>>
        %dma_start3A_553 = arith.constant 0 : i32
        %dma_start3A_554 = tpu.memref_slice %arg2[%add3A_542, %dma_start3A_553] : memref<4096x200xi32, #tpu.memory_space<hbm>> -> memref<1x200xi32, #tpu.memory_space<hbm>>
        %dma_start3A_555 = tpu.memref_squeeze %dma_start3A_554 : memref<1x200xi32, #tpu.memory_space<hbm>> -> memref<200xi32, #tpu.memory_space<hbm>>
        tpu.enqueue_dma source(%dma_start3A_555 : memref<200xi32, #tpu.memory_space<hbm>>) target(%dma_start3A_552 : memref<200xi32, #tpu.memory_space<vmem>>) target_semaphore(%arg10 : memref<!tpu.dma_semaphore, #tpu.memory_space<semaphore_mem>>)
      } else {
      }
      %scan3A_404 = arith.constant 0 : i32
      %scan3A_405 = arith.constant 50 : i32
      %scan3A_406 = arith.addi %scan3A_404, %scan3A_405 : i32
      %scan3A_407 = arith.constant 1 : i32
      %scan3A_408:8 = scf.for %scan3A_540 = %scan3A_404 to %scan3A_406 step %scan3A_407 iter_args(%scan3A_541 = %broadcast_in_dim3A_178, %scan3A_542 = %broadcast_in_dim3A_178, %scan3A_543 = %broadcast_in_dim3A_178, %scan3A_544 = %broadcast_in_dim3A_178, %scan3A_545 = %broadcast_in_dim3A_178, %scan3A_546 = %broadcast_in_dim3A_178, %scan3A_547 = %broadcast_in_dim3A_178, %scan3A_548 = %broadcast_in_dim3A_178) -> (vector<16xf32>, vector<16xf32>, vector<16xf32>, vector<16xf32>, vector<16xf32>, vector<16xf32>, vector<16xf32>, vector<16xf32>)  : i32 {
        %mul3A_549 = arith.constant 4 : i32
        %mul3A_550 = arith.muli %scan3A_540, %mul3A_549 : i32
        %add3A_551 = arith.constant 0 : i32
        %add3A_552 = arith.addi %mul3A_550, %add3A_551 : i32
        %get3A = arith.constant 2 : i32
        %get3A_553 = arith.index_cast %get3A : i32 to index
        %get3A_554 = arith.index_cast %add3A_552 : i32 to index
        %get3A_555 = arith.constant 0 : index
        %get3A_556 = tpu.vector_load %arg6[%get3A_553, %get3A_554, %get3A_555] {strides = array<i32>} : memref<4x200x128xf32, #tpu.memory_space<vmem>>, vector<1x1x16xf32>,
        %get3A_557 = vector.shape_cast %get3A_556 : vector<1x1x16xf32> to vector<16xf32>
        %add3A_558 = arith.addf %scan3A_541, %get3A_557 : vector<16xf32>
        %mul3A_559 = arith.constant 4 : i32
        %mul3A_560 = arith.muli %scan3A_540, %mul3A_559 : i32
        %add3A_561 = arith.constant 0 : i32
        %add3A_562 = arith.addi %mul3A_560, %add3A_561 : i32
        %get3A_563 = arith.constant 2 : i32
        %get3A_564 = arith.index_cast %get3A_563 : i32 to index
        %get3A_565 = arith.index_cast %add3A_562 : i32 to index
        %get3A_566 = arith.constant 16 : index
        %get3A_567 = tpu.vector_load %arg6[%get3A_564, %get3A_565, %get3A_566] {strides = array<i32>} : memref<4x200x128xf32, #tpu.memory_space<vmem>>, vector<1x1x16xf32>,
        %get3A_568 = vector.shape_cast %get3A_567 : vector<1x1x16xf32> to vector<16xf32>
        %add3A_569 = arith.addf %scan3A_542, %get3A_568 : vector<16xf32>
        %mul3A_570 = arith.constant 4 : i32
        %mul3A_571 = arith.muli %scan3A_540, %mul3A_570 : i32
        %add3A_572 = arith.constant 0 : i32
        %add3A_573 = arith.addi %mul3A_571, %add3A_572 : i32
        %get3A_574 = arith.constant 2 : i32
        %get3A_575 = arith.index_cast %get3A_574 : i32 to index
        %get3A_576 = arith.index_cast %add3A_573 : i32 to index
        %get3A_577 = arith.constant 32 : index
        %get3A_578 = tpu.vector_load %arg6[%get3A_575, %get3A_576, %get3A_577] {strides = array<i32>} : memref<4x200x128xf32, #tpu.memory_space<vmem>>, vector<1x1x16xf32>,
        %get3A_579 = vector.shape_cast %get3A_578 : vector<1x1x16xf32> to vector<16xf32>
        %add3A_580 = arith.addf %scan3A_543, %get3A_579 : vector<16xf32>
        %mul3A_581 = arith.constant 4 : i32
        %mul3A_582 = arith.muli %scan3A_540, %mul3A_581 : i32
        %add3A_583 = arith.constant 0 : i32
        %add3A_584 = arith.addi %mul3A_582, %add3A_583 : i32
        %get3A_585 = arith.constant 2 : i32
        %get3A_586 = arith.index_cast %get3A_585 : i32 to index
        %get3A_587 = arith.index_cast %add3A_584 : i32 to index
        %get3A_588 = arith.constant 48 : index
        %get3A_589 = tpu.vector_load %arg6[%get3A_586, %get3A_587, %get3A_588] {strides = array<i32>} : memref<4x200x128xf32, #tpu.memory_space<vmem>>, vector<1x1x16xf32>,
        %get3A_590 = vector.shape_cast %get3A_589 : vector<1x1x16xf32> to vector<16xf32>
        %add3A_591 = arith.addf %scan3A_544, %get3A_590 : vector<16xf32>
        %mul3A_592 = arith.constant 4 : i32
        %mul3A_593 = arith.muli %scan3A_540, %mul3A_592 : i32
        %add3A_594 = arith.constant 0 : i32
        %add3A_595 = arith.addi %mul3A_593, %add3A_594 : i32
        %get3A_596 = arith.constant 2 : i32
        %get3A_597 = arith.index_cast %get3A_596 : i32 to index
        %get3A_598 = arith.index_cast %add3A_595 : i32 to index
        %get3A_599 = arith.constant 64 : index
        %get3A_600 = tpu.vector_load %arg6[%get3A_597, %get3A_598, %get3A_599] {strides = array<i32>} : memref<4x200x128xf32, #tpu.memory_space<vmem>>, vector<1x1x16xf32>,
        %get3A_601 = vector.shape_cast %get3A_600 : vector<1x1x16xf32> to vector<16xf32>
        %add3A_602 = arith.addf %scan3A_545, %get3A_601 : vector<16xf32>
        %mul3A_603 = arith.constant 4 : i32
        %mul3A_604 = arith.muli %scan3A_540, %mul3A_603 : i32
        %add3A_605 = arith.constant 0 : i32
        %add3A_606 = arith.addi %mul3A_604, %add3A_605 : i32
        %get3A_607 = arith.constant 2 : i32
        %get3A_608 = arith.index_cast %get3A_607 : i32 to index
        %get3A_609 = arith.index_cast %add3A_606 : i32 to index
        %get3A_610 = arith.constant 80 : index
        %get3A_611 = tpu.vector_load %arg6[%get3A_608, %get3A_609, %get3A_610] {strides = array<i32>} : memref<4x200x128xf32, #tpu.memory_space<vmem>>, vector<1x1x16xf32>,
        %get3A_612 = vector.shape_cast %get3A_611 : vector<1x1x16xf32> to vector<16xf32>
        %add3A_613 = arith.addf %scan3A_546, %get3A_612 : vector<16xf32>
        %mul3A_614 = arith.constant 4 : i32
        %mul3A_615 = arith.muli %scan3A_540, %mul3A_614 : i32
        %add3A_616 = arith.constant 0 : i32
        %add3A_617 = arith.addi %mul3A_615, %add3A_616 : i32
        %get3A_618 = arith.constant 2 : i32
        %get3A_619 = arith.index_cast %get3A_618 : i32 to index
        %get3A_620 = arith.index_cast %add3A_617 : i32 to index
        %get3A_621 = arith.constant 96 : index
        %get3A_622 = tpu.vector_load %arg6[%get3A_619, %get3A_620, %get3A_621] {strides = array<i32>} : memref<4x200x128xf32, #tpu.memory_space<vmem>>, vector<1x1x16xf32>,
        %get3A_623 = vector.shape_cast %get3A_622 : vector<1x1x16xf32> to vector<16xf32>
        %add3A_624 = arith.addf %scan3A_547, %get3A_623 : vector<16xf32>
        %mul3A_625 = arith.constant 4 : i32
        %mul3A_626 = arith.muli %scan3A_540, %mul3A_625 : i32
        %add3A_627 = arith.constant 0 : i32
        %add3A_628 = arith.addi %mul3A_626, %add3A_627 : i32
        %get3A_629 = arith.constant 2 : i32
        %get3A_630 = arith.index_cast %get3A_629 : i32 to index
        %get3A_631 = arith.index_cast %add3A_628 : i32 to index
        %get3A_632 = arith.constant 112 : index
        %get3A_633 = tpu.vector_load %arg6[%get3A_630, %get3A_631, %get3A_632] {strides = array<i32>} : memref<4x200x128xf32, #tpu.memory_space<vmem>>, vector<1x1x16xf32>,
        %get3A_634 = vector.shape_cast %get3A_633 : vector<1x1x16xf32> to vector<16xf32>
        %add3A_635 = arith.addf %scan3A_548, %get3A_634 : vector<16xf32>
        %mul3A_636 = arith.constant 4 : i32
        %mul3A_637 = arith.muli %scan3A_540, %mul3A_636 : i32
        %add3A_638 = arith.constant 1 : i32
        %add3A_639 = arith.addi %mul3A_637, %add3A_638 : i32
        %get3A_640 = arith.constant 2 : i32
        %get3A_641 = arith.index_cast %get3A_640 : i32 to index
        %get3A_642 = arith.index_cast %add3A_639 : i32 to index
        %get3A_643 = arith.constant 0 : index
        %get3A_644 = tpu.vector_load %arg6[%get3A_641, %get3A_642, %get3A_643] {strides = array<i32>} : memref<4x200x128xf32, #tpu.memory_space<vmem>>, vector<1x1x16xf32>,
        %get3A_645 = vector.shape_cast %get3A_644 : vector<1x1x16xf32> to vector<16xf32>
        %add3A_646 = arith.addf %add3A_558, %get3A_645 : vector<16xf32>
        %mul3A_647 = arith.constant 4 : i32
        %mul3A_648 = arith.muli %scan3A_540, %mul3A_647 : i32
        %add3A_649 = arith.constant 1 : i32
        %add3A_650 = arith.addi %mul3A_648, %add3A_649 : i32
        %get3A_651 = arith.constant 2 : i32
        %get3A_652 = arith.index_cast %get3A_651 : i32 to index
        %get3A_653 = arith.index_cast %add3A_650 : i32 to index
        %get3A_654 = arith.constant 16 : index
        %get3A_655 = tpu.vector_load %arg6[%get3A_652, %get3A_653, %get3A_654] {strides = array<i32>} : memref<4x200x128xf32, #tpu.memory_space<vmem>>, vector<1x1x16xf32>,
        %get3A_656 = vector.shape_cast %get3A_655 : vector<1x1x16xf32> to vector<16xf32>
        %add3A_657 = arith.addf %add3A_569, %get3A_656 : vector<16xf32>
        %mul3A_658 = arith.constant 4 : i32
        %mul3A_659 = arith.muli %scan3A_540, %mul3A_658 : i32
        %add3A_660 = arith.constant 1 : i32
        %add3A_661 = arith.addi %mul3A_659, %add3A_660 : i32
        %get3A_662 = arith.constant 2 : i32
        %get3A_663 = arith.index_cast %get3A_662 : i32 to index
        %get3A_664 = arith.index_cast %add3A_661 : i32 to index
        %get3A_665 = arith.constant 32 : index
        %get3A_666 = tpu.vector_load %arg6[%get3A_663, %get3A_664, %get3A_665] {strides = array<i32>} : memref<4x200x128xf32, #tpu.memory_space<vmem>>, vector<1x1x16xf32>,
        %get3A_667 = vector.shape_cast %get3A_666 : vector<1x1x16xf32> to vector<16xf32>
        %add3A_668 = arith.addf %add3A_580, %get3A_667 : vector<16xf32>
        %mul3A_669 = arith.constant 4 : i32
        %mul3A_670 = arith.muli %scan3A_540, %mul3A_669 : i32
        %add3A_671 = arith.constant 1 : i32
        %add3A_672 = arith.addi %mul3A_670, %add3A_671 : i32
        %get3A_673 = arith.constant 2 : i32
        %get3A_674 = arith.index_cast %get3A_673 : i32 to index
        %get3A_675 = arith.index_cast %add3A_672 : i32 to index
        %get3A_676 = arith.constant 48 : index
        %get3A_677 = tpu.vector_load %arg6[%get3A_674, %get3A_675, %get3A_676] {strides = array<i32>} : memref<4x200x128xf32, #tpu.memory_space<vmem>>, vector<1x1x16xf32>,
        %get3A_678 = vector.shape_cast %get3A_677 : vector<1x1x16xf32> to vector<16xf32>
        %add3A_679 = arith.addf %add3A_591, %get3A_678 : vector<16xf32>
        %mul3A_680 = arith.constant 4 : i32
        %mul3A_681 = arith.muli %scan3A_540, %mul3A_680 : i32
        %add3A_682 = arith.constant 1 : i32
        %add3A_683 = arith.addi %mul3A_681, %add3A_682 : i32
        %get3A_684 = arith.constant 2 : i32
        %get3A_685 = arith.index_cast %get3A_684 : i32 to index
        %get3A_686 = arith.index_cast %add3A_683 : i32 to index
        %get3A_687 = arith.constant 64 : index
        %get3A_688 = tpu.vector_load %arg6[%get3A_685, %get3A_686, %get3A_687] {strides = array<i32>} : memref<4x200x128xf32, #tpu.memory_space<vmem>>, vector<1x1x16xf32>,
        %get3A_689 = vector.shape_cast %get3A_688 : vector<1x1x16xf32> to vector<16xf32>
        %add3A_690 = arith.addf %add3A_602, %get3A_689 : vector<16xf32>
        %mul3A_691 = arith.constant 4 : i32
        %mul3A_692 = arith.muli %scan3A_540, %mul3A_691 : i32
        %add3A_693 = arith.constant 1 : i32
        %add3A_694 = arith.addi %mul3A_692, %add3A_693 : i32
        %get3A_695 = arith.constant 2 : i32
        %get3A_696 = arith.index_cast %get3A_695 : i32 to index
        %get3A_697 = arith.index_cast %add3A_694 : i32 to index
        %get3A_698 = arith.constant 80 : index
        %get3A_699 = tpu.vector_load %arg6[%get3A_696, %get3A_697, %get3A_698] {strides = array<i32>} : memref<4x200x128xf32, #tpu.memory_space<vmem>>, vector<1x1x16xf32>,
        %get3A_700 = vector.shape_cast %get3A_699 : vector<1x1x16xf32> to vector<16xf32>
        %add3A_701 = arith.addf %add3A_613, %get3A_700 : vector<16xf32>
        %mul3A_702 = arith.constant 4 : i32
        %mul3A_703 = arith.muli %scan3A_540, %mul3A_702 : i32
        %add3A_704 = arith.constant 1 : i32
        %add3A_705 = arith.addi %mul3A_703, %add3A_704 : i32
        %get3A_706 = arith.constant 2 : i32
        %get3A_707 = arith.index_cast %get3A_706 : i32 to index
        %get3A_708 = arith.index_cast %add3A_705 : i32 to index
        %get3A_709 = arith.constant 96 : index
        %get3A_710 = tpu.vector_load %arg6[%get3A_707, %get3A_708, %get3A_709] {strides = array<i32>} : memref<4x200x128xf32, #tpu.memory_space<vmem>>, vector<1x1x16xf32>,
        %get3A_711 = vector.shape_cast %get3A_710 : vector<1x1x16xf32> to vector<16xf32>
        %add3A_712 = arith.addf %add3A_624, %get3A_711 : vector<16xf32>
        %mul3A_713 = arith.constant 4 : i32
        %mul3A_714 = arith.muli %scan3A_540, %mul3A_713 : i32
        %add3A_715 = arith.constant 1 : i32
        %add3A_716 = arith.addi %mul3A_714, %add3A_715 : i32
        %get3A_717 = arith.constant 2 : i32
        %get3A_718 = arith.index_cast %get3A_717 : i32 to index
        %get3A_719 = arith.index_cast %add3A_716 : i32 to index
        %get3A_720 = arith.constant 112 : index
        %get3A_721 = tpu.vector_load %arg6[%get3A_718, %get3A_719, %get3A_720] {strides = array<i32>} : memref<4x200x128xf32, #tpu.memory_space<vmem>>, vector<1x1x16xf32>,
        %get3A_722 = vector.shape_cast %get3A_721 : vector<1x1x16xf32> to vector<16xf32>
        %add3A_723 = arith.addf %add3A_635, %get3A_722 : vector<16xf32>
        %mul3A_724 = arith.constant 4 : i32
        %mul3A_725 = arith.muli %scan3A_540, %mul3A_724 : i32
        %add3A_726 = arith.constant 2 : i32
        %add3A_727 = arith.addi %mul3A_725, %add3A_726 : i32
        %get3A_728 = arith.constant 2 : i32
        %get3A_729 = arith.index_cast %get3A_728 : i32 to index
        %get3A_730 = arith.index_cast %add3A_727 : i32 to index
        %get3A_731 = arith.constant 0 : index
        %get3A_732 = tpu.vector_load %arg6[%get3A_729, %get3A_730, %get3A_731] {strides = array<i32>} : memref<4x200x128xf32, #tpu.memory_space<vmem>>, vector<1x1x16xf32>,
        %get3A_733 = vector.shape_cast %get3A_732 : vector<1x1x16xf32> to vector<16xf32>
        %add3A_734 = arith.addf %add3A_646, %get3A_733 : vector<16xf32>
        %mul3A_735 = arith.constant 4 : i32
        %mul3A_736 = arith.muli %scan3A_540, %mul3A_735 : i32
        %add3A_737 = arith.constant 2 : i32
        %add3A_738 = arith.addi %mul3A_736, %add3A_737 : i32
        %get3A_739 = arith.constant 2 : i32
        %get3A_740 = arith.index_cast %get3A_739 : i32 to index
        %get3A_741 = arith.index_cast %add3A_738 : i32 to index
        %get3A_742 = arith.constant 16 : index
        %get3A_743 = tpu.vector_load %arg6[%get3A_740, %get3A_741, %get3A_742] {strides = array<i32>} : memref<4x200x128xf32, #tpu.memory_space<vmem>>, vector<1x1x16xf32>,
        %get3A_744 = vector.shape_cast %get3A_743 : vector<1x1x16xf32> to vector<16xf32>
        %add3A_745 = arith.addf %add3A_657, %get3A_744 : vector<16xf32>
        %mul3A_746 = arith.constant 4 : i32
        %mul3A_747 = arith.muli %scan3A_540, %mul3A_746 : i32
        %add3A_748 = arith.constant 2 : i32
        %add3A_749 = arith.addi %mul3A_747, %add3A_748 : i32
        %get3A_750 = arith.constant 2 : i32
        %get3A_751 = arith.index_cast %get3A_750 : i32 to index
        %get3A_752 = arith.index_cast %add3A_749 : i32 to index
        %get3A_753 = arith.constant 32 : index
        %get3A_754 = tpu.vector_load %arg6[%get3A_751, %get3A_752, %get3A_753] {strides = array<i32>} : memref<4x200x128xf32, #tpu.memory_space<vmem>>, vector<1x1x16xf32>,
        %get3A_755 = vector.shape_cast %get3A_754 : vector<1x1x16xf32> to vector<16xf32>
        %add3A_756 = arith.addf %add3A_668, %get3A_755 : vector<16xf32>
        %mul3A_757 = arith.constant 4 : i32
        %mul3A_758 = arith.muli %scan3A_540, %mul3A_757 : i32
        %add3A_759 = arith.constant 2 : i32
        %add3A_760 = arith.addi %mul3A_758, %add3A_759 : i32
        %get3A_761 = arith.constant 2 : i32
        %get3A_762 = arith.index_cast %get3A_761 : i32 to index
        %get3A_763 = arith.index_cast %add3A_760 : i32 to index
        %get3A_764 = arith.constant 48 : index
        %get3A_765 = tpu.vector_load %arg6[%get3A_762, %get3A_763, %get3A_764] {strides = array<i32>} : memref<4x200x128xf32, #tpu.memory_space<vmem>>, vector<1x1x16xf32>,
        %get3A_766 = vector.shape_cast %get3A_765 : vector<1x1x16xf32> to vector<16xf32>
        %add3A_767 = arith.addf %add3A_679, %get3A_766 : vector<16xf32>
        %mul3A_768 = arith.constant 4 : i32
        %mul3A_769 = arith.muli %scan3A_540, %mul3A_768 : i32
        %add3A_770 = arith.constant 2 : i32
        %add3A_771 = arith.addi %mul3A_769, %add3A_770 : i32
        %get3A_772 = arith.constant 2 : i32
        %get3A_773 = arith.index_cast %get3A_772 : i32 to index
        %get3A_774 = arith.index_cast %add3A_771 : i32 to index
        %get3A_775 = arith.constant 64 : index
        %get3A_776 = tpu.vector_load %arg6[%get3A_773, %get3A_774, %get3A_775] {strides = array<i32>} : memref<4x200x128xf32, #tpu.memory_space<vmem>>, vector<1x1x16xf32>,
        %get3A_777 = vector.shape_cast %get3A_776 : vector<1x1x16xf32> to vector<16xf32>
        %add3A_778 = arith.addf %add3A_690, %get3A_777 : vector<16xf32>
        %mul3A_779 = arith.constant 4 : i32
        %mul3A_780 = arith.muli %scan3A_540, %mul3A_779 : i32
        %add3A_781 = arith.constant 2 : i32
        %add3A_782 = arith.addi %mul3A_780, %add3A_781 : i32
        %get3A_783 = arith.constant 2 : i32
        %get3A_784 = arith.index_cast %get3A_783 : i32 to index
        %get3A_785 = arith.index_cast %add3A_782 : i32 to index
        %get3A_786 = arith.constant 80 : index
        %get3A_787 = tpu.vector_load %arg6[%get3A_784, %get3A_785, %get3A_786] {strides = array<i32>} : memref<4x200x128xf32, #tpu.memory_space<vmem>>, vector<1x1x16xf32>,
        %get3A_788 = vector.shape_cast %get3A_787 : vector<1x1x16xf32> to vector<16xf32>
        %add3A_789 = arith.addf %add3A_701, %get3A_788 : vector<16xf32>
        %mul3A_790 = arith.constant 4 : i32
        %mul3A_791 = arith.muli %scan3A_540, %mul3A_790 : i32
        %add3A_792 = arith.constant 2 : i32
        %add3A_793 = arith.addi %mul3A_791, %add3A_792 : i32
        %get3A_794 = arith.constant 2 : i32
        %get3A_795 = arith.index_cast %get3A_794 : i32 to index
        %get3A_796 = arith.index_cast %add3A_793 : i32 to index
        %get3A_797 = arith.constant 96 : index
        %get3A_798 = tpu.vector_load %arg6[%get3A_795, %get3A_796, %get3A_797] {strides = array<i32>} : memref<4x200x128xf32, #tpu.memory_space<vmem>>, vector<1x1x16xf32>,
        %get3A_799 = vector.shape_cast %get3A_798 : vector<1x1x16xf32> to vector<16xf32>
        %add3A_800 = arith.addf %add3A_712, %get3A_799 : vector<16xf32>
        %mul3A_801 = arith.constant 4 : i32
        %mul3A_802 = arith.muli %scan3A_540, %mul3A_801 : i32
        %add3A_803 = arith.constant 2 : i32
        %add3A_804 = arith.addi %mul3A_802, %add3A_803 : i32
        %get3A_805 = arith.constant 2 : i32
        %get3A_806 = arith.index_cast %get3A_805 : i32 to index
        %get3A_807 = arith.index_cast %add3A_804 : i32 to index
        %get3A_808 = arith.constant 112 : index
        %get3A_809 = tpu.vector_load %arg6[%get3A_806, %get3A_807, %get3A_808] {strides = array<i32>} : memref<4x200x128xf32, #tpu.memory_space<vmem>>, vector<1x1x16xf32>,
        %get3A_810 = vector.shape_cast %get3A_809 : vector<1x1x16xf32> to vector<16xf32>
        %add3A_811 = arith.addf %add3A_723, %get3A_810 : vector<16xf32>
        %mul3A_812 = arith.constant 4 : i32
        %mul3A_813 = arith.muli %scan3A_540, %mul3A_812 : i32
        %add3A_814 = arith.constant 3 : i32
        %add3A_815 = arith.addi %mul3A_813, %add3A_814 : i32
        %get3A_816 = arith.constant 2 : i32
        %get3A_817 = arith.index_cast %get3A_816 : i32 to index
        %get3A_818 = arith.index_cast %add3A_815 : i32 to index
        %get3A_819 = arith.constant 0 : index
        %get3A_820 = tpu.vector_load %arg6[%get3A_817, %get3A_818, %get3A_819] {strides = array<i32>} : memref<4x200x128xf32, #tpu.memory_space<vmem>>, vector<1x1x16xf32>,
        %get3A_821 = vector.shape_cast %get3A_820 : vector<1x1x16xf32> to vector<16xf32>
        %add3A_822 = arith.addf %add3A_734, %get3A_821 : vector<16xf32>
        %mul3A_823 = arith.constant 4 : i32
        %mul3A_824 = arith.muli %scan3A_540, %mul3A_823 : i32
        %add3A_825 = arith.constant 3 : i32
        %add3A_826 = arith.addi %mul3A_824, %add3A_825 : i32
        %get3A_827 = arith.constant 2 : i32
        %get3A_828 = arith.index_cast %get3A_827 : i32 to index
        %get3A_829 = arith.index_cast %add3A_826 : i32 to index
        %get3A_830 = arith.constant 16 : index
        %get3A_831 = tpu.vector_load %arg6[%get3A_828, %get3A_829, %get3A_830] {strides = array<i32>} : memref<4x200x128xf32, #tpu.memory_space<vmem>>, vector<1x1x16xf32>,
        %get3A_832 = vector.shape_cast %get3A_831 : vector<1x1x16xf32> to vector<16xf32>
        %add3A_833 = arith.addf %add3A_745, %get3A_832 : vector<16xf32>
        %mul3A_834 = arith.constant 4 : i32
        %mul3A_835 = arith.muli %scan3A_540, %mul3A_834 : i32
        %add3A_836 = arith.constant 3 : i32
        %add3A_837 = arith.addi %mul3A_835, %add3A_836 : i32
        %get3A_838 = arith.constant 2 : i32
        %get3A_839 = arith.index_cast %get3A_838 : i32 to index
        %get3A_840 = arith.index_cast %add3A_837 : i32 to index
        %get3A_841 = arith.constant 32 : index
        %get3A_842 = tpu.vector_load %arg6[%get3A_839, %get3A_840, %get3A_841] {strides = array<i32>} : memref<4x200x128xf32, #tpu.memory_space<vmem>>, vector<1x1x16xf32>,
        %get3A_843 = vector.shape_cast %get3A_842 : vector<1x1x16xf32> to vector<16xf32>
        %add3A_844 = arith.addf %add3A_756, %get3A_843 : vector<16xf32>
        %mul3A_845 = arith.constant 4 : i32
        %mul3A_846 = arith.muli %scan3A_540, %mul3A_845 : i32
        %add3A_847 = arith.constant 3 : i32
        %add3A_848 = arith.addi %mul3A_846, %add3A_847 : i32
        %get3A_849 = arith.constant 2 : i32
        %get3A_850 = arith.index_cast %get3A_849 : i32 to index
        %get3A_851 = arith.index_cast %add3A_848 : i32 to index
        %get3A_852 = arith.constant 48 : index
        %get3A_853 = tpu.vector_load %arg6[%get3A_850, %get3A_851, %get3A_852] {strides = array<i32>} : memref<4x200x128xf32, #tpu.memory_space<vmem>>, vector<1x1x16xf32>,
        %get3A_854 = vector.shape_cast %get3A_853 : vector<1x1x16xf32> to vector<16xf32>
        %add3A_855 = arith.addf %add3A_767, %get3A_854 : vector<16xf32>
        %mul3A_856 = arith.constant 4 : i32
        %mul3A_857 = arith.muli %scan3A_540, %mul3A_856 : i32
        %add3A_858 = arith.constant 3 : i32
        %add3A_859 = arith.addi %mul3A_857, %add3A_858 : i32
        %get3A_860 = arith.constant 2 : i32
        %get3A_861 = arith.index_cast %get3A_860 : i32 to index
        %get3A_862 = arith.index_cast %add3A_859 : i32 to index
        %get3A_863 = arith.constant 64 : index
        %get3A_864 = tpu.vector_load %arg6[%get3A_861, %get3A_862, %get3A_863] {strides = array<i32>} : memref<4x200x128xf32, #tpu.memory_space<vmem>>, vector<1x1x16xf32>,
        %get3A_865 = vector.shape_cast %get3A_864 : vector<1x1x16xf32> to vector<16xf32>
        %add3A_866 = arith.addf %add3A_778, %get3A_865 : vector<16xf32>
        %mul3A_867 = arith.constant 4 : i32
        %mul3A_868 = arith.muli %scan3A_540, %mul3A_867 : i32
        %add3A_869 = arith.constant 3 : i32
        %add3A_870 = arith.addi %mul3A_868, %add3A_869 : i32
        %get3A_871 = arith.constant 2 : i32
        %get3A_872 = arith.index_cast %get3A_871 : i32 to index
        %get3A_873 = arith.index_cast %add3A_870 : i32 to index
        %get3A_874 = arith.constant 80 : index
        %get3A_875 = tpu.vector_load %arg6[%get3A_872, %get3A_873, %get3A_874] {strides = array<i32>} : memref<4x200x128xf32, #tpu.memory_space<vmem>>, vector<1x1x16xf32>,
        %get3A_876 = vector.shape_cast %get3A_875 : vector<1x1x16xf32> to vector<16xf32>
        %add3A_877 = arith.addf %add3A_789, %get3A_876 : vector<16xf32>
        %mul3A_878 = arith.constant 4 : i32
        %mul3A_879 = arith.muli %scan3A_540, %mul3A_878 : i32
        %add3A_880 = arith.constant 3 : i32
        %add3A_881 = arith.addi %mul3A_879, %add3A_880 : i32
        %get3A_882 = arith.constant 2 : i32
        %get3A_883 = arith.index_cast %get3A_882 : i32 to index
        %get3A_884 = arith.index_cast %add3A_881 : i32 to index
        %get3A_885 = arith.constant 96 : index
        %get3A_886 = tpu.vector_load %arg6[%get3A_883, %get3A_884, %get3A_885] {strides = array<i32>} : memref<4x200x128xf32, #tpu.memory_space<vmem>>, vector<1x1x16xf32>,
        %get3A_887 = vector.shape_cast %get3A_886 : vector<1x1x16xf32> to vector<16xf32>
        %add3A_888 = arith.addf %add3A_800, %get3A_887 : vector<16xf32>
        %mul3A_889 = arith.constant 4 : i32
        %mul3A_890 = arith.muli %scan3A_540, %mul3A_889 : i32
        %add3A_891 = arith.constant 3 : i32
        %add3A_892 = arith.addi %mul3A_890, %add3A_891 : i32
        %get3A_893 = arith.constant 2 : i32
        %get3A_894 = arith.index_cast %get3A_893 : i32 to index
        %get3A_895 = arith.index_cast %add3A_892 : i32 to index
        %get3A_896 = arith.constant 112 : index
        %get3A_897 = tpu.vector_load %arg6[%get3A_894, %get3A_895, %get3A_896] {strides = array<i32>} : memref<4x200x128xf32, #tpu.memory_space<vmem>>, vector<1x1x16xf32>,
        %get3A_898 = vector.shape_cast %get3A_897 : vector<1x1x16xf32> to vector<16xf32>
        %add3A_899 = arith.addf %add3A_811, %get3A_898 : vector<16xf32>
        scf.yield %add3A_822, %add3A_833, %add3A_844, %add3A_855, %add3A_866, %add3A_877, %add3A_888, %add3A_899 : vector<16xf32>, vector<16xf32>, vector<16xf32>, vector<16xf32>, vector<16xf32>, vector<16xf32>, vector<16xf32>, vector<16xf32>
      }
      %scan3A_409 = arith.constant 50 : i32
      %swap3A_410 = arith.index_cast %add3A_363 : i32 to index
      %swap3A_411 = arith.constant 0 : index
      %swap3A_412 = tpu.vector_load %arg7[%swap3A_410, %swap3A_411] {strides = array<i32>} : memref<128x128xf32, #tpu.memory_space<vmem>>, vector<1x16xf32>,
      %swap3A_413 = vector.shape_cast %swap3A_412 : vector<1x16xf32> to vector<16xf32>
      %swap3A_414 = vector.shape_cast %scan3A_408#0 : vector<16xf32> to vector<1x16xf32>
      tpu.vector_store %arg7[%swap3A_410, %swap3A_411], %swap3A_414 {strides = array<i32>} : memref<128x128xf32, #tpu.memory_space<vmem>>, vector<1x16xf32>,
      %swap3A_415 = arith.index_cast %add3A_363 : i32 to index
      %swap3A_416 = arith.constant 16 : index
      %swap3A_417 = tpu.vector_load %arg7[%swap3A_415, %swap3A_416] {strides = array<i32>} : memref<128x128xf32, #tpu.memory_space<vmem>>, vector<1x16xf32>,
      %swap3A_418 = vector.shape_cast %swap3A_417 : vector<1x16xf32> to vector<16xf32>
      %swap3A_419 = vector.shape_cast %scan3A_408#1 : vector<16xf32> to vector<1x16xf32>
      tpu.vector_store %arg7[%swap3A_415, %swap3A_416], %swap3A_419 {strides = array<i32>} : memref<128x128xf32, #tpu.memory_space<vmem>>, vector<1x16xf32>,
      %swap3A_420 = arith.index_cast %add3A_363 : i32 to index
      %swap3A_421 = arith.constant 32 : index
      %swap3A_422 = tpu.vector_load %arg7[%swap3A_420, %swap3A_421] {strides = array<i32>} : memref<128x128xf32, #tpu.memory_space<vmem>>, vector<1x16xf32>,
      %swap3A_423 = vector.shape_cast %swap3A_422 : vector<1x16xf32> to vector<16xf32>
      %swap3A_424 = vector.shape_cast %scan3A_408#2 : vector<16xf32> to vector<1x16xf32>
      tpu.vector_store %arg7[%swap3A_420, %swap3A_421], %swap3A_424 {strides = array<i32>} : memref<128x128xf32, #tpu.memory_space<vmem>>, vector<1x16xf32>,
      %swap3A_425 = arith.index_cast %add3A_363 : i32 to index
      %swap3A_426 = arith.constant 48 : index
      %swap3A_427 = tpu.vector_load %arg7[%swap3A_425, %swap3A_426] {strides = array<i32>} : memref<128x128xf32, #tpu.memory_space<vmem>>, vector<1x16xf32>,
      %swap3A_428 = vector.shape_cast %swap3A_427 : vector<1x16xf32> to vector<16xf32>
      %swap3A_429 = vector.shape_cast %scan3A_408#3 : vector<16xf32> to vector<1x16xf32>
      tpu.vector_store %arg7[%swap3A_425, %swap3A_426], %swap3A_429 {strides = array<i32>} : memref<128x128xf32, #tpu.memory_space<vmem>>, vector<1x16xf32>,
      %swap3A_430 = arith.index_cast %add3A_363 : i32 to index
      %swap3A_431 = arith.constant 64 : index
      %swap3A_432 = tpu.vector_load %arg7[%swap3A_430, %swap3A_431] {strides = array<i32>} : memref<128x128xf32, #tpu.memory_space<vmem>>, vector<1x16xf32>,
      %swap3A_433 = vector.shape_cast %swap3A_432 : vector<1x16xf32> to vector<16xf32>
      %swap3A_434 = vector.shape_cast %scan3A_408#4 : vector<16xf32> to vector<1x16xf32>
      tpu.vector_store %arg7[%swap3A_430, %swap3A_431], %swap3A_434 {strides = array<i32>} : memref<128x128xf32, #tpu.memory_space<vmem>>, vector<1x16xf32>,
      %swap3A_435 = arith.index_cast %add3A_363 : i32 to index
      %swap3A_436 = arith.constant 80 : index
      %swap3A_437 = tpu.vector_load %arg7[%swap3A_435, %swap3A_436] {strides = array<i32>} : memref<128x128xf32, #tpu.memory_space<vmem>>, vector<1x16xf32>,
      %swap3A_438 = vector.shape_cast %swap3A_437 : vector<1x16xf32> to vector<16xf32>
      %swap3A_439 = vector.shape_cast %scan3A_408#5 : vector<16xf32> to vector<1x16xf32>
      tpu.vector_store %arg7[%swap3A_435, %swap3A_436], %swap3A_439 {strides = array<i32>} : memref<128x128xf32, #tpu.memory_space<vmem>>, vector<1x16xf32>,
      %swap3A_440 = arith.index_cast %add3A_363 : i32 to index
      %swap3A_441 = arith.constant 96 : index
      %swap3A_442 = tpu.vector_load %arg7[%swap3A_440, %swap3A_441] {strides = array<i32>} : memref<128x128xf32, #tpu.memory_space<vmem>>, vector<1x16xf32>,
      %swap3A_443 = vector.shape_cast %swap3A_442 : vector<1x16xf32> to vector<16xf32>
      %swap3A_444 = vector.shape_cast %scan3A_408#6 : vector<16xf32> to vector<1x16xf32>
      tpu.vector_store %arg7[%swap3A_440, %swap3A_441], %swap3A_444 {strides = array<i32>} : memref<128x128xf32, #tpu.memory_space<vmem>>, vector<1x16xf32>,
      %swap3A_445 = arith.index_cast %add3A_363 : i32 to index
      %swap3A_446 = arith.constant 112 : index
      %swap3A_447 = tpu.vector_load %arg7[%swap3A_445, %swap3A_446] {strides = array<i32>} : memref<128x128xf32, #tpu.memory_space<vmem>>, vector<1x16xf32>,
      %swap3A_448 = vector.shape_cast %swap3A_447 : vector<1x16xf32> to vector<16xf32>
      %swap3A_449 = vector.shape_cast %scan3A_408#7 : vector<16xf32> to vector<1x16xf32>
      tpu.vector_store %arg7[%swap3A_445, %swap3A_446], %swap3A_449 {strides = array<i32>} : memref<128x128xf32, #tpu.memory_space<vmem>>, vector<1x16xf32>,
      %mul3A_450 = arith.constant 4 : i32
      %mul3A_451 = arith.muli %scan3A_184, %mul3A_450 : i32
      %add3A_452 = arith.constant 3 : i32
      %add3A_453 = arith.addi %mul3A_451, %add3A_452 : i32
      %dma_wait3A_454 = arith.constant 3 : i32
      %dma_wait3A_455 = arith.constant 3 : i32
      %dma_wait3A_456 = arith.constant 0 : i32
      %dma_wait3A_457 = arith.constant 0 : i32
      %dma_wait3A_458 = tpu.memref_slice %arg6[%dma_wait3A_455, %dma_wait3A_456, %dma_wait3A_457] : memref<4x200x128xf32, #tpu.memory_space<vmem>> -> memref<1x128x128xf32, #tpu.memory_space<vmem>>
      %dma_wait3A_459 = tpu.memref_squeeze %dma_wait3A_458 : memref<1x128x128xf32, #tpu.memory_space<vmem>> -> memref<128x128xf32, #tpu.memory_space<vmem>>
      %dma_wait3A_460 = arith.constant 0 : i32
      %dma_wait3A_461 = tpu.memref_slice %arg5[%dma_wait3A_454, %dma_wait3A_460] : memref<4x200xi32, #tpu.memory_space<vmem>> -> memref<1x128xi32, #tpu.memory_space<vmem>>
      %dma_wait3A_462 = tpu.memref_squeeze %dma_wait3A_461 : memref<1x128xi32, #tpu.memory_space<vmem>> -> memref<128xi32, #tpu.memory_space<vmem>>
      %dma_wait3A_463 = arith.constant 0 : i32
      %dma_wait3A_464 = arith.constant 0 : i32
      %dma_wait3A_465 = tpu.memref_slice %arg3[%dma_wait3A_463, %dma_wait3A_464] : memref<100001x128xf32, #tpu.memory_space<hbm>> -> memref<100001x128xf32, #tpu.memory_space<hbm>>
      tpu.wait_indirect_dma semaphore(%arg15 : memref<!tpu.dma_semaphore, #tpu.memory_space<semaphore_mem>>) src(%dma_wait3A_465 : memref<100001x128xf32, #tpu.memory_space<hbm>>) dst(%dma_wait3A_459 : memref<128x128xf32, #tpu.memory_space<vmem>>)
      %dma_wait3A_466 = arith.constant 3 : i32
      %dma_wait3A_467 = arith.constant 3 : i32
      %dma_wait3A_468 = arith.constant 128 : i32
      %dma_wait3A_469 = arith.constant 0 : i32
      %dma_wait3A_470 = tpu.memref_slice %arg6[%dma_wait3A_467, %dma_wait3A_468, %dma_wait3A_469] : memref<4x200x128xf32, #tpu.memory_space<vmem>> -> memref<1x72x128xf32, #tpu.memory_space<vmem>>
      %dma_wait3A_471 = tpu.memref_squeeze %dma_wait3A_470 : memref<1x72x128xf32, #tpu.memory_space<vmem>> -> memref<72x128xf32, #tpu.memory_space<vmem>>
      %dma_wait3A_472 = arith.constant 128 : i32
      %dma_wait3A_473 = tpu.memref_slice %arg5[%dma_wait3A_466, %dma_wait3A_472] : memref<4x200xi32, #tpu.memory_space<vmem>> -> memref<1x72xi32, #tpu.memory_space<vmem>>
      %dma_wait3A_474 = tpu.memref_squeeze %dma_wait3A_473 : memref<1x72xi32, #tpu.memory_space<vmem>> -> memref<72xi32, #tpu.memory_space<vmem>>
      %dma_wait3A_475 = arith.constant 0 : i32
      %dma_wait3A_476 = arith.constant 0 : i32
      %dma_wait3A_477 = tpu.memref_slice %arg3[%dma_wait3A_475, %dma_wait3A_476] : memref<100001x128xf32, #tpu.memory_space<hbm>> -> memref<100001x128xf32, #tpu.memory_space<hbm>>
      tpu.wait_indirect_dma semaphore(%arg15 : memref<!tpu.dma_semaphore, #tpu.memory_space<semaphore_mem>>) src(%dma_wait3A_477 : memref<100001x128xf32, #tpu.memory_space<hbm>>) dst(%dma_wait3A_471 : memref<72x128xf32, #tpu.memory_space<vmem>>)
      %add3A_478 = arith.constant 4 : i32
      %add3A_479 = arith.addi %add3A_453, %add3A_478 : i32
      %sub3A_480 = arith.constant 1 : i32
      %sub3A_481 = arith.subi %add3A_479, %sub3A_480 : i32
      %lt3A_482 = arith.constant 128 : i32
      %lt3A_483 = arith.cmpi slt, %sub3A_481, %lt3A_482 : i32
      %convert_element_type3A_484 = arith.extui %lt3A_483 : i1 to i32
      %cond3A_485 = arith.constant 0 : i32
      %cond3A_486 = arith.cmpi ne, %convert_element_type3A_484, %cond3A_485 : i32
      scf.if %cond3A_486 {
        %add3A_540 = arith.addi %mul3A_2, %sub3A_481 : i32
        %dma_wait3A_541 = arith.constant 2 : i32
        %dma_wait3A_542 = arith.constant 0 : i32
        %dma_wait3A_543 = tpu.memref_slice %arg5[%dma_wait3A_541, %dma_wait3A_542] : memref<4x200xi32, #tpu.memory_space<vmem>> -> memref<1x200xi32, #tpu.memory_space<vmem>>
        %dma_wait3A_544 = tpu.memref_squeeze %dma_wait3A_543 : memref<1x200xi32, #tpu.memory_space<vmem>> -> memref<200xi32, #tpu.memory_space<vmem>>
        %dma_wait3A_545 = arith.constant 0 : i32
        %dma_wait3A_546 = tpu.memref_slice %arg2[%add3A_540, %dma_wait3A_545] : memref<4096x200xi32, #tpu.memory_space<hbm>> -> memref<1x200xi32, #tpu.memory_space<hbm>>
        %dma_wait3A_547 = tpu.memref_squeeze %dma_wait3A_546 : memref<1x200xi32, #tpu.memory_space<hbm>> -> memref<200xi32, #tpu.memory_space<hbm>>
        %dma_wait3A_548 = arith.constant 0 : i32
        %dma_wait3A_549 = tpu.memref_slice %arg5[%dma_wait3A_541, %dma_wait3A_548] : memref<4x200xi32, #tpu.memory_space<vmem>> -> memref<1x200xi32, #tpu.memory_space<vmem>>
        %dma_wait3A_550 = tpu.memref_squeeze %dma_wait3A_549 : memref<1x200xi32, #tpu.memory_space<vmem>> -> memref<200xi32, #tpu.memory_space<vmem>>
        %dma_wait3A_551 = arith.constant 0 : i32
        %dma_wait3A_552 = tpu.memref_slice %arg2[%add3A_540, %dma_wait3A_551] : memref<4096x200xi32, #tpu.memory_space<hbm>> -> memref<1x200xi32, #tpu.memory_space<hbm>>
        %dma_wait3A_553 = tpu.memref_squeeze %dma_wait3A_552 : memref<1x200xi32, #tpu.memory_space<hbm>> -> memref<200xi32, #tpu.memory_space<hbm>>
        tpu.wait_dma2 semaphore(%arg10 : memref<!tpu.dma_semaphore, #tpu.memory_space<semaphore_mem>>) src(%dma_wait3A_553 : memref<200xi32, #tpu.memory_space<hbm>>) dst(%dma_wait3A_550 : memref<200xi32, #tpu.memory_space<vmem>>)
        %dma_start3A_554 = arith.constant 2 : i32
        %dma_start3A_555 = arith.constant 2 : i32
        %dma_start3A_556 = arith.constant 0 : i32
        %dma_start3A_557 = arith.constant 0 : i32
        %dma_start3A_558 = tpu.memref_slice %arg6[%dma_start3A_555, %dma_start3A_556, %dma_start3A_557] : memref<4x200x128xf32, #tpu.memory_space<vmem>> -> memref<1x128x128xf32, #tpu.memory_space<vmem>>
        %dma_start3A_559 = tpu.memref_squeeze %dma_start3A_558 : memref<1x128x128xf32, #tpu.memory_space<vmem>> -> memref<128x128xf32, #tpu.memory_space<vmem>>
        %dma_start3A_560 = arith.constant 0 : i32
        %dma_start3A_561 = tpu.memref_slice %arg5[%dma_start3A_554, %dma_start3A_560] : memref<4x200xi32, #tpu.memory_space<vmem>> -> memref<1x128xi32, #tpu.memory_space<vmem>>
        %dma_start3A_562 = tpu.memref_squeeze %dma_start3A_561 : memref<1x128xi32, #tpu.memory_space<vmem>> -> memref<128xi32, #tpu.memory_space<vmem>>
        %dma_start3A_563 = arith.constant 0 : i32
        %dma_start3A_564 = arith.constant 0 : i32
        %dma_start3A_565 = tpu.memref_slice %arg3[%dma_start3A_563, %dma_start3A_564] : memref<100001x128xf32, #tpu.memory_space<hbm>> -> memref<100001x128xf32, #tpu.memory_space<hbm>>
        tpu.enqueue_indirect_dma source(%dma_start3A_565 : memref<100001x128xf32, #tpu.memory_space<hbm>>) target(%dma_start3A_559 : memref<128x128xf32, #tpu.memory_space<vmem>>) offsets(%dma_start3A_562 : memref<128xi32, #tpu.memory_space<vmem>>) semaphore(%arg14 : memref<!tpu.dma_semaphore, #tpu.memory_space<semaphore_mem>>)
        %dma_start3A_566 = arith.constant 2 : i32
        %dma_start3A_567 = arith.constant 2 : i32
        %dma_start3A_568 = arith.constant 128 : i32
        %dma_start3A_569 = arith.constant 0 : i32
        %dma_start3A_570 = tpu.memref_slice %arg6[%dma_start3A_567, %dma_start3A_568, %dma_start3A_569] : memref<4x200x128xf32, #tpu.memory_space<vmem>> -> memref<1x72x128xf32, #tpu.memory_space<vmem>>
        %dma_start3A_571 = tpu.memref_squeeze %dma_start3A_570 : memref<1x72x128xf32, #tpu.memory_space<vmem>> -> memref<72x128xf32, #tpu.memory_space<vmem>>
        %dma_start3A_572 = arith.constant 128 : i32
        %dma_start3A_573 = tpu.memref_slice %arg5[%dma_start3A_566, %dma_start3A_572] : memref<4x200xi32, #tpu.memory_space<vmem>> -> memref<1x72xi32, #tpu.memory_space<vmem>>
        %dma_start3A_574 = tpu.memref_squeeze %dma_start3A_573 : memref<1x72xi32, #tpu.memory_space<vmem>> -> memref<72xi32, #tpu.memory_space<vmem>>
        %dma_start3A_575 = arith.constant 0 : i32
        %dma_start3A_576 = arith.constant 0 : i32
        %dma_start3A_577 = tpu.memref_slice %arg3[%dma_start3A_575, %dma_start3A_576] : memref<100001x128xf32, #tpu.memory_space<hbm>> -> memref<100001x128xf32, #tpu.memory_space<hbm>>
        tpu.enqueue_indirect_dma source(%dma_start3A_577 : memref<100001x128xf32, #tpu.memory_space<hbm>>) target(%dma_start3A_571 : memref<72x128xf32, #tpu.memory_space<vmem>>) offsets(%dma_start3A_574 : memref<72xi32, #tpu.memory_space<vmem>>) semaphore(%arg14 : memref<!tpu.dma_semaphore, #tpu.memory_space<semaphore_mem>>)
      } else {
      }
      %add3A_487 = arith.constant 4 : i32
      %add3A_488 = arith.addi %add3A_453, %add3A_487 : i32
      %lt3A_489 = arith.constant 128 : i32
      %lt3A_490 = arith.cmpi slt, %add3A_488, %lt3A_489 : i32
      %convert_element_type3A_491 = arith.extui %lt3A_490 : i1 to i32
      %cond3A_492 = arith.constant 0 : i32
      %cond3A_493 = arith.cmpi ne, %convert_element_type3A_491, %cond3A_492 : i32
      scf.if %cond3A_493 {
        %add3A_540 = arith.constant 4 : i32
        %add3A_541 = arith.addi %add3A_453, %add3A_540 : i32
        %add3A_542 = arith.addi %mul3A_2, %add3A_541 : i32
        %dma_start3A_543 = arith.constant 3 : i32
        %dma_start3A_544 = arith.constant 0 : i32
        %dma_start3A_545 = tpu.memref_slice %arg5[%dma_start3A_543, %dma_start3A_544] : memref<4x200xi32, #tpu.memory_space<vmem>> -> memref<1x200xi32, #tpu.memory_space<vmem>>
        %dma_start3A_546 = tpu.memref_squeeze %dma_start3A_545 : memref<1x200xi32, #tpu.memory_space<vmem>> -> memref<200xi32, #tpu.memory_space<vmem>>
        %dma_start3A_547 = arith.constant 0 : i32
        %dma_start3A_548 = tpu.memref_slice %arg2[%add3A_542, %dma_start3A_547] : memref<4096x200xi32, #tpu.memory_space<hbm>> -> memref<1x200xi32, #tpu.memory_space<hbm>>
        %dma_start3A_549 = tpu.memref_squeeze %dma_start3A_548 : memref<1x200xi32, #tpu.memory_space<hbm>> -> memref<200xi32, #tpu.memory_space<hbm>>
        %dma_start3A_550 = arith.constant 0 : i32
        %dma_start3A_551 = tpu.memref_slice %arg5[%dma_start3A_543, %dma_start3A_550] : memref<4x200xi32, #tpu.memory_space<vmem>> -> memref<1x200xi32, #tpu.memory_space<vmem>>
        %dma_start3A_552 = tpu.memref_squeeze %dma_start3A_551 : memref<1x200xi32, #tpu.memory_space<vmem>> -> memref<200xi32, #tpu.memory_space<vmem>>
        %dma_start3A_553 = arith.constant 0 : i32
        %dma_start3A_554 = tpu.memref_slice %arg2[%add3A_542, %dma_start3A_553] : memref<4096x200xi32, #tpu.memory_space<hbm>> -> memref<1x200xi32, #tpu.memory_space<hbm>>
        %dma_start3A_555 = tpu.memref_squeeze %dma_start3A_554 : memref<1x200xi32, #tpu.memory_space<hbm>> -> memref<200xi32, #tpu.memory_space<hbm>>
        tpu.enqueue_dma source(%dma_start3A_555 : memref<200xi32, #tpu.memory_space<hbm>>) target(%dma_start3A_552 : memref<200xi32, #tpu.memory_space<vmem>>) target_semaphore(%arg11 : memref<!tpu.dma_semaphore, #tpu.memory_space<semaphore_mem>>)
      } else {
      }
      %scan3A_494 = arith.constant 0 : i32
      %scan3A_495 = arith.constant 50 : i32
      %scan3A_496 = arith.addi %scan3A_494, %scan3A_495 : i32
      %scan3A_497 = arith.constant 1 : i32
      %scan3A_498:8 = scf.for %scan3A_540 = %scan3A_494 to %scan3A_496 step %scan3A_497 iter_args(%scan3A_541 = %broadcast_in_dim3A_178, %scan3A_542 = %broadcast_in_dim3A_178, %scan3A_543 = %broadcast_in_dim3A_178, %scan3A_544 = %broadcast_in_dim3A_178, %scan3A_545 = %broadcast_in_dim3A_178, %scan3A_546 = %broadcast_in_dim3A_178, %scan3A_547 = %broadcast_in_dim3A_178, %scan3A_548 = %broadcast_in_dim3A_178) -> (vector<16xf32>, vector<16xf32>, vector<16xf32>, vector<16xf32>, vector<16xf32>, vector<16xf32>, vector<16xf32>, vector<16xf32>)  : i32 {
        %mul3A_549 = arith.constant 4 : i32
        %mul3A_550 = arith.muli %scan3A_540, %mul3A_549 : i32
        %add3A_551 = arith.constant 0 : i32
        %add3A_552 = arith.addi %mul3A_550, %add3A_551 : i32
        %get3A = arith.constant 3 : i32
        %get3A_553 = arith.index_cast %get3A : i32 to index
        %get3A_554 = arith.index_cast %add3A_552 : i32 to index
        %get3A_555 = arith.constant 0 : index
        %get3A_556 = tpu.vector_load %arg6[%get3A_553, %get3A_554, %get3A_555] {strides = array<i32>} : memref<4x200x128xf32, #tpu.memory_space<vmem>>, vector<1x1x16xf32>,
        %get3A_557 = vector.shape_cast %get3A_556 : vector<1x1x16xf32> to vector<16xf32>
        %add3A_558 = arith.addf %scan3A_541, %get3A_557 : vector<16xf32>
        %mul3A_559 = arith.constant 4 : i32
        %mul3A_560 = arith.muli %scan3A_540, %mul3A_559 : i32
        %add3A_561 = arith.constant 0 : i32
        %add3A_562 = arith.addi %mul3A_560, %add3A_561 : i32
        %get3A_563 = arith.constant 3 : i32
        %get3A_564 = arith.index_cast %get3A_563 : i32 to index
        %get3A_565 = arith.index_cast %add3A_562 : i32 to index
        %get3A_566 = arith.constant 16 : index
        %get3A_567 = tpu.vector_load %arg6[%get3A_564, %get3A_565, %get3A_566] {strides = array<i32>} : memref<4x200x128xf32, #tpu.memory_space<vmem>>, vector<1x1x16xf32>,
        %get3A_568 = vector.shape_cast %get3A_567 : vector<1x1x16xf32> to vector<16xf32>
        %add3A_569 = arith.addf %scan3A_542, %get3A_568 : vector<16xf32>
        %mul3A_570 = arith.constant 4 : i32
        %mul3A_571 = arith.muli %scan3A_540, %mul3A_570 : i32
        %add3A_572 = arith.constant 0 : i32
        %add3A_573 = arith.addi %mul3A_571, %add3A_572 : i32
        %get3A_574 = arith.constant 3 : i32
        %get3A_575 = arith.index_cast %get3A_574 : i32 to index
        %get3A_576 = arith.index_cast %add3A_573 : i32 to index
        %get3A_577 = arith.constant 32 : index
        %get3A_578 = tpu.vector_load %arg6[%get3A_575, %get3A_576, %get3A_577] {strides = array<i32>} : memref<4x200x128xf32, #tpu.memory_space<vmem>>, vector<1x1x16xf32>,
        %get3A_579 = vector.shape_cast %get3A_578 : vector<1x1x16xf32> to vector<16xf32>
        %add3A_580 = arith.addf %scan3A_543, %get3A_579 : vector<16xf32>
        %mul3A_581 = arith.constant 4 : i32
        %mul3A_582 = arith.muli %scan3A_540, %mul3A_581 : i32
        %add3A_583 = arith.constant 0 : i32
        %add3A_584 = arith.addi %mul3A_582, %add3A_583 : i32
        %get3A_585 = arith.constant 3 : i32
        %get3A_586 = arith.index_cast %get3A_585 : i32 to index
        %get3A_587 = arith.index_cast %add3A_584 : i32 to index
        %get3A_588 = arith.constant 48 : index
        %get3A_589 = tpu.vector_load %arg6[%get3A_586, %get3A_587, %get3A_588] {strides = array<i32>} : memref<4x200x128xf32, #tpu.memory_space<vmem>>, vector<1x1x16xf32>,
        %get3A_590 = vector.shape_cast %get3A_589 : vector<1x1x16xf32> to vector<16xf32>
        %add3A_591 = arith.addf %scan3A_544, %get3A_590 : vector<16xf32>
        %mul3A_592 = arith.constant 4 : i32
        %mul3A_593 = arith.muli %scan3A_540, %mul3A_592 : i32
        %add3A_594 = arith.constant 0 : i32
        %add3A_595 = arith.addi %mul3A_593, %add3A_594 : i32
        %get3A_596 = arith.constant 3 : i32
        %get3A_597 = arith.index_cast %get3A_596 : i32 to index
        %get3A_598 = arith.index_cast %add3A_595 : i32 to index
        %get3A_599 = arith.constant 64 : index
        %get3A_600 = tpu.vector_load %arg6[%get3A_597, %get3A_598, %get3A_599] {strides = array<i32>} : memref<4x200x128xf32, #tpu.memory_space<vmem>>, vector<1x1x16xf32>,
        %get3A_601 = vector.shape_cast %get3A_600 : vector<1x1x16xf32> to vector<16xf32>
        %add3A_602 = arith.addf %scan3A_545, %get3A_601 : vector<16xf32>
        %mul3A_603 = arith.constant 4 : i32
        %mul3A_604 = arith.muli %scan3A_540, %mul3A_603 : i32
        %add3A_605 = arith.constant 0 : i32
        %add3A_606 = arith.addi %mul3A_604, %add3A_605 : i32
        %get3A_607 = arith.constant 3 : i32
        %get3A_608 = arith.index_cast %get3A_607 : i32 to index
        %get3A_609 = arith.index_cast %add3A_606 : i32 to index
        %get3A_610 = arith.constant 80 : index
        %get3A_611 = tpu.vector_load %arg6[%get3A_608, %get3A_609, %get3A_610] {strides = array<i32>} : memref<4x200x128xf32, #tpu.memory_space<vmem>>, vector<1x1x16xf32>,
        %get3A_612 = vector.shape_cast %get3A_611 : vector<1x1x16xf32> to vector<16xf32>
        %add3A_613 = arith.addf %scan3A_546, %get3A_612 : vector<16xf32>
        %mul3A_614 = arith.constant 4 : i32
        %mul3A_615 = arith.muli %scan3A_540, %mul3A_614 : i32
        %add3A_616 = arith.constant 0 : i32
        %add3A_617 = arith.addi %mul3A_615, %add3A_616 : i32
        %get3A_618 = arith.constant 3 : i32
        %get3A_619 = arith.index_cast %get3A_618 : i32 to index
        %get3A_620 = arith.index_cast %add3A_617 : i32 to index
        %get3A_621 = arith.constant 96 : index
        %get3A_622 = tpu.vector_load %arg6[%get3A_619, %get3A_620, %get3A_621] {strides = array<i32>} : memref<4x200x128xf32, #tpu.memory_space<vmem>>, vector<1x1x16xf32>,
        %get3A_623 = vector.shape_cast %get3A_622 : vector<1x1x16xf32> to vector<16xf32>
        %add3A_624 = arith.addf %scan3A_547, %get3A_623 : vector<16xf32>
        %mul3A_625 = arith.constant 4 : i32
        %mul3A_626 = arith.muli %scan3A_540, %mul3A_625 : i32
        %add3A_627 = arith.constant 0 : i32
        %add3A_628 = arith.addi %mul3A_626, %add3A_627 : i32
        %get3A_629 = arith.constant 3 : i32
        %get3A_630 = arith.index_cast %get3A_629 : i32 to index
        %get3A_631 = arith.index_cast %add3A_628 : i32 to index
        %get3A_632 = arith.constant 112 : index
        %get3A_633 = tpu.vector_load %arg6[%get3A_630, %get3A_631, %get3A_632] {strides = array<i32>} : memref<4x200x128xf32, #tpu.memory_space<vmem>>, vector<1x1x16xf32>,
        %get3A_634 = vector.shape_cast %get3A_633 : vector<1x1x16xf32> to vector<16xf32>
        %add3A_635 = arith.addf %scan3A_548, %get3A_634 : vector<16xf32>
        %mul3A_636 = arith.constant 4 : i32
        %mul3A_637 = arith.muli %scan3A_540, %mul3A_636 : i32
        %add3A_638 = arith.constant 1 : i32
        %add3A_639 = arith.addi %mul3A_637, %add3A_638 : i32
        %get3A_640 = arith.constant 3 : i32
        %get3A_641 = arith.index_cast %get3A_640 : i32 to index
        %get3A_642 = arith.index_cast %add3A_639 : i32 to index
        %get3A_643 = arith.constant 0 : index
        %get3A_644 = tpu.vector_load %arg6[%get3A_641, %get3A_642, %get3A_643] {strides = array<i32>} : memref<4x200x128xf32, #tpu.memory_space<vmem>>, vector<1x1x16xf32>,
        %get3A_645 = vector.shape_cast %get3A_644 : vector<1x1x16xf32> to vector<16xf32>
        %add3A_646 = arith.addf %add3A_558, %get3A_645 : vector<16xf32>
        %mul3A_647 = arith.constant 4 : i32
        %mul3A_648 = arith.muli %scan3A_540, %mul3A_647 : i32
        %add3A_649 = arith.constant 1 : i32
        %add3A_650 = arith.addi %mul3A_648, %add3A_649 : i32
        %get3A_651 = arith.constant 3 : i32
        %get3A_652 = arith.index_cast %get3A_651 : i32 to index
        %get3A_653 = arith.index_cast %add3A_650 : i32 to index
        %get3A_654 = arith.constant 16 : index
        %get3A_655 = tpu.vector_load %arg6[%get3A_652, %get3A_653, %get3A_654] {strides = array<i32>} : memref<4x200x128xf32, #tpu.memory_space<vmem>>, vector<1x1x16xf32>,
        %get3A_656 = vector.shape_cast %get3A_655 : vector<1x1x16xf32> to vector<16xf32>
        %add3A_657 = arith.addf %add3A_569, %get3A_656 : vector<16xf32>
        %mul3A_658 = arith.constant 4 : i32
        %mul3A_659 = arith.muli %scan3A_540, %mul3A_658 : i32
        %add3A_660 = arith.constant 1 : i32
        %add3A_661 = arith.addi %mul3A_659, %add3A_660 : i32
        %get3A_662 = arith.constant 3 : i32
        %get3A_663 = arith.index_cast %get3A_662 : i32 to index
        %get3A_664 = arith.index_cast %add3A_661 : i32 to index
        %get3A_665 = arith.constant 32 : index
        %get3A_666 = tpu.vector_load %arg6[%get3A_663, %get3A_664, %get3A_665] {strides = array<i32>} : memref<4x200x128xf32, #tpu.memory_space<vmem>>, vector<1x1x16xf32>,
        %get3A_667 = vector.shape_cast %get3A_666 : vector<1x1x16xf32> to vector<16xf32>
        %add3A_668 = arith.addf %add3A_580, %get3A_667 : vector<16xf32>
        %mul3A_669 = arith.constant 4 : i32
        %mul3A_670 = arith.muli %scan3A_540, %mul3A_669 : i32
        %add3A_671 = arith.constant 1 : i32
        %add3A_672 = arith.addi %mul3A_670, %add3A_671 : i32
        %get3A_673 = arith.constant 3 : i32
        %get3A_674 = arith.index_cast %get3A_673 : i32 to index
        %get3A_675 = arith.index_cast %add3A_672 : i32 to index
        %get3A_676 = arith.constant 48 : index
        %get3A_677 = tpu.vector_load %arg6[%get3A_674, %get3A_675, %get3A_676] {strides = array<i32>} : memref<4x200x128xf32, #tpu.memory_space<vmem>>, vector<1x1x16xf32>,
        %get3A_678 = vector.shape_cast %get3A_677 : vector<1x1x16xf32> to vector<16xf32>
        %add3A_679 = arith.addf %add3A_591, %get3A_678 : vector<16xf32>
        %mul3A_680 = arith.constant 4 : i32
        %mul3A_681 = arith.muli %scan3A_540, %mul3A_680 : i32
        %add3A_682 = arith.constant 1 : i32
        %add3A_683 = arith.addi %mul3A_681, %add3A_682 : i32
        %get3A_684 = arith.constant 3 : i32
        %get3A_685 = arith.index_cast %get3A_684 : i32 to index
        %get3A_686 = arith.index_cast %add3A_683 : i32 to index
        %get3A_687 = arith.constant 64 : index
        %get3A_688 = tpu.vector_load %arg6[%get3A_685, %get3A_686, %get3A_687] {strides = array<i32>} : memref<4x200x128xf32, #tpu.memory_space<vmem>>, vector<1x1x16xf32>,
        %get3A_689 = vector.shape_cast %get3A_688 : vector<1x1x16xf32> to vector<16xf32>
        %add3A_690 = arith.addf %add3A_602, %get3A_689 : vector<16xf32>
        %mul3A_691 = arith.constant 4 : i32
        %mul3A_692 = arith.muli %scan3A_540, %mul3A_691 : i32
        %add3A_693 = arith.constant 1 : i32
        %add3A_694 = arith.addi %mul3A_692, %add3A_693 : i32
        %get3A_695 = arith.constant 3 : i32
        %get3A_696 = arith.index_cast %get3A_695 : i32 to index
        %get3A_697 = arith.index_cast %add3A_694 : i32 to index
        %get3A_698 = arith.constant 80 : index
        %get3A_699 = tpu.vector_load %arg6[%get3A_696, %get3A_697, %get3A_698] {strides = array<i32>} : memref<4x200x128xf32, #tpu.memory_space<vmem>>, vector<1x1x16xf32>,
        %get3A_700 = vector.shape_cast %get3A_699 : vector<1x1x16xf32> to vector<16xf32>
        %add3A_701 = arith.addf %add3A_613, %get3A_700 : vector<16xf32>
        %mul3A_702 = arith.constant 4 : i32
        %mul3A_703 = arith.muli %scan3A_540, %mul3A_702 : i32
        %add3A_704 = arith.constant 1 : i32
        %add3A_705 = arith.addi %mul3A_703, %add3A_704 : i32
        %get3A_706 = arith.constant 3 : i32
        %get3A_707 = arith.index_cast %get3A_706 : i32 to index
        %get3A_708 = arith.index_cast %add3A_705 : i32 to index
        %get3A_709 = arith.constant 96 : index
        %get3A_710 = tpu.vector_load %arg6[%get3A_707, %get3A_708, %get3A_709] {strides = array<i32>} : memref<4x200x128xf32, #tpu.memory_space<vmem>>, vector<1x1x16xf32>,
        %get3A_711 = vector.shape_cast %get3A_710 : vector<1x1x16xf32> to vector<16xf32>
        %add3A_712 = arith.addf %add3A_624, %get3A_711 : vector<16xf32>
        %mul3A_713 = arith.constant 4 : i32
        %mul3A_714 = arith.muli %scan3A_540, %mul3A_713 : i32
        %add3A_715 = arith.constant 1 : i32
        %add3A_716 = arith.addi %mul3A_714, %add3A_715 : i32
        %get3A_717 = arith.constant 3 : i32
        %get3A_718 = arith.index_cast %get3A_717 : i32 to index
        %get3A_719 = arith.index_cast %add3A_716 : i32 to index
        %get3A_720 = arith.constant 112 : index
        %get3A_721 = tpu.vector_load %arg6[%get3A_718, %get3A_719, %get3A_720] {strides = array<i32>} : memref<4x200x128xf32, #tpu.memory_space<vmem>>, vector<1x1x16xf32>,
        %get3A_722 = vector.shape_cast %get3A_721 : vector<1x1x16xf32> to vector<16xf32>
        %add3A_723 = arith.addf %add3A_635, %get3A_722 : vector<16xf32>
        %mul3A_724 = arith.constant 4 : i32
        %mul3A_725 = arith.muli %scan3A_540, %mul3A_724 : i32
        %add3A_726 = arith.constant 2 : i32
        %add3A_727 = arith.addi %mul3A_725, %add3A_726 : i32
        %get3A_728 = arith.constant 3 : i32
        %get3A_729 = arith.index_cast %get3A_728 : i32 to index
        %get3A_730 = arith.index_cast %add3A_727 : i32 to index
        %get3A_731 = arith.constant 0 : index
        %get3A_732 = tpu.vector_load %arg6[%get3A_729, %get3A_730, %get3A_731] {strides = array<i32>} : memref<4x200x128xf32, #tpu.memory_space<vmem>>, vector<1x1x16xf32>,
        %get3A_733 = vector.shape_cast %get3A_732 : vector<1x1x16xf32> to vector<16xf32>
        %add3A_734 = arith.addf %add3A_646, %get3A_733 : vector<16xf32>
        %mul3A_735 = arith.constant 4 : i32
        %mul3A_736 = arith.muli %scan3A_540, %mul3A_735 : i32
        %add3A_737 = arith.constant 2 : i32
        %add3A_738 = arith.addi %mul3A_736, %add3A_737 : i32
        %get3A_739 = arith.constant 3 : i32
        %get3A_740 = arith.index_cast %get3A_739 : i32 to index
        %get3A_741 = arith.index_cast %add3A_738 : i32 to index
        %get3A_742 = arith.constant 16 : index
        %get3A_743 = tpu.vector_load %arg6[%get3A_740, %get3A_741, %get3A_742] {strides = array<i32>} : memref<4x200x128xf32, #tpu.memory_space<vmem>>, vector<1x1x16xf32>,
        %get3A_744 = vector.shape_cast %get3A_743 : vector<1x1x16xf32> to vector<16xf32>
        %add3A_745 = arith.addf %add3A_657, %get3A_744 : vector<16xf32>
        %mul3A_746 = arith.constant 4 : i32
        %mul3A_747 = arith.muli %scan3A_540, %mul3A_746 : i32
        %add3A_748 = arith.constant 2 : i32
        %add3A_749 = arith.addi %mul3A_747, %add3A_748 : i32
        %get3A_750 = arith.constant 3 : i32
        %get3A_751 = arith.index_cast %get3A_750 : i32 to index
        %get3A_752 = arith.index_cast %add3A_749 : i32 to index
        %get3A_753 = arith.constant 32 : index
        %get3A_754 = tpu.vector_load %arg6[%get3A_751, %get3A_752, %get3A_753] {strides = array<i32>} : memref<4x200x128xf32, #tpu.memory_space<vmem>>, vector<1x1x16xf32>,
        %get3A_755 = vector.shape_cast %get3A_754 : vector<1x1x16xf32> to vector<16xf32>
        %add3A_756 = arith.addf %add3A_668, %get3A_755 : vector<16xf32>
        %mul3A_757 = arith.constant 4 : i32
        %mul3A_758 = arith.muli %scan3A_540, %mul3A_757 : i32
        %add3A_759 = arith.constant 2 : i32
        %add3A_760 = arith.addi %mul3A_758, %add3A_759 : i32
        %get3A_761 = arith.constant 3 : i32
        %get3A_762 = arith.index_cast %get3A_761 : i32 to index
        %get3A_763 = arith.index_cast %add3A_760 : i32 to index
        %get3A_764 = arith.constant 48 : index
        %get3A_765 = tpu.vector_load %arg6[%get3A_762, %get3A_763, %get3A_764] {strides = array<i32>} : memref<4x200x128xf32, #tpu.memory_space<vmem>>, vector<1x1x16xf32>,
        %get3A_766 = vector.shape_cast %get3A_765 : vector<1x1x16xf32> to vector<16xf32>
        %add3A_767 = arith.addf %add3A_679, %get3A_766 : vector<16xf32>
        %mul3A_768 = arith.constant 4 : i32
        %mul3A_769 = arith.muli %scan3A_540, %mul3A_768 : i32
        %add3A_770 = arith.constant 2 : i32
        %add3A_771 = arith.addi %mul3A_769, %add3A_770 : i32
        %get3A_772 = arith.constant 3 : i32
        %get3A_773 = arith.index_cast %get3A_772 : i32 to index
        %get3A_774 = arith.index_cast %add3A_771 : i32 to index
        %get3A_775 = arith.constant 64 : index
        %get3A_776 = tpu.vector_load %arg6[%get3A_773, %get3A_774, %get3A_775] {strides = array<i32>} : memref<4x200x128xf32, #tpu.memory_space<vmem>>, vector<1x1x16xf32>,
        %get3A_777 = vector.shape_cast %get3A_776 : vector<1x1x16xf32> to vector<16xf32>
        %add3A_778 = arith.addf %add3A_690, %get3A_777 : vector<16xf32>
        %mul3A_779 = arith.constant 4 : i32
        %mul3A_780 = arith.muli %scan3A_540, %mul3A_779 : i32
        %add3A_781 = arith.constant 2 : i32
        %add3A_782 = arith.addi %mul3A_780, %add3A_781 : i32
        %get3A_783 = arith.constant 3 : i32
        %get3A_784 = arith.index_cast %get3A_783 : i32 to index
        %get3A_785 = arith.index_cast %add3A_782 : i32 to index
        %get3A_786 = arith.constant 80 : index
        %get3A_787 = tpu.vector_load %arg6[%get3A_784, %get3A_785, %get3A_786] {strides = array<i32>} : memref<4x200x128xf32, #tpu.memory_space<vmem>>, vector<1x1x16xf32>,
        %get3A_788 = vector.shape_cast %get3A_787 : vector<1x1x16xf32> to vector<16xf32>
        %add3A_789 = arith.addf %add3A_701, %get3A_788 : vector<16xf32>
        %mul3A_790 = arith.constant 4 : i32
        %mul3A_791 = arith.muli %scan3A_540, %mul3A_790 : i32
        %add3A_792 = arith.constant 2 : i32
        %add3A_793 = arith.addi %mul3A_791, %add3A_792 : i32
        %get3A_794 = arith.constant 3 : i32
        %get3A_795 = arith.index_cast %get3A_794 : i32 to index
        %get3A_796 = arith.index_cast %add3A_793 : i32 to index
        %get3A_797 = arith.constant 96 : index
        %get3A_798 = tpu.vector_load %arg6[%get3A_795, %get3A_796, %get3A_797] {strides = array<i32>} : memref<4x200x128xf32, #tpu.memory_space<vmem>>, vector<1x1x16xf32>,
        %get3A_799 = vector.shape_cast %get3A_798 : vector<1x1x16xf32> to vector<16xf32>
        %add3A_800 = arith.addf %add3A_712, %get3A_799 : vector<16xf32>
        %mul3A_801 = arith.constant 4 : i32
        %mul3A_802 = arith.muli %scan3A_540, %mul3A_801 : i32
        %add3A_803 = arith.constant 2 : i32
        %add3A_804 = arith.addi %mul3A_802, %add3A_803 : i32
        %get3A_805 = arith.constant 3 : i32
        %get3A_806 = arith.index_cast %get3A_805 : i32 to index
        %get3A_807 = arith.index_cast %add3A_804 : i32 to index
        %get3A_808 = arith.constant 112 : index
        %get3A_809 = tpu.vector_load %arg6[%get3A_806, %get3A_807, %get3A_808] {strides = array<i32>} : memref<4x200x128xf32, #tpu.memory_space<vmem>>, vector<1x1x16xf32>,
        %get3A_810 = vector.shape_cast %get3A_809 : vector<1x1x16xf32> to vector<16xf32>
        %add3A_811 = arith.addf %add3A_723, %get3A_810 : vector<16xf32>
        %mul3A_812 = arith.constant 4 : i32
        %mul3A_813 = arith.muli %scan3A_540, %mul3A_812 : i32
        %add3A_814 = arith.constant 3 : i32
        %add3A_815 = arith.addi %mul3A_813, %add3A_814 : i32
        %get3A_816 = arith.constant 3 : i32
        %get3A_817 = arith.index_cast %get3A_816 : i32 to index
        %get3A_818 = arith.index_cast %add3A_815 : i32 to index
        %get3A_819 = arith.constant 0 : index
        %get3A_820 = tpu.vector_load %arg6[%get3A_817, %get3A_818, %get3A_819] {strides = array<i32>} : memref<4x200x128xf32, #tpu.memory_space<vmem>>, vector<1x1x16xf32>,
        %get3A_821 = vector.shape_cast %get3A_820 : vector<1x1x16xf32> to vector<16xf32>
        %add3A_822 = arith.addf %add3A_734, %get3A_821 : vector<16xf32>
        %mul3A_823 = arith.constant 4 : i32
        %mul3A_824 = arith.muli %scan3A_540, %mul3A_823 : i32
        %add3A_825 = arith.constant 3 : i32
        %add3A_826 = arith.addi %mul3A_824, %add3A_825 : i32
        %get3A_827 = arith.constant 3 : i32
        %get3A_828 = arith.index_cast %get3A_827 : i32 to index
        %get3A_829 = arith.index_cast %add3A_826 : i32 to index
        %get3A_830 = arith.constant 16 : index
        %get3A_831 = tpu.vector_load %arg6[%get3A_828, %get3A_829, %get3A_830] {strides = array<i32>} : memref<4x200x128xf32, #tpu.memory_space<vmem>>, vector<1x1x16xf32>,
        %get3A_832 = vector.shape_cast %get3A_831 : vector<1x1x16xf32> to vector<16xf32>
        %add3A_833 = arith.addf %add3A_745, %get3A_832 : vector<16xf32>
        %mul3A_834 = arith.constant 4 : i32
        %mul3A_835 = arith.muli %scan3A_540, %mul3A_834 : i32
        %add3A_836 = arith.constant 3 : i32
        %add3A_837 = arith.addi %mul3A_835, %add3A_836 : i32
        %get3A_838 = arith.constant 3 : i32
        %get3A_839 = arith.index_cast %get3A_838 : i32 to index
        %get3A_840 = arith.index_cast %add3A_837 : i32 to index
        %get3A_841 = arith.constant 32 : index
        %get3A_842 = tpu.vector_load %arg6[%get3A_839, %get3A_840, %get3A_841] {strides = array<i32>} : memref<4x200x128xf32, #tpu.memory_space<vmem>>, vector<1x1x16xf32>,
        %get3A_843 = vector.shape_cast %get3A_842 : vector<1x1x16xf32> to vector<16xf32>
        %add3A_844 = arith.addf %add3A_756, %get3A_843 : vector<16xf32>
        %mul3A_845 = arith.constant 4 : i32
        %mul3A_846 = arith.muli %scan3A_540, %mul3A_845 : i32
        %add3A_847 = arith.constant 3 : i32
        %add3A_848 = arith.addi %mul3A_846, %add3A_847 : i32
        %get3A_849 = arith.constant 3 : i32
        %get3A_850 = arith.index_cast %get3A_849 : i32 to index
        %get3A_851 = arith.index_cast %add3A_848 : i32 to index
        %get3A_852 = arith.constant 48 : index
        %get3A_853 = tpu.vector_load %arg6[%get3A_850, %get3A_851, %get3A_852] {strides = array<i32>} : memref<4x200x128xf32, #tpu.memory_space<vmem>>, vector<1x1x16xf32>,
        %get3A_854 = vector.shape_cast %get3A_853 : vector<1x1x16xf32> to vector<16xf32>
        %add3A_855 = arith.addf %add3A_767, %get3A_854 : vector<16xf32>
        %mul3A_856 = arith.constant 4 : i32
        %mul3A_857 = arith.muli %scan3A_540, %mul3A_856 : i32
        %add3A_858 = arith.constant 3 : i32
        %add3A_859 = arith.addi %mul3A_857, %add3A_858 : i32
        %get3A_860 = arith.constant 3 : i32
        %get3A_861 = arith.index_cast %get3A_860 : i32 to index
        %get3A_862 = arith.index_cast %add3A_859 : i32 to index
        %get3A_863 = arith.constant 64 : index
        %get3A_864 = tpu.vector_load %arg6[%get3A_861, %get3A_862, %get3A_863] {strides = array<i32>} : memref<4x200x128xf32, #tpu.memory_space<vmem>>, vector<1x1x16xf32>,
        %get3A_865 = vector.shape_cast %get3A_864 : vector<1x1x16xf32> to vector<16xf32>
        %add3A_866 = arith.addf %add3A_778, %get3A_865 : vector<16xf32>
        %mul3A_867 = arith.constant 4 : i32
        %mul3A_868 = arith.muli %scan3A_540, %mul3A_867 : i32
        %add3A_869 = arith.constant 3 : i32
        %add3A_870 = arith.addi %mul3A_868, %add3A_869 : i32
        %get3A_871 = arith.constant 3 : i32
        %get3A_872 = arith.index_cast %get3A_871 : i32 to index
        %get3A_873 = arith.index_cast %add3A_870 : i32 to index
        %get3A_874 = arith.constant 80 : index
        %get3A_875 = tpu.vector_load %arg6[%get3A_872, %get3A_873, %get3A_874] {strides = array<i32>} : memref<4x200x128xf32, #tpu.memory_space<vmem>>, vector<1x1x16xf32>,
        %get3A_876 = vector.shape_cast %get3A_875 : vector<1x1x16xf32> to vector<16xf32>
        %add3A_877 = arith.addf %add3A_789, %get3A_876 : vector<16xf32>
        %mul3A_878 = arith.constant 4 : i32
        %mul3A_879 = arith.muli %scan3A_540, %mul3A_878 : i32
        %add3A_880 = arith.constant 3 : i32
        %add3A_881 = arith.addi %mul3A_879, %add3A_880 : i32
        %get3A_882 = arith.constant 3 : i32
        %get3A_883 = arith.index_cast %get3A_882 : i32 to index
        %get3A_884 = arith.index_cast %add3A_881 : i32 to index
        %get3A_885 = arith.constant 96 : index
        %get3A_886 = tpu.vector_load %arg6[%get3A_883, %get3A_884, %get3A_885] {strides = array<i32>} : memref<4x200x128xf32, #tpu.memory_space<vmem>>, vector<1x1x16xf32>,
        %get3A_887 = vector.shape_cast %get3A_886 : vector<1x1x16xf32> to vector<16xf32>
        %add3A_888 = arith.addf %add3A_800, %get3A_887 : vector<16xf32>
        %mul3A_889 = arith.constant 4 : i32
        %mul3A_890 = arith.muli %scan3A_540, %mul3A_889 : i32
        %add3A_891 = arith.constant 3 : i32
        %add3A_892 = arith.addi %mul3A_890, %add3A_891 : i32
        %get3A_893 = arith.constant 3 : i32
        %get3A_894 = arith.index_cast %get3A_893 : i32 to index
        %get3A_895 = arith.index_cast %add3A_892 : i32 to index
        %get3A_896 = arith.constant 112 : index
        %get3A_897 = tpu.vector_load %arg6[%get3A_894, %get3A_895, %get3A_896] {strides = array<i32>} : memref<4x200x128xf32, #tpu.memory_space<vmem>>, vector<1x1x16xf32>,
        %get3A_898 = vector.shape_cast %get3A_897 : vector<1x1x16xf32> to vector<16xf32>
        %add3A_899 = arith.addf %add3A_811, %get3A_898 : vector<16xf32>
        scf.yield %add3A_822, %add3A_833, %add3A_844, %add3A_855, %add3A_866, %add3A_877, %add3A_888, %add3A_899 : vector<16xf32>, vector<16xf32>, vector<16xf32>, vector<16xf32>, vector<16xf32>, vector<16xf32>, vector<16xf32>, vector<16xf32>
      }
      %scan3A_499 = arith.constant 50 : i32
      %swap3A_500 = arith.index_cast %add3A_453 : i32 to index
      %swap3A_501 = arith.constant 0 : index
      %swap3A_502 = tpu.vector_load %arg7[%swap3A_500, %swap3A_501] {strides = array<i32>} : memref<128x128xf32, #tpu.memory_space<vmem>>, vector<1x16xf32>,
      %swap3A_503 = vector.shape_cast %swap3A_502 : vector<1x16xf32> to vector<16xf32>
      %swap3A_504 = vector.shape_cast %scan3A_498#0 : vector<16xf32> to vector<1x16xf32>
      tpu.vector_store %arg7[%swap3A_500, %swap3A_501], %swap3A_504 {strides = array<i32>} : memref<128x128xf32, #tpu.memory_space<vmem>>, vector<1x16xf32>,
      %swap3A_505 = arith.index_cast %add3A_453 : i32 to index
      %swap3A_506 = arith.constant 16 : index
      %swap3A_507 = tpu.vector_load %arg7[%swap3A_505, %swap3A_506] {strides = array<i32>} : memref<128x128xf32, #tpu.memory_space<vmem>>, vector<1x16xf32>,
      %swap3A_508 = vector.shape_cast %swap3A_507 : vector<1x16xf32> to vector<16xf32>
      %swap3A_509 = vector.shape_cast %scan3A_498#1 : vector<16xf32> to vector<1x16xf32>
      tpu.vector_store %arg7[%swap3A_505, %swap3A_506], %swap3A_509 {strides = array<i32>} : memref<128x128xf32, #tpu.memory_space<vmem>>, vector<1x16xf32>,
      %swap3A_510 = arith.index_cast %add3A_453 : i32 to index
      %swap3A_511 = arith.constant 32 : index
      %swap3A_512 = tpu.vector_load %arg7[%swap3A_510, %swap3A_511] {strides = array<i32>} : memref<128x128xf32, #tpu.memory_space<vmem>>, vector<1x16xf32>,
      %swap3A_513 = vector.shape_cast %swap3A_512 : vector<1x16xf32> to vector<16xf32>
      %swap3A_514 = vector.shape_cast %scan3A_498#2 : vector<16xf32> to vector<1x16xf32>
      tpu.vector_store %arg7[%swap3A_510, %swap3A_511], %swap3A_514 {strides = array<i32>} : memref<128x128xf32, #tpu.memory_space<vmem>>, vector<1x16xf32>,
      %swap3A_515 = arith.index_cast %add3A_453 : i32 to index
      %swap3A_516 = arith.constant 48 : index
      %swap3A_517 = tpu.vector_load %arg7[%swap3A_515, %swap3A_516] {strides = array<i32>} : memref<128x128xf32, #tpu.memory_space<vmem>>, vector<1x16xf32>,
      %swap3A_518 = vector.shape_cast %swap3A_517 : vector<1x16xf32> to vector<16xf32>
      %swap3A_519 = vector.shape_cast %scan3A_498#3 : vector<16xf32> to vector<1x16xf32>
      tpu.vector_store %arg7[%swap3A_515, %swap3A_516], %swap3A_519 {strides = array<i32>} : memref<128x128xf32, #tpu.memory_space<vmem>>, vector<1x16xf32>,
      %swap3A_520 = arith.index_cast %add3A_453 : i32 to index
      %swap3A_521 = arith.constant 64 : index
      %swap3A_522 = tpu.vector_load %arg7[%swap3A_520, %swap3A_521] {strides = array<i32>} : memref<128x128xf32, #tpu.memory_space<vmem>>, vector<1x16xf32>,
      %swap3A_523 = vector.shape_cast %swap3A_522 : vector<1x16xf32> to vector<16xf32>
      %swap3A_524 = vector.shape_cast %scan3A_498#4 : vector<16xf32> to vector<1x16xf32>
      tpu.vector_store %arg7[%swap3A_520, %swap3A_521], %swap3A_524 {strides = array<i32>} : memref<128x128xf32, #tpu.memory_space<vmem>>, vector<1x16xf32>,
      %swap3A_525 = arith.index_cast %add3A_453 : i32 to index
      %swap3A_526 = arith.constant 80 : index
      %swap3A_527 = tpu.vector_load %arg7[%swap3A_525, %swap3A_526] {strides = array<i32>} : memref<128x128xf32, #tpu.memory_space<vmem>>, vector<1x16xf32>,
      %swap3A_528 = vector.shape_cast %swap3A_527 : vector<1x16xf32> to vector<16xf32>
      %swap3A_529 = vector.shape_cast %scan3A_498#5 : vector<16xf32> to vector<1x16xf32>
      tpu.vector_store %arg7[%swap3A_525, %swap3A_526], %swap3A_529 {strides = array<i32>} : memref<128x128xf32, #tpu.memory_space<vmem>>, vector<1x16xf32>,
      %swap3A_530 = arith.index_cast %add3A_453 : i32 to index
      %swap3A_531 = arith.constant 96 : index
      %swap3A_532 = tpu.vector_load %arg7[%swap3A_530, %swap3A_531] {strides = array<i32>} : memref<128x128xf32, #tpu.memory_space<vmem>>, vector<1x16xf32>,
      %swap3A_533 = vector.shape_cast %swap3A_532 : vector<1x16xf32> to vector<16xf32>
      %swap3A_534 = vector.shape_cast %scan3A_498#6 : vector<16xf32> to vector<1x16xf32>
      tpu.vector_store %arg7[%swap3A_530, %swap3A_531], %swap3A_534 {strides = array<i32>} : memref<128x128xf32, #tpu.memory_space<vmem>>, vector<1x16xf32>,
      %swap3A_535 = arith.index_cast %add3A_453 : i32 to index
      %swap3A_536 = arith.constant 112 : index
      %swap3A_537 = tpu.vector_load %arg7[%swap3A_535, %swap3A_536] {strides = array<i32>} : memref<128x128xf32, #tpu.memory_space<vmem>>, vector<1x16xf32>,
      %swap3A_538 = vector.shape_cast %swap3A_537 : vector<1x16xf32> to vector<16xf32>
      %swap3A_539 = vector.shape_cast %scan3A_498#7 : vector<16xf32> to vector<1x16xf32>
      tpu.vector_store %arg7[%swap3A_535, %swap3A_536], %swap3A_539 {strides = array<i32>} : memref<128x128xf32, #tpu.memory_space<vmem>>, vector<1x16xf32>,
    }
    %scan3A_183 = arith.constant 32 : i32
    "tpu.region"() ({
      %run_scoped3A = tpu.sem_alloc : memref<!tpu.dma_semaphore, #tpu.memory_space<semaphore_mem>>
      %dma_start3A_184 = arith.constant 0 : i32
      %dma_start3A_185 = tpu.memref_slice %arg4[%mul3A_2, %dma_start3A_184] : memref<4096x128xf32, #tpu.memory_space<hbm>> -> memref<128x128xf32, #tpu.memory_space<hbm>>
      %dma_start3A_186 = arith.constant 0 : i32
      %dma_start3A_187 = tpu.memref_slice %arg4[%mul3A_2, %dma_start3A_186] : memref<4096x128xf32, #tpu.memory_space<hbm>> -> memref<128x128xf32, #tpu.memory_space<hbm>>
      tpu.enqueue_dma source(%arg7 : memref<128x128xf32, #tpu.memory_space<vmem>>) target(%dma_start3A_187 : memref<128x128xf32, #tpu.memory_space<hbm>>) target_semaphore(%run_scoped3A : memref<!tpu.dma_semaphore, #tpu.memory_space<semaphore_mem>>)
      %dma_wait3A_188 = arith.constant 0 : i32
      %dma_wait3A_189 = tpu.memref_slice %arg4[%mul3A_2, %dma_wait3A_188] : memref<4096x128xf32, #tpu.memory_space<hbm>> -> memref<128x128xf32, #tpu.memory_space<hbm>>
      %dma_wait3A_190 = arith.constant 0 : i32
      %dma_wait3A_191 = tpu.memref_slice %arg4[%mul3A_2, %dma_wait3A_190] : memref<4096x128xf32, #tpu.memory_space<hbm>> -> memref<128x128xf32, #tpu.memory_space<hbm>>
      tpu.wait_dma2 semaphore(%run_scoped3A : memref<!tpu.dma_semaphore, #tpu.memory_space<semaphore_mem>>) src(%arg7 : memref<128x128xf32, #tpu.memory_space<vmem>>) dst(%dma_wait3A_191 : memref<128x128xf32, #tpu.memory_space<hbm>>)
      tpu.yield
    }) : () -> ()
    return
  }
}

module attributes {stable_mosaic.version = 14 : i64} {
  func.func @mlp(%arg0: memref<4096x128xf32, #tpu.memory_space<vmem>>, %arg1: memref<128x128xf32, #tpu.memory_space<vmem>>, %arg2: memref<1x128xf32, #tpu.memory_space<vmem>>, %arg3: memref<128x128xf32, #tpu.memory_space<vmem>>, %arg4: memref<1x128xf32, #tpu.memory_space<vmem>>, %arg5: memref<4096x128xf32, #tpu.memory_space<vmem>>) attributes {dimension_semantics = [], scalar_prefetch = 0 : i64, scratch_operands = 0 : i64, tpu.core_type = #tpu.core_type<tc>} {
    %get3A = arith.constant 0 : index
    %get3A_0 = arith.constant 0 : index
    %get3A_1 = vector.load %arg0[%get3A, %get3A_0] : memref<4096x128xf32, #tpu.memory_space<vmem>>, vector<4096x128xf32>
    %mul3A = arith.constant 5.000000e-03 : f32
    %mul3A_2 = vector.broadcast %mul3A : f32 to vector<4096x128xf32>
    %mul3A_3 = arith.mulf %get3A_1, %mul3A_2 : vector<4096x128xf32>
    %get3A_4 = arith.constant 0 : index
    %get3A_5 = arith.constant 0 : index
    %get3A_6 = vector.load %arg1[%get3A_4, %get3A_5] : memref<128x128xf32, #tpu.memory_space<vmem>>, vector<128x128xf32>
    %dot_general3A = arith.constant dense<0.000000e+00> : vector<4096x128xf32>
    %dot_general3A_7 = tpu.matmul %mul3A_3, %get3A_6, %dot_general3A {dimension_numbers = #tpu.dot_dimension_numbers<[1], [1], [0], [0], [0, 0, 1, 0], [], []>, transpose_lhs_hint = false} : vector<4096x128xf32>, vector<128x128xf32>, vector<4096x128xf32> -> vector<4096x128xf32>
    %get3A_8 = arith.constant 0 : index
    %get3A_9 = arith.constant 0 : index
    %get3A_10 = vector.load %arg2[%get3A_8, %get3A_9] : memref<1x128xf32, #tpu.memory_space<vmem>>, vector<1x128xf32>
    %add3A = vector.broadcast %get3A_10 : vector<1x128xf32> to vector<4096x128xf32>
    %add3A_11 = arith.addf %dot_general3A_7, %add3A : vector<4096x128xf32>
    %max3A = arith.constant 0.000000e+00 : f32
    %max3A_12 = vector.broadcast %max3A : f32 to vector<4096x128xf32>
    %max3A_13 = arith.maximumf %add3A_11, %max3A_12 : vector<4096x128xf32>
    %get3A_14 = arith.constant 0 : index
    %get3A_15 = arith.constant 0 : index
    %get3A_16 = vector.load %arg3[%get3A_14, %get3A_15] : memref<128x128xf32, #tpu.memory_space<vmem>>, vector<128x128xf32>
    %dot_general3A_17 = arith.constant dense<0.000000e+00> : vector<4096x128xf32>
    %dot_general3A_18 = tpu.matmul %max3A_13, %get3A_16, %dot_general3A_17 {dimension_numbers = #tpu.dot_dimension_numbers<[1], [1], [0], [0], [0, 0, 1, 0], [], []>, transpose_lhs_hint = false} : vector<4096x128xf32>, vector<128x128xf32>, vector<4096x128xf32> -> vector<4096x128xf32>
    %get3A_19 = arith.constant 0 : index
    %get3A_20 = arith.constant 0 : index
    %get3A_21 = vector.load %arg4[%get3A_19, %get3A_20] : memref<1x128xf32, #tpu.memory_space<vmem>>, vector<1x128xf32>
    %add3A_22 = vector.broadcast %get3A_21 : vector<1x128xf32> to vector<4096x128xf32>
    %add3A_23 = arith.addf %dot_general3A_18, %add3A_22 : vector<4096x128xf32>
    %swap3A = arith.constant 0 : index
    %swap3A_24 = arith.constant 0 : index
    %swap3A_25 = vector.load %arg5[%swap3A, %swap3A_24] : memref<4096x128xf32, #tpu.memory_space<vmem>>, vector<4096x128xf32>
    tpu.vector_store %arg5[%swap3A, %swap3A_24], %add3A_23 {strides = array<i32>} : memref<4096x128xf32, #tpu.memory_space<vmem>>, vector<4096x128xf32>,
    return
  }
}

</mosaic_0001>

<sc_bundles>
// kernel: kernel.4.cloned.1.call-start
scs
__scs_entry_jumppad:
0x0: {  	(pc) =	sbr.rel $0x88, $3  }
0x1: {  	(tag) =	ssettag $0x0;
	lr =	simm.s32 $0x1  }
0x2: {  	[smem:$0x3F9B] =	sst lr;
	_ =	strace $0xD0000000  }
0x3: {  	_ = 	snop  }
0x4: {  	_ = 	snop  }
0x5: {  	_ = 	snop  }
0x6: {  	_ = 	snop  }
0x7: {  	_ = 	snop  }
__scs_overlays_trampoline_lowered:
0x8: {  	[smem:$0x3FAA] =	sst s0  }
0x9: {  	[smem:$0x3FAB] =	sst s1  }
0xa: {  	[smem:$0x3FAC] =	sst s2  }
0xb: {  	[smem:$0x3FAD] =	sst s3  }
0xc: {  	[smem:$0x3FAE] =	sst s4  }
0xd: {  	[smem:$0x3FAF] =	sst s5  }
0xe: {  	[smem:$0x3FB0] =	sst s6  }
0xf: {  	[smem:$0x3FB1] =	sst s7  }
0x10: {  	[smem:$0x3FB2] =	sst s8  }
0x11: {  	[smem:$0x3FB3] =	sst s9;
	s0 =	simm.s32 @!p0 $0x0  }
0x12: {  	s1 =	sld [smem:$0x3F99];
	s0 =	simm.s32 @p0 $0x1  }
0x13: {  	[smem:$0x3FB4] =	sst s0;
	s0 =	simm.s32 @!p1 $0x0  }
0x14: {  	s2 =	sld [smem:$0x3F98];
	s0 =	simm.s32 @p1 $0x1  }
0x15: {  	[smem:$0x3FB5] =	sst s0;
	s0 =	simm.s32 @!p2 $0x0  }
0x16: {  	s3 =	sld [smem:$0x3FDB];
	s0 =	simm.s32 @p2 $0x1  }
0x17: {  	s4 =	simm.s32 $0x1BF5;
	[smem:$0x3FB7] =	sst s0  }
0x18: {  	s0 =	sld [smem:$0x3F9A];
	_ =	swait.ge [sflag:s4], $0x0  }
0x19: {  	s7 =	sld [smem:$0x3F9B]  }
0x1a: {  	s8 =	sadd.s32 $0xFFFFE003, lr  }
0x1b: {  	s9 =	sadd.s32 $0xFFFFFEF7, lr;
	s5 =	simm.s32 $0xFFFFFFFF;
	p2 =	slt.u32 s8, $0xFFFFF086  }
0x1c: {  	p1 =	slt.u32 s9, $0xF7A;
	s5 =	simm.s32 @!p2 $0x0  }
0x1d: {  	s5 =	simm.s32 @p1 $0x1;
	p0 =	seq.s32 s7, s2  }
0x1e: {  	s7 =	smul.u32 @!p0 $0xF7A, s2;
	p2 =	seq.s32 @!p0 s5, $0x0  }
0x1f: {  	s9 =	smul.u32 $0xF7A, s1;
	s8 =	simm.s32 @!p0 $0x1BF5;
	p2 =	por !p2, p0  }
0x20: {  	[sflag:s8] =	ssyncset.s32 @!p0 $0xFFFFF086;
	s6 =	sadd.s32 @!p0 s3, s7;
	s7 =	simm.s32 @!p0 $0x108  }
0x21: {  	s3 =	sadd.s32 s3, s9;
	s6 =	sadd.s32 @!p0 $0x88, s6;
	s7 =	simm.s32 @p2 $0x1082  }
0x22: {  	[simem:s7], [sflag:s8] =	dma.local @!p0 [hbm:s6], $0xF7A  }
0x23: {  	s9 =	sor.u32 $0xD0000000, s2;
	s6 =	simm.s32 $0x108;
	_ =	swait.ge @!p0 [sflag:s8], $0x0  }
0x24: {  	s3 =	sadd.s32 $0x88, s3;
	s6 =	simm.s32 @!p1 $0x1082;
	[sflag:s4] =	ssyncset.s32 $0xFFFFF086  }
0x25: {  	[simem:s6], [sflag:s4] =	dma.local [hbm:s3], $0xF7A  }
0x26: {  	[smem:$0x3F9B] =	sst s1;
	(tag) =	ssettag s2;
	_ =	strace s9  }
0x27: {  	s1 =	sld [smem:$0x3FAB]  }
0x28: {  	s2 =	sld [smem:$0x3FAC]  }
0x29: {  	s4 =	sld [smem:$0x3FAE]  }
0x2a: {  	p0 =	seq.s32 s5, $0x0;
	s5 =	sld [smem:$0x3FAF]  }
0x2b: {  	s6 =	sld [smem:$0x3FB0]  }
0x2c: {  	s7 =	sld [smem:$0x3FB1]  }
0x2d: {  	s3 =	simm.s32 $0x108;
	s8 =	sld [smem:$0x3FB2]  }
0x2e: {  	s3 =	simm.s32 @!p0 $0x1082;
	s9 =	sld [smem:$0x3FB3]  }
0x2f: {  	lr =	sadd.s32 s0, s3;
	s0 =	sld [smem:$0x3FAA]  }
0x30: {  	s3 =	sld [smem:$0x3FAD]  }
0x31: {  	[smem:$0x3FB6] =	sst s10  }
0x32: {  	s10 =	sld [smem:$0x3FB4];
	_ =	sdelay $0x3  }
0x33: {  	p0 =	seq.s32 s10, $0x1;
	s10 =	sld [smem:$0x3FB6];
	_ =	sdelay $0x3  }
0x34: {  	[smem:$0x3FB6] =	sst s10  }
0x35: {  	s10 =	sld [smem:$0x3FB5];
	_ =	sdelay $0x3  }
0x36: {  	p1 =	seq.s32 s10, $0x1;
	s10 =	sld [smem:$0x3FB6];
	_ =	sdelay $0x3  }
0x37: {  	[smem:$0x3FB6] =	sst s10  }
0x38: {  	s10 =	sld [smem:$0x3FB7]  }
0x39: {  	_ = 	snop;
	(pc) =	sbr.ind lr, $3  }
0x3a: {  	_ = 	snop  }
0x3b: {  	_ = 	snop  }
0x3c: {  	p2 =	seq.s32 s10, $0x1;
	s10 =	sld [smem:$0x3FB6]  }
0x3d: {  	_ =	shalt  }
0x3e: {  	_ =	shalt  }
0x3f: {  	_ =	shalt  }
0x40: {  	_ =	shalt  }
0x41: {  	_ =	shalt  }
0x42: {  	_ =	shalt  }
0x43: {  	_ =	shalt  }
0x44: {  	_ =	shalt  }
0x45: {  	_ =	shalt  }
0x46: {  	_ =	shalt  }
0x47: {  	_ =	shalt  }
0x48: {  	_ =	shalt  }
0x49: {  	_ =	shalt  }
0x4a: {  	_ =	shalt  }
0x4b: {  	_ =	shalt  }
0x4c: {  	_ =	shalt  }
0x4d: {  	_ =	shalt  }
0x4e: {  	_ =	shalt  }
0x4f: {  	_ =	shalt  }
0x50: {  	_ =	shalt  }
0x51: {  	_ =	shalt  }
0x52: {  	_ =	shalt  }
0x53: {  	_ =	shalt  }
0x54: {  	_ =	shalt  }
0x55: {  	_ =	shalt  }
0x56: {  	_ =	shalt  }
0x57: {  	_ =	shalt  }
0x58: {  	_ =	shalt  }
0x59: {  	_ =	shalt  }
0x5a: {  	_ =	shalt  }
0x5b: {  	_ =	shalt  }
0x5c: {  	_ =	shalt  }
0x5d: {  	_ =	shalt  }
0x5e: {  	_ =	shalt  }
0x5f: {  	_ =	shalt  }
0x60: {  	_ =	shalt  }
0x61: {  	_ =	shalt  }
0x62: {  	_ =	shalt  }
0x63: {  	_ =	shalt  }
0x64: {  	_ =	shalt  }
0x65: {  	_ =	shalt  }
0x66: {  	_ =	shalt  }
0x67: {  	_ =	shalt  }
0x68: {  	_ =	shalt  }
0x69: {  	_ =	shalt  }
0x6a: {  	_ =	shalt  }
0x6b: {  	_ =	shalt  }
0x6c: {  	_ =	shalt  }
0x6d: {  	_ =	shalt  }
0x6e: {  	_ =	shalt  }
0x6f: {  	_ =	shalt  }
0x70: {  	_ =	shalt  }
0x71: {  	_ =	shalt  }
0x72: {  	_ =	shalt  }
0x73: {  	_ =	shalt  }
0x74: {  	_ =	shalt  }
0x75: {  	_ =	shalt  }
0x76: {  	_ =	shalt  }
0x77: {  	_ =	shalt  }
0x78: {  	_ =	shalt  }
0x79: {  	_ =	shalt  }
0x7a: {  	_ =	shalt  }
0x7b: {  	_ =	shalt  }
0x7c: {  	_ =	shalt  }
0x7d: {  	_ =	shalt  }
0x7e: {  	_ =	shalt  }
0x7f: {  	_ =	shalt  }
0x80: {  	_ =	shalt  }
0x81: {  	_ =	shalt  }
0x82: {  	_ =	shalt  }
0x83: {  	_ =	shalt  }
0x84: {  	_ =	shalt  }
0x85: {  	_ =	shalt  }
0x86: {  	_ =	shalt  }
0x87: {  	_ =	shalt  }
.Lfunc_end0:
.L_simem_size_0:
called_computation_lowered:
.L_overlay_start_0:
0x88: {  	s2 =	sld [smem:$0x3FD9]  }
0x89: {  	s3 =	sld [smem:$0x3FFE];
	_ =	sdelay $0x1  }
0x8a: {  	s1 =	srdreg.scid  }
0x8b: {  	s0 =	sand.u32 $0x1, s1  }
0x8c: {  	s17 =	sshll.u32 s0, $0xA;
	s2 =	sadd.s32 s3, s2  }
0x8d: {  	s2 =	sadd.s32 s2, s17  }
0x8e: {  	[smem:$0x3FC2] =	sst s2  }
0x8f: {  	_ = 	snop  }
0x90: {  	s2 =	sld [smem:$0x3FC8]  }
0x91: {  	s18 =	sld [smem:$0x3FD0];
	(tm) =	ssettm $0x1  }
0x92: {  	s4 =	sld [smem:$0x3FFB];
	_ =	sdelay $0x3  }
0x93: {  	_ =	strace s4  }
0x94: {  	s4 =	sld [smem:$0x3FFC];
	_ =	sdelay $0x3  }
0x95: {  	_ =	strace s4  }
0x96: {  	s4 =	sld [smem:$0x3FFD];
	_ =	sdelay $0x3  }
0x97: {  	_ =	strace s4  }
0x98: {  	_ =	strace $0x8FFFFFFF  }
0x99: {  	s19 =	sld [smem:$0x3FDB];
	_ =	sdelay $0x1  }
0x9a: {  	s5 =	simm.s32 $_scs_section_size  }
0x9b: {  	s6 =	simm.s32 $_size__tile_overlayer_lowered;
	s7 =	simm.s32 $_tile_overlayer_lowered  }
0x9c: {  	s22 =	simm.s32 $0x1BFF;
	s21 =	sshll.u32 s7, $0x1;
	s4 =	sadd.s32 s5, s19  }
0x9d: {  	s8 =	simm.s32 $0x0;
	s20 =	sshll.u32 s6, $0x1;
	s6 =	sadd.s32 s21, s4  }
0x9e: {  	[timem:s8], [sflag:s22] =	dma.local [hbm:s6], s20  }
0x9f: {  	_ =	swait.ge [sflag:s22], s20  }
0xa0: {  	s5 =	ssub.s32 $0x0, s20;
	[sflag:s22] =	ssyncset.done $0x0  }
0xa1: {  	[sflag:s22] =	ssyncadd.s32 s5;
	_ =	sdelay $0x1  }
0xa2: {  	s23 =	simm.s32 $0x1B8B  }
0xa3: {  	_ =	swait.ge [sflag:s23], $0x1  }
0xa4: {  	[sflag:s23] =	ssyncset.done $0x0  }
0xa5: {  	s25 =	simm.s32 $0x1B8E;
	s24 =	sld [smem:$0x3FFE];
	[sflag:s23] =	ssyncadd.s32 $0xFFFFFFFF  }
0xa6: {  	s26 =	simm.s32 $execute0_lowered;
	[smem:$0x3FD2] =	sst s25  }
0xa7: {  	s6 =	sshll.u32 s26, $0x1;
	_ =	strace $0x80000046;
	[dreg:$0x1] =	wrdreg $0xFFFFFFFF  }
0xa8: {  	s28 =	simm.s32 $_size_execute0_lowered;
	s4 =	sadd.s32 s4, s6;
	[dreg:$0x0] =	wrdreg $0x0  }
0xa9: {  	s6 =	sshll.u32 s28, $0x1;
	[dreg:$0x2] =	wrdreg s4  }
0xaa: {  	[dreg:$0x3] =	wrdreg s6  }
0xab: {  	[dreg:$0x4] =	wrdreg $0xC0  }
0xac: {  	_ =	task [dreg:s8], $0x5FFFF  }
0xad: {  	[dreg:$0x1] =	wrdreg $0xFFFFFFFF  }
0xae: {  	[dreg:$0x0] =	wrdreg $0x60  }
0xaf: {  	[dreg:$0x2] =	wrdreg s24  }
0xb0: {  	[dreg:$0x3] =	wrdreg s2  }
0xb1: {  	[dreg:$0x4] =	wrdreg s18  }
0xb2: {  	[dreg:$0x5] =	wrdreg $0x9  }
0xb3: {  	_ =	task.clear_ibuf [dreg:s8], $0x6FFFF;
	_ =	strace $0x90000046  }
0xb4: {  	s29 =	simm.s32 $0x9;
	_ =	strace $0x80000048  }
0xb5: {  	_ =	swait.ge [sflag:s29], $0x1  }
0xb6: {  	[sflag:s29] =	ssyncadd.s32 $0xFFFFFFFF  }
0xb7: {  	_ =	strace $0x90000048  }
0xb8: {  	_ =	sfence  }
0xb9: {  	s30 =	sld [smem:$0x0];
	_ =	sdelay $0x2  }
0xba: {  	s31 =	sshll.u32 s1, $0xD;
	s1 =	sshrl.u32 s1, $0x2  }
0xbb: {  	s3 =	sand.u32 $0x4000, s31;
	s1 =	sadd.s32 s1, s30  }
0xbc: {  	s0 =	sor.u32 s3, s0;
	s1 =	sshll.u32 s1, $0x11  }
0xbd: {  	s0 =	sor.u32 s1, s0  }
0xbe: {  	s0 =	sadd.s32 $0x8F2B, s0  }
0xbf: {  	[sflag:s0] =	ssyncadd.remote.s32 $0x1  }
0xc0: {  	_ =	sfence.sel $0xFFFF  }
0xc1: {  	[dreg:$0x0] =	wrdreg $0xFFFFFFFF;
	(pc) =	sbr.abs _section_cstart, $3  }
0xc2: {  	[dreg:$0x1] =	wrdreg $0xFFFFFFFF  }
0xc3: {  	_ =	task.clear_ibuf [dreg:s8], $0x2FFFF;
	_ =	strace $0x9FFFFFFF  }
0xc4: {  	(tm) =	ssettm $0x7FFFFFFF  }
0xc5: {  	_ =	shalt  }
tec
execute0_lowered:
.L_overlay_start_1:
0x0: {  	(tag) =	ssettag $0x1  }
0x1: {  	s0 =	rddreg [dreg:$0x0]  }
0x2: {  	s1 =	srdreg.scid;
	s2 =	rddreg [dreg:$0x1]  }
0x3: {  	s3 =	stileid.u32;
	s7 =	rddreg [dreg:$0x2];
	s17 =	simm.s32 $0x80  }
0x4: {  	s28 =	simm.s32 $0x2;
	s31 =	simm.s32 $0x3;
	s29 =	simm.s32 $0x13000  }
0x5: {  	s30 =	simm.s32 $0x17000;
	s16 =	simm.s32 $0x8;
	s18 =	simm.s32 $0x9  }
0x6: {  	s19 =	simm.s32 $0x0;
	s1 =	sand.u32 $0x1, s1;
	s4 =	sshll.u32 s3, $0x8  }
0x7: {  	s3 =	simm.s32 $0x0;
	s5 =	sshll.u32 s1, $0x7;
	s20 =	ssub.s32 $0x2, s1  }
0x8: {  	[smem:$0x7FF] =	sst s3;
	s4 =	sor.u32 s5, s4;
	s8 =	sshrl.u32 s20, $0x1  }
0x9: {  	s5 =	sadd.s32 $0xE00, s0;
	s21 =	sshll.u32 s4, $0x5;
	s0 =	ssub.s32 s20, s8  }
0xa: {  	_ =	strace $0x80000047;
	s6 =	sadd.s32 s5, s21;
	s0 =	smax.u32 s0, $0x1  }
0xb: {  	s24 =	sshll.u32 s4, $0x4;
	s1 =	sadd.s32 $0x10, s6;
	[dreg:$0x8] =	wrdreg s0  }
0xc: {  	s21 =	simm.s32 $0x180;
	s22 =	sadd.s32 $0x20, s6;
	[dreg:$0x4] =	wrdreg s1  }
0xd: {  	s23 =	sadd.s32 $0x30, s6;
	s25 =	sadd.s32 $0x80, s6;
	[dreg:$0x5] =	wrdreg s22  }
0xe: {  	s26 =	sadd.s32 $0x90, s6;
	s14 =	sadd.s32 $0xA0, s6;
	[dreg:$0x6] =	wrdreg s23  }
0xf: {  	s15 =	sadd.s32 $0xB0, s6;
	s0 =	simm.s32 $0x7;
	[dreg:$0x9] =	wrdreg s25  }
0x10: {  	s1 =	sadd.s32 s7, s24;
	[dreg:$0xa] =	wrdreg s26;
	s22 =	simm.s32 $0x380  }
0x11: {  	s23 =	simm.s32 $0x1;
	s25 =	simm.s32 $0x48;
	s24 =	simm.s32 $0x5  }
0x12: {  	s26 =	simm.s32 $0x4;
	[dreg:$0x7] =	wrdreg s1;
	s1 =	simm.s32 $0x6  }
.LBB2_1:
0x13: {  	[tilespmem:s3], [sflag:$0x1] =	stream.linear.gather [hbm4b:s6+s3], $0x80, $0x38;
	[tilespmem:$0x1D400] =	vst v63  }
0x14: {  	s7 =	rddreg [dreg:$0x9];
	s8 =	simm.s32 $0x200  }
0x15: {  	[tilespmem:s8], [sflag:$0x1] =	stream.linear.gather [hbm4b:s7+s3], $0x80, $0x38;
	[tilespmem:$0x1D400] =	vst v63  }
0x16: {  	s9 =	rddreg [dreg:$0x4]  }
0x17: {  	[tilespmem:s17], [sflag:$0x2] =	stream.linear.gather [hbm4b:s9+s3], $0x80, $0x38;
	[tilespmem:$0x1D400] =	vst v63  }
0x18: {  	s10 =	rddreg [dreg:$0xa];
	s9 =	simm.s32 $0x280  }
0x19: {  	[tilespmem:s9], [sflag:$0x2] =	stream.linear.gather [hbm4b:s10+s3], $0x80, $0x38;
	[tilespmem:$0x1D400] =	vst v63  }
0x1a: {  	s11 =	rddreg [dreg:$0x5];
	s10 =	simm.s32 $0x100  }
0x1b: {  	[tilespmem:s10], [sflag:$0x3] =	stream.linear.gather [hbm4b:s11+s3], $0x80, $0x38;
	[tilespmem:$0x1D400] =	vst v63  }
0x1c: {  	s11 =	simm.s32 $0x300  }
0x1d: {  	[tilespmem:s11], [sflag:$0x3] =	stream.linear.gather [hbm4b:s14+s3], $0x80, $0x38;
	[tilespmem:$0x1D400] =	vst v63  }
0x1e: {  	s12 =	rddreg [dreg:$0x6]  }
0x1f: {  	[tilespmem:s21], [sflag:$0x4] =	stream.linear.gather [hbm4b:s12+s3], $0x80, $0x38;
	[tilespmem:$0x1D400] =	vst v63  }
0x20: {  	_ = 	snop  }
0x21: {  	[tilespmem:s22], [sflag:$0x4] =	stream.linear.gather [hbm4b:s15+s3], $0x80, $0x38;
	[tilespmem:$0x1D400] =	vst v63  }
0x22: {  	_ =	swait.ge [sflag:s23], $0x100  }
0x23: {  	[sflag:s23] =	ssyncset.done $0x0  }
0x24: {  	s13 =	simm.s32 $0x400;
	[sflag:s23] =	ssyncadd.s32 $0xFFFFFF00  }
0x25: {  	[tilespmem:s13], [sflag:$0x5] =	stream.indirect.gather [hbm4b:s2+s17], $0x80, s3, s17, $0xb8;
	[tilespmem:$0x1D400] =	vst v63  }
0x26: {  	s20 =	simm.s32 $0x4400  }
0x27: {  	[tilespmem:s20], [sflag:$0x5] =	stream.indirect.gather [hbm4b:s2+s25], $0x80, s8, s25, $0xb8;
	[tilespmem:$0x1D400] =	vst v63  }
0x28: {  	_ =	swait.ge [sflag:s28], $0x100  }
0x29: {  	[sflag:s28] =	ssyncset.done $0x0  }
0x2a: {  	s8 =	simm.s32 $0x6800;
	[sflag:s28] =	ssyncadd.s32 $0xFFFFFF00  }
0x2b: {  	[tilespmem:s8], [sflag:$0x6] =	stream.indirect.gather [hbm4b:s2+s17], $0x80, s17, s17, $0xb8;
	[tilespmem:$0x1D400] =	vst v63  }
0x2c: {  	s12 =	simm.s32 $0xA800  }
0x2d: {  	[tilespmem:s12], [sflag:$0x6] =	stream.indirect.gather [hbm4b:s2+s25], $0x80, s9, s25, $0xb8;
	[tilespmem:$0x1D400] =	vst v63  }
0x2e: {  	_ =	swait.ge [sflag:s31], $0x100  }
0x2f: {  	[sflag:s31] =	ssyncset.done $0x0  }
0x30: {  	s13 =	simm.s32 $0xCC00;
	[sflag:s31] =	ssyncadd.s32 $0xFFFFFF00  }
0x31: {  	[tilespmem:s13], [sflag:$0x7] =	stream.indirect.gather [hbm4b:s2+s17], $0x80, s10, s17, $0xb8;
	[tilespmem:$0x1D400] =	vst v63  }
0x32: {  	s20 =	simm.s32 $0x10C00  }
0x33: {  	[tilespmem:s20], [sflag:$0x7] =	stream.indirect.gather [hbm4b:s2+s25], $0x80, s11, s25, $0xb8;
	[tilespmem:$0x1D400] =	vst v63  }
0x34: {  	s20 =	simm.s32 $0x0  }
.LBB2_2:
0x35: {  	_ =	swait.ge [sflag:s24], $0x4000  }
0x36: {  	[sflag:s24] =	ssyncset.done $0x0  }
0x37: {  	[sflag:s24] =	ssyncadd.s32 $0xFFFFC000  }
0x38: {  	_ =	swait.ge [sflag:s24], $0x2400  }
0x39: {  	[sflag:s24] =	ssyncset.done $0x0  }
0x3a: {  	s8 =	sshll.u32 s20, $0x2;
	p0 =	seq.s32 s20, $0x1F;
	[sflag:s24] =	ssyncadd.s32 $0xFFFFDC00  }
0x3b: {  	s7 =	sadd.s32 @!p0 $0x4, s8;
	_ =	swait.ge [sflag:s26], $0x100  }
0x3c: {  	s9 =	sadd.s32 @!p0 s4, s7;
	s7 =	sshll.u32 @!p0 s7, $0x4;
	[sflag:s26] =	ssyncset.done $0x0  }
0x3d: {  	s9 =	sshll.u32 @!p0 s9, $0x5;
	s7 =	sand.u32 @!p0 $0x40, s7;
	[sflag:s26] =	ssyncadd.s32 $0xFFFFFF00  }
0x3e: {  	[tilespmem:s29], [sflag:$0x8] =	stream.indirect.gather [hbm4b:s2+s17], $0x80, s21, s17, $0xb8;
	[tilespmem:$0x1D400] =	vst v63  }
0x3f: {  	s9 =	sand.u32 @!p0 $0x3FF00, s9;
	s7 =	sadd.s32 @!p0 s5, s7  }
0x40: {  	[tilespmem:s30], [sflag:$0x8] =	stream.indirect.gather [hbm4b:s2+s25], $0x80, s22, s25, $0xb8;
	[tilespmem:$0x1D400] =	vst v63  }
0x41: {  	s7 =	sadd.s32 @!p0 s9, s7;
	s9 =	simm.s32 @!p0 $0x0  }
0x42: {  	[tilespmem:s9], [sflag:$0x1] =	stream.linear.gather @!p0 [hbm4b:s7+s9], $0x80, $0x38;
	[tilespmem:$0x1D400] =	vst v63  }
0x43: {  	s10 =	simm.s32 @!p0 $0x200;
	s7 =	sadd.s32 @!p0 $0x80, s7  }
0x44: {  	[tilespmem:s10], [sflag:$0x1] =	stream.linear.gather @!p0 [hbm4b:s7+s9], $0x80, $0x38;
	[tilespmem:$0x1D400] =	vst v63  }
0x45: {  	s7 =	simm.s32 $0x0  }
0x46: {  	v3 =	vld [tilespmem:s7+$0x580]  }
0x47: {  	v4 =	vld [tilespmem:s7+$0x590]  }
0x48: {  	v5 =	vld [tilespmem:s7+$0x5A0]  }
0x49: {  	v6 =	vld [tilespmem:s7+$0x5B0]  }
0x4a: {  	v0 =	vld [tilespmem:s7+$0x5C0]  }
0x4b: {  	v1 =	vld [tilespmem:s7+$0x5D0]  }
0x4c: {  	v13 =	vld [tilespmem:s7+$0x500]  }
0x4d: {  	v15 =	vld [tilespmem:s7+$0x510]  }
0x4e: {  	v12 =	vld [tilespmem:s7+$0x520]  }
0x4f: {  	v14 =	vld [tilespmem:s7+$0x530]  }
0x50: {  	v2 =	vld [tilespmem:s7+$0x540]  }
0x51: {  	v9 =	vld [tilespmem:s7+$0x480]  }
0x52: {  	v10 =	vld [tilespmem:s7+$0x490]  }
0x53: {  	v11 =	vld [tilespmem:s7+$0x400]  }
0x54: {  	v17 =	vld [tilespmem:s7+$0x410]  }
0x55: {  	v18 =	vld [tilespmem:s7+$0x420]  }
0x56: {  	v19 =	vld [tilespmem:s7+$0x430]  }
0x57: {  	v20 =	vld [tilespmem:s7+$0x4A0]  }
0x58: {  	v24 =	vld [tilespmem:s7+$0x4B0]  }
0x59: {  	v8 =	vimm.f32 $0.0e+00;
	v7 =	vld [tilespmem:s7+$0x550]  }
0x5a: {  	v16 =	vld [tilespmem:s7+$0x4C0];
	v11 =	vadd.f32 v11, v8;
	v22 =	vadd.f32 v17, v8  }
0x5b: {  	v17 =	vld [tilespmem:s7+$0x4D0];
	v23 =	vadd.f32 v18, v8;
	v25 =	vadd.f32 v19, v8  }
0x5c: {  	v18 =	vld [tilespmem:s7+$0x440];
	v21 =	vadd.f32 v9, v11;
	v22 =	vadd.f32 v10, v22  }
0x5d: {  	v19 =	vld [tilespmem:s7+$0x450];
	v23 =	vadd.f32 v20, v23;
	v24 =	vadd.f32 v24, v25  }
0x5e: {  	s9 =	simm.s32 $0x800;
	v20 =	vld [tilespmem:s7+$0x460];
	v11 =	vimm.f32 $0.0e+00;
	v10 =	vimm.f32 $0.0e+00;
	v9 =	vimm.f32 $0.0e+00  }
.LBB2_3:
0x5f: {  	p1 =	sne.s32 s9, $0x18800;
	v25 =	vld [tilespmem:s7+$0x470];
	v13 =	vadd.f32 v13, v21;
	v15 =	vadd.f32 v15, v22  }
0x60: {  	v21 =	vld [tilespmem:s7+$0x4E0];
	v12 =	vadd.f32 v12, v23;
	v14 =	vadd.f32 v14, v24  }
0x61: {  	v22 =	vld [tilespmem:s7+$0x4F0];
	v23 =	vadd.f32 v3, v13;
	v24 =	vadd.f32 v4, v15  }
0x62: {  	v13 =	vld [tilespmem:s7+$0x560];
	v26 =	vadd.f32 v5, v12;
	v27 =	vadd.f32 v6, v14  }
0x63: {  	v3 =	vadd.f32 v18, v8;
	v4 =	vadd.f32 v19, v11;
	v6 =	vld [tilespmem:s7+$0x570]  }
0x64: {  	v5 =	vadd.f32 v20, v10;
	v8 =	vadd.f32 v25, v9;
	v9 =	vld [tilespmem:s7+$0x5E0]  }
0x65: {  	v10 =	vadd.f32 v16, v3;
	v11 =	vadd.f32 v17, v4;
	v12 =	vld [tilespmem:s7+$0x5F0];
	s7 =	sshra.s32 s9, $0x2  }
0x66: {  	v14 =	vadd.f32 v21, v5;
	v3 =	vld [tilespmem:s7+$0x580];
	v8 =	vadd.f32 v22, v8  }
0x67: {  	v2 =	vadd.f32 v2, v10;
	v7 =	vadd.f32 v7, v11;
	v4 =	vld [tilespmem:s7+$0x590]  }
0x68: {  	v10 =	vadd.f32 v13, v14;
	v5 =	vld [tilespmem:s7+$0x5A0];
	v13 =	vadd.f32 v6, v8  }
0x69: {  	v8 =	vadd.f32 v0, v2;
	v11 =	vadd.f32 v1, v7;
	v6 =	vld [tilespmem:s7+$0x5B0]  }
0x6a: {  	v10 =	vadd.f32 v9, v10;
	v0 =	vld [tilespmem:s7+$0x5C0];
	v9 =	vadd.f32 v12, v13  }
0x6b: {  	v1 =	vld [tilespmem:s7+$0x5D0]  }
0x6c: {  	v13 =	vld [tilespmem:s7+$0x500]  }
0x6d: {  	v15 =	vld [tilespmem:s7+$0x510]  }
0x6e: {  	v12 =	vld [tilespmem:s7+$0x520]  }
0x6f: {  	v14 =	vld [tilespmem:s7+$0x530]  }
0x70: {  	v2 =	vld [tilespmem:s7+$0x540]  }
0x71: {  	v7 =	vld [tilespmem:s7+$0x550]  }
0x72: {  	v20 =	vld [tilespmem:s7+$0x480]  }
0x73: {  	v22 =	vld [tilespmem:s7+$0x490]  }
0x74: {  	v17 =	vld [tilespmem:s7+$0x400]  }
0x75: {  	v18 =	vld [tilespmem:s7+$0x410]  }
0x76: {  	v19 =	vld [tilespmem:s7+$0x420]  }
0x77: {  	v21 =	vld [tilespmem:s7+$0x430]  }
0x78: {  	v25 =	vld [tilespmem:s7+$0x4A0]  }
0x79: {  	v28 =	vld [tilespmem:s7+$0x4B0]  }
.Ltmp0:
0x7a: {  	v16 =	vld [tilespmem:s7+$0x4C0];
	(pc) =	sbr.rel @p1 .LBB2_3-.Ltmp0, $4  }
0x7b: {  	v23 =	vadd.f32 v17, v23;
	v24 =	vadd.f32 v18, v24;
	v17 =	vld [tilespmem:s7+$0x4D0]  }
0x7c: {  	v26 =	vadd.f32 v19, v26;
	v27 =	vadd.f32 v21, v27;
	v18 =	vld [tilespmem:s7+$0x440]  }
0x7d: {  	v21 =	vadd.f32 v20, v23;
	v22 =	vadd.f32 v22, v24;
	v19 =	vld [tilespmem:s7+$0x450]  }
0x7e: {  	s9 =	sadd.s32 $0x800, s9;
	v23 =	vadd.f32 v25, v26;
	v20 =	vld [tilespmem:s7+$0x460];
	v24 =	vadd.f32 v28, v27  }
0x7f: {  	v25 =	vld [tilespmem:s7+$0x470];
	v13 =	vadd.f32 v13, v21;
	v15 =	vadd.f32 v15, v22  }
0x80: {  	v21 =	vld [tilespmem:s7+$0x4E0];
	v12 =	vadd.f32 v12, v23;
	v14 =	vadd.f32 v14, v24  }
0x81: {  	v22 =	vld [tilespmem:s7+$0x4F0];
	v3 =	vadd.f32 v3, v13;
	v4 =	vadd.f32 v4, v15  }
0x82: {  	v13 =	vld [tilespmem:s7+$0x560];
	v8 =	vadd.f32 v18, v8;
	v5 =	vadd.f32 v5, v12  }
0x83: {  	v15 =	vld [tilespmem:s7+$0x5F0];
	v6 =	vadd.f32 v6, v14;
	v11 =	vadd.f32 v19, v11  }
0x84: {  	s9 =	sshll.u32 s20, $0xB;
	v12 =	vld [tilespmem:s7+$0x570];
	v10 =	vadd.f32 v20, v10;
	v8 =	vadd.f32 v16, v8  }
0x85: {  	v14 =	vld [tilespmem:s7+$0x5E0];
	s7 =	sshra.s32 s9, $0x2;
	v9 =	vadd.f32 v25, v9;
	v11 =	vadd.f32 v17, v11  }
0x86: {  	[tilespmem:s7+$0x19400] =	vst v3;
	v10 =	vadd.f32 v21, v10;
	v2 =	vadd.f32 v2, v8  }
0x87: {  	[tilespmem:s7+$0x19410] =	vst v4;
	v3 =	vadd.f32 v22, v9;
	v7 =	vadd.f32 v7, v11  }
0x88: {  	[tilespmem:s7+$0x19420] =	vst v5;
	v4 =	vadd.f32 v13, v10;
	v0 =	vadd.f32 v0, v2  }
0x89: {  	[tilespmem:s7+$0x19430] =	vst v6;
	v2 =	vadd.f32 v12, v3;
	v1 =	vadd.f32 v1, v7  }
0x8a: {  	v3 =	vadd.f32 v14, v4;
	[tilespmem:s7+$0x19440] =	vst v0  }
0x8b: {  	v0 =	vadd.f32 v15, v2;
	[tilespmem:s7+$0x19450] =	vst v1  }
0x8c: {  	[tilespmem:s7+$0x19460] =	vst v3  }
0x8d: {  	[tilespmem:s7+$0x19470] =	vst v0  }
0x8e: {  	_ =	swait.ge [sflag:s1], $0x4000  }
0x8f: {  	[sflag:s1] =	ssyncset.done $0x0  }
0x90: {  	[sflag:s1] =	ssyncadd.s32 $0xFFFFC000  }
0x91: {  	_ =	swait.ge [sflag:s1], $0x2400  }
0x92: {  	[sflag:s1] =	ssyncset.done $0x0  }
0x93: {  	s9 =	simm.s32 @!p0 $0x1;
	[sflag:s1] =	ssyncadd.s32 $0xFFFFDC00  }
0x94: {  	_ =	swait.ge @!p0 [sflag:s9], $0x100  }
0x95: {  	s10 =	simm.s32 @!p0 $0x0;
	[sflag:s9] =	ssyncset.done @!p0 $0x0  }
0x96: {  	s11 =	simm.s32 @!p0 $0x400;
	[sflag:s9] =	ssyncadd.s32 @!p0 $0xFFFFFF00;
	s9 =	simm.s32 @!p0 $0x80  }
0x97: {  	[tilespmem:s11], [sflag:$0x5] =	stream.indirect.gather @!p0 [hbm4b:s2+s9], $0x80, s10, s9, $0xb8;
	[tilespmem:$0x1D400] =	vst v63  }
0x98: {  	s12 =	simm.s32 @!p0 $0x200;
	s13 =	simm.s32 @!p0 $0x4400;
	s11 =	simm.s32 @!p0 $0x48  }
0x99: {  	[tilespmem:s13], [sflag:$0x5] =	stream.indirect.gather @!p0 [hbm4b:s2+s11], $0x80, s12, s11, $0xb8;
	[tilespmem:$0x1D400] =	vst v63  }
0x9a: {  	s11 =	sadd.s32 @!p0 $0x5, s8  }
0x9b: {  	s12 =	sadd.s32 @!p0 s4, s11;
	s11 =	sshll.u32 @!p0 s11, $0x4  }
0x9c: {  	s12 =	sshll.u32 @!p0 s12, $0x5;
	s11 =	sand.u32 @!p0 $0x50, s11  }
0x9d: {  	s12 =	sand.u32 @!p0 $0x3FF00, s12;
	s11 =	sadd.s32 @!p0 s5, s11  }
0x9e: {  	s11 =	sadd.s32 @!p0 s12, s11  }
0x9f: {  	[tilespmem:s9], [sflag:$0x2] =	stream.linear.gather @!p0 [hbm4b:s11+s10], $0x80, $0x38;
	[tilespmem:$0x1D400] =	vst v63  }
0xa0: {  	s9 =	sadd.s32 @!p0 $0x80, s11;
	s11 =	simm.s32 @!p0 $0x280  }
0xa1: {  	[tilespmem:s11], [sflag:$0x2] =	stream.linear.gather @!p0 [hbm4b:s9+s10], $0x80, $0x38;
	[tilespmem:$0x1D400] =	vst v63  }
0xa2: {  	s9 =	simm.s32 $0x0  }
0xa3: {  	v2 =	vld [tilespmem:s9+$0x6980]  }
0xa4: {  	v4 =	vld [tilespmem:s9+$0x6990]  }
0xa5: {  	v5 =	vld [tilespmem:s9+$0x69A0]  }
0xa6: {  	v6 =	vld [tilespmem:s9+$0x69B0]  }
0xa7: {  	v0 =	vld [tilespmem:s9+$0x69C0]  }
0xa8: {  	v1 =	vld [tilespmem:s9+$0x69D0]  }
0xa9: {  	v13 =	vld [tilespmem:s9+$0x6900]  }
0xaa: {  	v15 =	vld [tilespmem:s9+$0x6910]  }
0xab: {  	v12 =	vld [tilespmem:s9+$0x6920]  }
0xac: {  	v14 =	vld [tilespmem:s9+$0x6930]  }
0xad: {  	v3 =	vld [tilespmem:s9+$0x6940]  }
0xae: {  	v9 =	vld [tilespmem:s9+$0x6880]  }
0xaf: {  	v10 =	vld [tilespmem:s9+$0x6890]  }
0xb0: {  	v11 =	vld [tilespmem:s9+$0x6800]  }
0xb1: {  	v17 =	vld [tilespmem:s9+$0x6810]  }
0xb2: {  	v18 =	vld [tilespmem:s9+$0x6820]  }
0xb3: {  	v19 =	vld [tilespmem:s9+$0x6830]  }
0xb4: {  	v20 =	vld [tilespmem:s9+$0x68A0]  }
0xb5: {  	v24 =	vld [tilespmem:s9+$0x68B0]  }
0xb6: {  	v8 =	vimm.f32 $0.0e+00;
	v7 =	vld [tilespmem:s9+$0x6950]  }
0xb7: {  	v16 =	vld [tilespmem:s9+$0x68C0];
	v11 =	vadd.f32 v11, v8;
	v22 =	vadd.f32 v17, v8  }
0xb8: {  	v17 =	vld [tilespmem:s9+$0x68D0];
	v23 =	vadd.f32 v18, v8;
	v25 =	vadd.f32 v19, v8  }
0xb9: {  	v18 =	vld [tilespmem:s9+$0x6840];
	v21 =	vadd.f32 v9, v11;
	v22 =	vadd.f32 v10, v22  }
0xba: {  	v19 =	vld [tilespmem:s9+$0x6850];
	v23 =	vadd.f32 v20, v23;
	v24 =	vadd.f32 v24, v25  }
0xbb: {  	s10 =	simm.s32 $0x800;
	v20 =	vld [tilespmem:s9+$0x6860];
	v11 =	vimm.f32 $0.0e+00;
	v10 =	vimm.f32 $0.0e+00;
	v9 =	vimm.f32 $0.0e+00  }
.LBB2_5:
0xbc: {  	p1 =	sne.s32 s10, $0x18800;
	v25 =	vld [tilespmem:s9+$0x6870];
	v13 =	vadd.f32 v13, v21;
	v15 =	vadd.f32 v15, v22  }
0xbd: {  	v21 =	vld [tilespmem:s9+$0x68E0];
	v12 =	vadd.f32 v12, v23;
	v14 =	vadd.f32 v14, v24  }
0xbe: {  	v22 =	vld [tilespmem:s9+$0x68F0];
	v23 =	vadd.f32 v2, v13;
	v24 =	vadd.f32 v4, v15  }
0xbf: {  	v13 =	vld [tilespmem:s9+$0x6960];
	v26 =	vadd.f32 v5, v12;
	v27 =	vadd.f32 v6, v14  }
0xc0: {  	v2 =	vadd.f32 v18, v8;
	v4 =	vadd.f32 v19, v11;
	v6 =	vld [tilespmem:s9+$0x6970]  }
0xc1: {  	v5 =	vadd.f32 v20, v10;
	v8 =	vadd.f32 v25, v9;
	v9 =	vld [tilespmem:s9+$0x69E0]  }
0xc2: {  	v10 =	vadd.f32 v16, v2;
	v11 =	vadd.f32 v17, v4;
	v12 =	vld [tilespmem:s9+$0x69F0];
	s9 =	sshra.s32 s10, $0x2  }
0xc3: {  	v14 =	vadd.f32 v21, v5;
	v2 =	vld [tilespmem:s9+$0x6980];
	v8 =	vadd.f32 v22, v8  }
0xc4: {  	v3 =	vadd.f32 v3, v10;
	v7 =	vadd.f32 v7, v11;
	v4 =	vld [tilespmem:s9+$0x6990]  }
0xc5: {  	v10 =	vadd.f32 v13, v14;
	v5 =	vld [tilespmem:s9+$0x69A0];
	v13 =	vadd.f32 v6, v8  }
0xc6: {  	v8 =	vadd.f32 v0, v3;
	v11 =	vadd.f32 v1, v7;
	v6 =	vld [tilespmem:s9+$0x69B0]  }
0xc7: {  	v10 =	vadd.f32 v9, v10;
	v0 =	vld [tilespmem:s9+$0x69C0];
	v9 =	vadd.f32 v12, v13  }
0xc8: {  	v1 =	vld [tilespmem:s9+$0x69D0]  }
0xc9: {  	v13 =	vld [tilespmem:s9+$0x6900]  }
0xca: {  	v15 =	vld [tilespmem:s9+$0x6910]  }
0xcb: {  	v12 =	vld [tilespmem:s9+$0x6920]  }
0xcc: {  	v14 =	vld [tilespmem:s9+$0x6930]  }
0xcd: {  	v3 =	vld [tilespmem:s9+$0x6940]  }
0xce: {  	v7 =	vld [tilespmem:s9+$0x6950]  }
0xcf: {  	v20 =	vld [tilespmem:s9+$0x6880]  }
0xd0: {  	v22 =	vld [tilespmem:s9+$0x6890]  }
0xd1: {  	v17 =	vld [tilespmem:s9+$0x6800]  }
0xd2: {  	v18 =	vld [tilespmem:s9+$0x6810]  }
0xd3: {  	v19 =	vld [tilespmem:s9+$0x6820]  }
0xd4: {  	v21 =	vld [tilespmem:s9+$0x6830]  }
0xd5: {  	v25 =	vld [tilespmem:s9+$0x68A0]  }
0xd6: {  	v28 =	vld [tilespmem:s9+$0x68B0]  }
.Ltmp1:
0xd7: {  	v16 =	vld [tilespmem:s9+$0x68C0];
	(pc) =	sbr.rel @p1 .LBB2_5-.Ltmp1, $4  }
0xd8: {  	v23 =	vadd.f32 v17, v23;
	v24 =	vadd.f32 v18, v24;
	v17 =	vld [tilespmem:s9+$0x68D0]  }
0xd9: {  	v26 =	vadd.f32 v19, v26;
	v27 =	vadd.f32 v21, v27;
	v18 =	vld [tilespmem:s9+$0x6840]  }
0xda: {  	v21 =	vadd.f32 v20, v23;
	v22 =	vadd.f32 v22, v24;
	v19 =	vld [tilespmem:s9+$0x6850]  }
0xdb: {  	s10 =	sadd.s32 $0x800, s10;
	v23 =	vadd.f32 v25, v26;
	v20 =	vld [tilespmem:s9+$0x6860];
	v24 =	vadd.f32 v28, v27  }
0xdc: {  	v13 =	vadd.f32 v13, v21;
	v15 =	vadd.f32 v15, v22  }
0xdd: {  	v25 =	vld [tilespmem:s9+$0x6870];
	v12 =	vadd.f32 v12, v23;
	v14 =	vadd.f32 v14, v24  }
0xde: {  	v21 =	vld [tilespmem:s9+$0x68E0];
	v2 =	vadd.f32 v2, v13;
	v4 =	vadd.f32 v4, v15  }
0xdf: {  	v22 =	vld [tilespmem:s9+$0x68F0];
	v8 =	vadd.f32 v18, v8;
	v5 =	vadd.f32 v5, v12  }
0xe0: {  	v13 =	vld [tilespmem:s9+$0x6960];
	v6 =	vadd.f32 v6, v14;
	v11 =	vadd.f32 v19, v11  }
0xe1: {  	v12 =	vld [tilespmem:s9+$0x6970];
	v10 =	vadd.f32 v20, v10;
	v8 =	vadd.f32 v16, v8  }
0xe2: {  	v14 =	vld [tilespmem:s9+$0x69E0];
	v9 =	vadd.f32 v25, v9;
	v11 =	vadd.f32 v17, v11  }
0xe3: {  	v15 =	vld [tilespmem:s9+$0x69F0];
	[tilespmem:s7+$0x19480] =	vst v2;
	v10 =	vadd.f32 v21, v10;
	v3 =	vadd.f32 v3, v8  }
0xe4: {  	[tilespmem:s7+$0x19490] =	vst v4;
	v2 =	vadd.f32 v22, v9;
	v7 =	vadd.f32 v7, v11  }
0xe5: {  	[tilespmem:s7+$0x194A0] =	vst v5;
	v4 =	vadd.f32 v13, v10;
	v0 =	vadd.f32 v0, v3  }
0xe6: {  	[tilespmem:s7+$0x194B0] =	vst v6;
	v2 =	vadd.f32 v12, v2;
	v1 =	vadd.f32 v1, v7  }
0xe7: {  	v3 =	vadd.f32 v14, v4;
	[tilespmem:s7+$0x194C0] =	vst v0  }
0xe8: {  	v0 =	vadd.f32 v15, v2;
	[tilespmem:s7+$0x194D0] =	vst v1  }
0xe9: {  	[tilespmem:s7+$0x194E0] =	vst v3  }
0xea: {  	[tilespmem:s7+$0x194F0] =	vst v0  }
0xeb: {  	_ =	swait.ge [sflag:s0], $0x4000  }
0xec: {  	[sflag:s0] =	ssyncset.done $0x0  }
0xed: {  	[sflag:s0] =	ssyncadd.s32 $0xFFFFC000  }
0xee: {  	_ =	swait.ge [sflag:s0], $0x2400  }
0xef: {  	[sflag:s0] =	ssyncset.done $0x0  }
0xf0: {  	s9 =	simm.s32 @!p0 $0x2;
	[sflag:s0] =	ssyncadd.s32 $0xFFFFDC00  }
0xf1: {  	_ =	swait.ge @!p0 [sflag:s9], $0x100  }
0xf2: {  	[sflag:s9] =	ssyncset.done @!p0 $0x0  }
0xf3: {  	s10 =	simm.s32 @!p0 $0x6800;
	[sflag:s9] =	ssyncadd.s32 @!p0 $0xFFFFFF00;
	s9 =	simm.s32 @!p0 $0x80  }
0xf4: {  	[tilespmem:s10], [sflag:$0x6] =	stream.indirect.gather @!p0 [hbm4b:s2+s9], $0x80, s9, s9, $0xb8;
	[tilespmem:$0x1D400] =	vst v63  }
0xf5: {  	s11 =	simm.s32 @!p0 $0xA800;
	s9 =	simm.s32 @!p0 $0x48;
	s10 =	simm.s32 @!p0 $0x280  }
0xf6: {  	[tilespmem:s11], [sflag:$0x6] =	stream.indirect.gather @!p0 [hbm4b:s2+s9], $0x80, s10, s9, $0xb8;
	[tilespmem:$0x1D400] =	vst v63  }
0xf7: {  	s9 =	sadd.s32 @!p0 $0x6, s8  }
0xf8: {  	s10 =	sadd.s32 @!p0 s4, s9;
	s9 =	sshll.u32 @!p0 s9, $0x4  }
0xf9: {  	s10 =	sshll.u32 @!p0 s10, $0x5;
	s9 =	sand.u32 @!p0 $0x60, s9  }
0xfa: {  	s10 =	sand.u32 @!p0 $0x3FF00, s10;
	s9 =	sadd.s32 @!p0 s5, s9  }
0xfb: {  	s11 =	simm.s32 @!p0 $0x100;
	s9 =	sadd.s32 @!p0 s10, s9;
	s10 =	simm.s32 @!p0 $0x0  }
0xfc: {  	[tilespmem:s11], [sflag:$0x3] =	stream.linear.gather @!p0 [hbm4b:s9+s10], $0x80, $0x38;
	[tilespmem:$0x1D400] =	vst v63  }
0xfd: {  	s9 =	sadd.s32 @!p0 $0x80, s9;
	s11 =	simm.s32 @!p0 $0x300  }
0xfe: {  	[tilespmem:s11], [sflag:$0x3] =	stream.linear.gather @!p0 [hbm4b:s9+s10], $0x80, $0x38;
	[tilespmem:$0x1D400] =	vst v63  }
0xff: {  	s9 =	simm.s32 $0x0  }
0x100: {  	v2 =	vld [tilespmem:s9+$0xCD80]  }
0x101: {  	v4 =	vld [tilespmem:s9+$0xCD90]  }
0x102: {  	v5 =	vld [tilespmem:s9+$0xCDA0]  }
0x103: {  	v6 =	vld [tilespmem:s9+$0xCDB0]  }
0x104: {  	v0 =	vld [tilespmem:s9+$0xCDC0]  }
0x105: {  	v1 =	vld [tilespmem:s9+$0xCDD0]  }
0x106: {  	v13 =	vld [tilespmem:s9+$0xCD00]  }
0x107: {  	v15 =	vld [tilespmem:s9+$0xCD10]  }
0x108: {  	v12 =	vld [tilespmem:s9+$0xCD20]  }
0x109: {  	v14 =	vld [tilespmem:s9+$0xCD30]  }
0x10a: {  	v3 =	vld [tilespmem:s9+$0xCD40]  }
0x10b: {  	v9 =	vld [tilespmem:s9+$0xCC80]  }
0x10c: {  	v10 =	vld [tilespmem:s9+$0xCC90]  }
0x10d: {  	v11 =	vld [tilespmem:s9+$0xCC00]  }
0x10e: {  	v17 =	vld [tilespmem:s9+$0xCC10]  }
0x10f: {  	v18 =	vld [tilespmem:s9+$0xCC20]  }
0x110: {  	v19 =	vld [tilespmem:s9+$0xCC30]  }
0x111: {  	v20 =	vld [tilespmem:s9+$0xCCA0]  }
0x112: {  	v24 =	vld [tilespmem:s9+$0xCCB0]  }
0x113: {  	v8 =	vimm.f32 $0.0e+00;
	v7 =	vld [tilespmem:s9+$0xCD50]  }
0x114: {  	v16 =	vld [tilespmem:s9+$0xCCC0];
	v11 =	vadd.f32 v11, v8;
	v22 =	vadd.f32 v17, v8  }
0x115: {  	v17 =	vld [tilespmem:s9+$0xCCD0];
	v23 =	vadd.f32 v18, v8;
	v25 =	vadd.f32 v19, v8  }
0x116: {  	v18 =	vld [tilespmem:s9+$0xCC40];
	v21 =	vadd.f32 v9, v11;
	v22 =	vadd.f32 v10, v22  }
0x117: {  	v19 =	vld [tilespmem:s9+$0xCC50];
	v23 =	vadd.f32 v20, v23;
	v24 =	vadd.f32 v24, v25  }
0x118: {  	s10 =	simm.s32 $0x800;
	v20 =	vld [tilespmem:s9+$0xCC60];
	v11 =	vimm.f32 $0.0e+00;
	v10 =	vimm.f32 $0.0e+00;
	v9 =	vimm.f32 $0.0e+00  }
.LBB2_7:
0x119: {  	p1 =	sne.s32 s10, $0x18800;
	v25 =	vld [tilespmem:s9+$0xCC70];
	v13 =	vadd.f32 v13, v21;
	v15 =	vadd.f32 v15, v22  }
0x11a: {  	v21 =	vld [tilespmem:s9+$0xCCE0];
	v12 =	vadd.f32 v12, v23;
	v14 =	vadd.f32 v14, v24  }
0x11b: {  	v22 =	vld [tilespmem:s9+$0xCCF0];
	v23 =	vadd.f32 v2, v13;
	v24 =	vadd.f32 v4, v15  }
0x11c: {  	v13 =	vld [tilespmem:s9+$0xCD60];
	v26 =	vadd.f32 v5, v12;
	v27 =	vadd.f32 v6, v14  }
0x11d: {  	v2 =	vadd.f32 v18, v8;
	v4 =	vadd.f32 v19, v11;
	v6 =	vld [tilespmem:s9+$0xCD70]  }
0x11e: {  	v5 =	vadd.f32 v20, v10;
	v8 =	vadd.f32 v25, v9;
	v9 =	vld [tilespmem:s9+$0xCDE0]  }
0x11f: {  	v10 =	vadd.f32 v16, v2;
	v11 =	vadd.f32 v17, v4;
	v12 =	vld [tilespmem:s9+$0xCDF0];
	s9 =	sshra.s32 s10, $0x2  }
0x120: {  	v14 =	vadd.f32 v21, v5;
	v2 =	vld [tilespmem:s9+$0xCD80];
	v8 =	vadd.f32 v22, v8  }
0x121: {  	v3 =	vadd.f32 v3, v10;
	v7 =	vadd.f32 v7, v11;
	v4 =	vld [tilespmem:s9+$0xCD90]  }
0x122: {  	v10 =	vadd.f32 v13, v14;
	v5 =	vld [tilespmem:s9+$0xCDA0];
	v13 =	vadd.f32 v6, v8  }
0x123: {  	v8 =	vadd.f32 v0, v3;
	v11 =	vadd.f32 v1, v7;
	v6 =	vld [tilespmem:s9+$0xCDB0]  }
0x124: {  	v10 =	vadd.f32 v9, v10;
	v0 =	vld [tilespmem:s9+$0xCDC0];
	v9 =	vadd.f32 v12, v13  }
0x125: {  	v1 =	vld [tilespmem:s9+$0xCDD0]  }
0x126: {  	v13 =	vld [tilespmem:s9+$0xCD00]  }
0x127: {  	v15 =	vld [tilespmem:s9+$0xCD10]  }
0x128: {  	v12 =	vld [tilespmem:s9+$0xCD20]  }
0x129: {  	v14 =	vld [tilespmem:s9+$0xCD30]  }
0x12a: {  	v3 =	vld [tilespmem:s9+$0xCD40]  }
0x12b: {  	v7 =	vld [tilespmem:s9+$0xCD50]  }
0x12c: {  	v20 =	vld [tilespmem:s9+$0xCC80]  }
0x12d: {  	v22 =	vld [tilespmem:s9+$0xCC90]  }
0x12e: {  	v17 =	vld [tilespmem:s9+$0xCC00]  }
0x12f: {  	v18 =	vld [tilespmem:s9+$0xCC10]  }
0x130: {  	v19 =	vld [tilespmem:s9+$0xCC20]  }
0x131: {  	v21 =	vld [tilespmem:s9+$0xCC30]  }
0x132: {  	v25 =	vld [tilespmem:s9+$0xCCA0]  }
0x133: {  	v28 =	vld [tilespmem:s9+$0xCCB0]  }
.Ltmp2:
0x134: {  	v16 =	vld [tilespmem:s9+$0xCCC0];
	(pc) =	sbr.rel @p1 .LBB2_7-.Ltmp2, $4  }
0x135: {  	v23 =	vadd.f32 v17, v23;
	v24 =	vadd.f32 v18, v24;
	v17 =	vld [tilespmem:s9+$0xCCD0]  }
0x136: {  	v26 =	vadd.f32 v19, v26;
	v27 =	vadd.f32 v21, v27;
	v18 =	vld [tilespmem:s9+$0xCC40]  }
0x137: {  	v21 =	vadd.f32 v20, v23;
	v22 =	vadd.f32 v22, v24;
	v19 =	vld [tilespmem:s9+$0xCC50]  }
0x138: {  	s10 =	sadd.s32 $0x800, s10;
	v23 =	vadd.f32 v25, v26;
	v20 =	vld [tilespmem:s9+$0xCC60];
	v24 =	vadd.f32 v28, v27  }
0x139: {  	v13 =	vadd.f32 v13, v21;
	v15 =	vadd.f32 v15, v22  }
0x13a: {  	v25 =	vld [tilespmem:s9+$0xCC70];
	v12 =	vadd.f32 v12, v23;
	v14 =	vadd.f32 v14, v24  }
0x13b: {  	v21 =	vld [tilespmem:s9+$0xCCE0];
	v2 =	vadd.f32 v2, v13;
	v4 =	vadd.f32 v4, v15  }
0x13c: {  	v22 =	vld [tilespmem:s9+$0xCCF0];
	v8 =	vadd.f32 v18, v8;
	v5 =	vadd.f32 v5, v12  }
0x13d: {  	v13 =	vld [tilespmem:s9+$0xCD60];
	v6 =	vadd.f32 v6, v14;
	v11 =	vadd.f32 v19, v11  }
0x13e: {  	v12 =	vld [tilespmem:s9+$0xCD70];
	v10 =	vadd.f32 v20, v10;
	v8 =	vadd.f32 v16, v8  }
0x13f: {  	v14 =	vld [tilespmem:s9+$0xCDE0];
	v9 =	vadd.f32 v25, v9;
	v11 =	vadd.f32 v17, v11  }
0x140: {  	v15 =	vld [tilespmem:s9+$0xCDF0];
	[tilespmem:s7+$0x19500] =	vst v2;
	v10 =	vadd.f32 v21, v10;
	v3 =	vadd.f32 v3, v8  }
0x141: {  	[tilespmem:s7+$0x19510] =	vst v4;
	v2 =	vadd.f32 v22, v9;
	v7 =	vadd.f32 v7, v11  }
0x142: {  	[tilespmem:s7+$0x19520] =	vst v5;
	v4 =	vadd.f32 v13, v10;
	v0 =	vadd.f32 v0, v3  }
0x143: {  	[tilespmem:s7+$0x19530] =	vst v6;
	v2 =	vadd.f32 v12, v2;
	v1 =	vadd.f32 v1, v7  }
0x144: {  	v3 =	vadd.f32 v14, v4;
	[tilespmem:s7+$0x19540] =	vst v0  }
0x145: {  	v0 =	vadd.f32 v15, v2;
	[tilespmem:s7+$0x19550] =	vst v1  }
0x146: {  	[tilespmem:s7+$0x19560] =	vst v3  }
0x147: {  	[tilespmem:s7+$0x19570] =	vst v0  }
0x148: {  	_ =	swait.ge [sflag:s16], $0x4000  }
0x149: {  	[sflag:s16] =	ssyncset.done $0x0  }
0x14a: {  	[sflag:s16] =	ssyncadd.s32 $0xFFFFC000  }
0x14b: {  	_ =	swait.ge [sflag:s16], $0x2400  }
0x14c: {  	[sflag:s16] =	ssyncset.done $0x0  }
0x14d: {  	s9 =	simm.s32 @!p0 $0x3;
	[sflag:s16] =	ssyncadd.s32 $0xFFFFDC00  }
0x14e: {  	_ =	swait.ge @!p0 [sflag:s9], $0x100  }
0x14f: {  	s10 =	simm.s32 @!p0 $0x100;
	s11 =	simm.s32 @!p0 $0xCC00;
	[sflag:s9] =	ssyncset.done @!p0 $0x0  }
0x150: {  	s8 =	sadd.s32 @!p0 $0x7, s8;
	[sflag:s9] =	ssyncadd.s32 @!p0 $0xFFFFFF00;
	s9 =	simm.s32 @!p0 $0x80  }
0x151: {  	[tilespmem:s11], [sflag:$0x7] =	stream.indirect.gather @!p0 [hbm4b:s2+s9], $0x80, s10, s9, $0xb8;
	[tilespmem:$0x1D400] =	vst v63  }
0x152: {  	s9 =	simm.s32 @!p0 $0x48;
	s10 =	simm.s32 @!p0 $0x300;
	s11 =	simm.s32 @!p0 $0x10C00  }
0x153: {  	[tilespmem:s11], [sflag:$0x7] =	stream.indirect.gather @!p0 [hbm4b:s2+s9], $0x80, s10, s9, $0xb8;
	[tilespmem:$0x1D400] =	vst v63  }
0x154: {  	s9 =	sadd.s32 @!p0 s4, s8;
	s8 =	sshll.u32 @!p0 s8, $0x4  }
0x155: {  	s9 =	sshll.u32 @!p0 s9, $0x5;
	s8 =	sand.u32 @!p0 $0x70, s8  }
0x156: {  	s9 =	sand.u32 @!p0 $0x3FF00, s9;
	s8 =	sadd.s32 @!p0 s5, s8  }
0x157: {  	s10 =	simm.s32 @!p0 $0x180;
	s8 =	sadd.s32 @!p0 s9, s8;
	s9 =	simm.s32 @!p0 $0x0  }
0x158: {  	[tilespmem:s10], [sflag:$0x4] =	stream.linear.gather @!p0 [hbm4b:s8+s9], $0x80, $0x38;
	[tilespmem:$0x1D400] =	vst v63  }
0x159: {  	s8 =	sadd.s32 @!p0 $0x80, s8;
	s10 =	simm.s32 @!p0 $0x380  }
0x15a: {  	[tilespmem:s10], [sflag:$0x4] =	stream.linear.gather @!p0 [hbm4b:s8+s9], $0x80, $0x38;
	[tilespmem:$0x1D400] =	vst v63  }
0x15b: {  	s8 =	simm.s32 $0x0  }
0x15c: {  	v2 =	vld [tilespmem:s8+$0x13180]  }
0x15d: {  	v4 =	vld [tilespmem:s8+$0x13190]  }
0x15e: {  	v5 =	vld [tilespmem:s8+$0x131A0]  }
0x15f: {  	v6 =	vld [tilespmem:s8+$0x131B0]  }
0x160: {  	v0 =	vld [tilespmem:s8+$0x131C0]  }
0x161: {  	v1 =	vld [tilespmem:s8+$0x131D0]  }
0x162: {  	v13 =	vld [tilespmem:s8+$0x13100]  }
0x163: {  	v15 =	vld [tilespmem:s8+$0x13110]  }
0x164: {  	v12 =	vld [tilespmem:s8+$0x13120]  }
0x165: {  	v14 =	vld [tilespmem:s8+$0x13130]  }
0x166: {  	v3 =	vld [tilespmem:s8+$0x13140]  }
0x167: {  	v9 =	vld [tilespmem:s8+$0x13080]  }
0x168: {  	v10 =	vld [tilespmem:s8+$0x13090]  }
0x169: {  	v11 =	vld [tilespmem:s8+$0x13000]  }
0x16a: {  	v17 =	vld [tilespmem:s8+$0x13010]  }
0x16b: {  	v18 =	vld [tilespmem:s8+$0x13020]  }
0x16c: {  	v19 =	vld [tilespmem:s8+$0x13030]  }
0x16d: {  	v20 =	vld [tilespmem:s8+$0x130A0]  }
0x16e: {  	v24 =	vld [tilespmem:s8+$0x130B0]  }
0x16f: {  	v8 =	vimm.f32 $0.0e+00;
	v7 =	vld [tilespmem:s8+$0x13150]  }
0x170: {  	v16 =	vld [tilespmem:s8+$0x130C0];
	v11 =	vadd.f32 v11, v8;
	v22 =	vadd.f32 v17, v8  }
0x171: {  	v17 =	vld [tilespmem:s8+$0x130D0];
	v23 =	vadd.f32 v18, v8;
	v25 =	vadd.f32 v19, v8  }
0x172: {  	v18 =	vld [tilespmem:s8+$0x13040];
	v21 =	vadd.f32 v9, v11;
	v22 =	vadd.f32 v10, v22  }
0x173: {  	v19 =	vld [tilespmem:s8+$0x13050];
	v23 =	vadd.f32 v20, v23;
	v24 =	vadd.f32 v24, v25  }
0x174: {  	s9 =	simm.s32 $0x800;
	v20 =	vld [tilespmem:s8+$0x13060];
	v11 =	vimm.f32 $0.0e+00;
	v10 =	vimm.f32 $0.0e+00;
	v9 =	vimm.f32 $0.0e+00  }
.LBB2_9:
0x175: {  	p0 =	sne.s32 s9, $0x18800;
	v25 =	vld [tilespmem:s8+$0x13070];
	v13 =	vadd.f32 v13, v21;
	v15 =	vadd.f32 v15, v22  }
0x176: {  	v21 =	vld [tilespmem:s8+$0x130E0];
	v12 =	vadd.f32 v12, v23;
	v14 =	vadd.f32 v14, v24  }
0x177: {  	v22 =	vld [tilespmem:s8+$0x130F0];
	v23 =	vadd.f32 v2, v13;
	v24 =	vadd.f32 v4, v15  }
0x178: {  	v13 =	vld [tilespmem:s8+$0x13160];
	v26 =	vadd.f32 v5, v12;
	v27 =	vadd.f32 v6, v14  }
0x179: {  	v2 =	vadd.f32 v18, v8;
	v4 =	vadd.f32 v19, v11;
	v6 =	vld [tilespmem:s8+$0x13170]  }
0x17a: {  	v5 =	vadd.f32 v20, v10;
	v8 =	vadd.f32 v25, v9;
	v9 =	vld [tilespmem:s8+$0x131E0]  }
0x17b: {  	v10 =	vadd.f32 v16, v2;
	v11 =	vadd.f32 v17, v4;
	v12 =	vld [tilespmem:s8+$0x131F0];
	s8 =	sshra.s32 s9, $0x2  }
0x17c: {  	v14 =	vadd.f32 v21, v5;
	v2 =	vld [tilespmem:s8+$0x13180];
	v8 =	vadd.f32 v22, v8  }
0x17d: {  	v3 =	vadd.f32 v3, v10;
	v7 =	vadd.f32 v7, v11;
	v4 =	vld [tilespmem:s8+$0x13190]  }
0x17e: {  	v10 =	vadd.f32 v13, v14;
	v5 =	vld [tilespmem:s8+$0x131A0];
	v13 =	vadd.f32 v6, v8  }
0x17f: {  	v8 =	vadd.f32 v0, v3;
	v11 =	vadd.f32 v1, v7;
	v6 =	vld [tilespmem:s8+$0x131B0]  }
0x180: {  	v10 =	vadd.f32 v9, v10;
	v0 =	vld [tilespmem:s8+$0x131C0];
	v9 =	vadd.f32 v12, v13  }
0x181: {  	v1 =	vld [tilespmem:s8+$0x131D0]  }
0x182: {  	v13 =	vld [tilespmem:s8+$0x13100]  }
0x183: {  	v15 =	vld [tilespmem:s8+$0x13110]  }
0x184: {  	v12 =	vld [tilespmem:s8+$0x13120]  }
0x185: {  	v14 =	vld [tilespmem:s8+$0x13130]  }
0x186: {  	v3 =	vld [tilespmem:s8+$0x13140]  }
0x187: {  	v7 =	vld [tilespmem:s8+$0x13150]  }
0x188: {  	v20 =	vld [tilespmem:s8+$0x13080]  }
0x189: {  	v22 =	vld [tilespmem:s8+$0x13090]  }
0x18a: {  	v17 =	vld [tilespmem:s8+$0x13000]  }
0x18b: {  	v18 =	vld [tilespmem:s8+$0x13010]  }
0x18c: {  	v19 =	vld [tilespmem:s8+$0x13020]  }
0x18d: {  	v21 =	vld [tilespmem:s8+$0x13030]  }
0x18e: {  	v25 =	vld [tilespmem:s8+$0x130A0]  }
0x18f: {  	v28 =	vld [tilespmem:s8+$0x130B0]  }
.Ltmp3:
0x190: {  	v16 =	vld [tilespmem:s8+$0x130C0];
	(pc) =	sbr.rel @p0 .LBB2_9-.Ltmp3, $4  }
0x191: {  	v23 =	vadd.f32 v17, v23;
	v24 =	vadd.f32 v18, v24;
	v17 =	vld [tilespmem:s8+$0x130D0]  }
0x192: {  	v26 =	vadd.f32 v19, v26;
	v27 =	vadd.f32 v21, v27;
	v18 =	vld [tilespmem:s8+$0x13040]  }
0x193: {  	v21 =	vadd.f32 v20, v23;
	v22 =	vadd.f32 v22, v24;
	v19 =	vld [tilespmem:s8+$0x13050]  }
0x194: {  	s9 =	sadd.s32 $0x800, s9;
	v23 =	vadd.f32 v25, v26;
	v20 =	vld [tilespmem:s8+$0x13060];
	v24 =	vadd.f32 v28, v27  }
0x195: {  	v13 =	vadd.f32 v13, v21;
	v15 =	vadd.f32 v15, v22  }
0x196: {  	v25 =	vld [tilespmem:s8+$0x13070];
	v12 =	vadd.f32 v12, v23;
	v14 =	vadd.f32 v14, v24  }
0x197: {  	v54 =	vld [tilespmem:s8+$0x130E0];
	v2 =	vadd.f32 v2, v13;
	v4 =	vadd.f32 v4, v15  }
0x198: {  	v55 =	vld [tilespmem:s8+$0x130F0];
	v8 =	vadd.f32 v18, v8;
	v5 =	vadd.f32 v5, v12  }
0x199: {  	v56 =	vld [tilespmem:s8+$0x13160];
	v6 =	vadd.f32 v6, v14;
	v11 =	vadd.f32 v19, v11  }
0x19a: {  	v57 =	vld [tilespmem:s8+$0x13170];
	v10 =	vadd.f32 v20, v10;
	v8 =	vadd.f32 v16, v8  }
0x19b: {  	v58 =	vld [tilespmem:s8+$0x131E0];
	v9 =	vadd.f32 v25, v9;
	v11 =	vadd.f32 v17, v11  }
0x19c: {  	v59 =	vld [tilespmem:s8+$0x131F0];
	[tilespmem:s7+$0x19580] =	vst v2;
	v10 =	vadd.f32 v54, v10;
	v3 =	vadd.f32 v3, v8  }
0x19d: {  	s20 =	sadd.s32 $0x1, s20;
	[tilespmem:s7+$0x19590] =	vst v4;
	v60 =	vadd.f32 v55, v9;
	v7 =	vadd.f32 v7, v11  }
0x19e: {  	p0 =	sne.s32 s20, $0x20;
	[tilespmem:s7+$0x195A0] =	vst v5;
	v61 =	vadd.f32 v56, v10;
	v0 =	vadd.f32 v0, v3  }
.Ltmp4:
0x19f: {  	[tilespmem:s7+$0x195B0] =	vst v6;
	v2 =	vadd.f32 v57, v60;
	v1 =	vadd.f32 v1, v7;
	(pc) =	sbr.rel @p0 .LBB2_2-.Ltmp4, $4  }
0x1a0: {  	v62 =	vadd.f32 v58, v61;
	[tilespmem:s7+$0x195C0] =	vst v0  }
0x1a1: {  	v63 =	vadd.f32 v59, v2;
	[tilespmem:s7+$0x195D0] =	vst v1  }
0x1a2: {  	[tilespmem:s7+$0x195E0] =	vst v62  }
0x1a3: {  	[tilespmem:s7+$0x195F0] =	vst v63  }
0x1a4: {  	s7 =	rddreg [dreg:$0x7];
	s8 =	simm.s32 $0x19400  }
0x1a5: {  	[hbm4b:s7+s3] =	stream.linear.scatter [tilespmem:s8], [sflag:$0x9], $0x4000, $0x38;
	[tilespmem:$0x1D400] =	vst v63  }
0x1a6: {  	_ =	swait.ge [sflag:s18], $0x4000  }
0x1a7: {  	s19 =	sadd.s32 $0x1, s19;
	s20 =	rddreg [dreg:$0x8]  }
0x1a8: {  	p0 =	sne.s32 s19, s20  }
.Ltmp5:
0x1a9: {  	_ = 	snop;
	(pc) =	sbr.rel @p0 .LBB2_1-.Ltmp5, $3  }
0x1aa: {  	_ =	sdelay $0x1  }
0x1ab: {  	[sflag:s18] =	ssyncset.done $0x0  }
0x1ac: {  	[sflag:s18] =	ssyncadd.s32 $0xFFFFC000  }
0x1ad: {  	_ =	sfence.sel $0x180000  }
0x1ae: {  	[bflag:$0x0] =	sbarrier.arrive $0xFFFF  }
0x1af: {  	_ =	strace $0x90000047  }
0x1b0: {  	s0 =	stileid.u32;
	[bflag:$0x2] =	sbarrier.arrive $0xFFFF  }
0x1b1: {  	p0 =	sne.s32 s0, $0x0;
	s0 =	rddreg [dreg:$0x3]  }
0x1b2: {  	s0 =	sadd.s32 @!p0 $0x100000, s0  }
0x1b3: {  	[sflag:s0] =	ssyncadd.tile.s32 @!p0 $0x1;
	_ =	shalt  }
.Lfunc_end2:
_tile_overlayer_lowered:
.L_overlay_start_2:
0x1b4: {  	(tag) =	ssettag $0x2  }
0x1b5: {  	s0 =	rddreg [dreg:$0x0];
	s2 =	stileid.u32  }
0x1b6: {  	s1 =	rddreg [dreg:$0x1];
	p0 =	sne.s32 s2, $0x0  }
0x1b7: {  	s3 =	rddreg [dreg:$0x2];
	[bflag:$0x3] =	sbarrier.arrive $0xFFFF;
	s2 =	simm.s32 @!p0 $0x1C09  }
0x1b8: {  	[timem:s3], [sflag:s2] =	dma.local @!p0 [hbm:s0], s1  }
0x1b9: {  	s0 =	simm.s32 @!p0 $0x9  }
0x1ba: {  	_ =	swait.ge @!p0 [sflag:s0], s1  }
0x1bb: {  	s1 =	ssub.s32 @!p0 $0x0, s1;
	[sflag:s0] =	ssyncset.done @!p0 $0x0  }
0x1bc: {  	[sflag:s0] =	ssyncadd.s32 @!p0 s1  }
0x1bd: {  	[bflag:$0x3] =	sbarrier.arrive $0xFFFF  }
0x1be: {  	_ =	shalt  }

</sc_bundles>
